<compile_context>
chip_gen: v7x
topology: tpu7x:2x2x1
jax: 0.10.2.dev20260603
libtpu: 0.0.44.dev20260713+nightly
codegen_flags: <defaults>
</compile_context>

<pallas_src>
import functools

import jax
import jax.numpy as jnp
from jax import lax
from jax.experimental import pallas as pl
from jax.experimental.pallas import tpu as pltpu
from jax.experimental.pallas import tpu_sc as plsc

_NUM_CORES = 2
_NUM_SUBCORES = 16
_NUM_WORKERS = _NUM_CORES * _NUM_SUBCORES


@functools.partial(jax.jit, static_argnums=(2,))
def _sc_gather(idx_ts, weight, T):
    S = idx_ts.shape[1]
    D = weight.shape[1]
    TT = (T + 7) // 8
    SC = S // (64 * _NUM_WORKERS)
    NU = SC * TT
    R = 8 * 64
    mesh = plsc.VectorSubcoreMesh(core_axis_name="c", subcore_axis_name="s")

    @functools.partial(
        pl.kernel,
        mesh=mesh,
        out_type=jax.ShapeDtypeStruct((S, TT * 8 * 128), jnp.float32),
        scratch_types=[
            pltpu.VMEM((T, 64 * SC), jnp.int32),
            pltpu.VMEM((NU * R,), jnp.int32),
            pltpu.VMEM((R, D), jnp.float32),
            pltpu.VMEM((R, D), jnp.float32),
            pltpu.SemaphoreType.DMA,
            pltpu.SemaphoreType.DMA,
            pltpu.SemaphoreType.DMA,
        ],
        compiler_params=pltpu.CompilerParams(
            use_tc_tiling_on_sc=False, needs_layout_passes=False),
    )
    def k(idx_hbm, table_hbm, out_hbm, panel, aidx, rows0, rows1,
          g0, g1, ws):
        wid = lax.axis_index("s") * _NUM_CORES + lax.axis_index("c")
        rows = (rows0, rows1)
        gsem = (g0, g1)

        pltpu.sync_copy(idx_hbm.at[:, pl.ds(wid * 64 * SC, 64 * SC)], panel)

        def arrange(u, carry):
            th = u // SC
            sb = u % SC
            for tl in range(8):
                trow = jnp.minimum(8 * th + tl, T - 1)
                for kk in range(4):
                    aidx[pl.ds(u * R + tl * 64 + kk * 16, 16)] = (
                        panel[trow, pl.ds(sb * 64 + kk * 16, 16)])
            return carry
        lax.fori_loop(0, NU, arrange, 0)

        def start_gather(u, p):
            pltpu.async_copy(table_hbm.at[aidx.at[pl.ds(u * R, R)]],
                             rows[p], gsem[p])

        def wait_gather(u, p):
            pltpu.make_async_copy(table_hbm.at[aidx.at[pl.ds(u * R, R)]],
                                  rows[p], gsem[p]).wait()

        def write_copy(u, p, tl):
            th = u // SC
            sb = u % SC
            s0 = (wid * SC + sb) * 64
            return pltpu.make_async_copy(
                rows[p].at[pl.ds(tl * 64, 64)],
                out_hbm.at[pl.ds(s0, 64), pl.ds((th * 8 + tl) * 128, D)],
                ws)

        start_gather(0, 0)

        def body(i, carry):
            for p in range(2):
                u = 2 * i + p

                @pl.when(u + 1 < NU)
                def _():
                    start_gather(u + 1, 1 - p)

                wait_gather(u, p)

                write_copy(u, p, 0).start()
                for tl in range(1, 8):
                    write_copy(u, p, tl).start()
                    write_copy(u, p, tl - 1).wait()
                write_copy(u, p, 7).wait()
            return carry

        lax.fori_loop(0, NU // 2, body, 0)

    return k(idx_ts, weight)


def kernel(token_ids, weight):
    S, T = token_ids.shape
    D = weight.shape[1]
    idx_ts = token_ids.T.astype(jnp.int32)
    a = _sc_gather(idx_ts, weight, T)
    return a.reshape(S, 56, 128)[:, :T, :D]

# --- scband reference (transcript-rebuilt; emitter-appended) ---
"""Pipeline reference for scband-my-embedding-21406117004141 (READ-ONLY COPY).

The authoritative reference and input builder live on the scoring server;
editing this copy changes nothing except your own understanding.
"""

import jax, jax.numpy as jnp
import numpy as np

NUM_EMBEDDINGS = 1000000
EMBEDDING_DIM = 64

def setup_inputs(seed: int = 0) -> dict:
    key = jax.random.key(seed)
    k_idx, k_w = jax.random.split(key)
    token_ids = jax.random.randint(k_idx, (16384, 50), 0, NUM_EMBEDDINGS, dtype=jnp.int64 if jax.config.jax_enable_x64 else jnp.int32)
    weight = jax.random.normal(k_w, (NUM_EMBEDDINGS, EMBEDDING_DIM), dtype=jnp.float32)
    return {"token_ids": token_ids, "weight": weight}

def reference(token_ids, weight):
    # weight[token_ids] -> embedding gather
    return jnp.take(weight, token_ids, axis=0)

if __name__ == "__main__":
    import jax
    _d = setup_inputs()
    print(jax.jit(kernel)(*tuple(_d.values())))

</pallas_src>

<mosaic_0001>
#map = affine_map<(d0, d1) -> (0, 0)>
module attributes {stable_mosaic.version = 14 : i64} {
  func.func @k(%arg0: i32, %arg1: i32, %arg2: memref<50x16384xi32, #tpu.memory_space<hbm>>, %arg3: memref<1000000x64xf32, #tpu.memory_space<hbm>>, %arg4: memref<16384x7168xf32, #tpu.memory_space<hbm>>, %arg5: memref<50x512xi32, #tpu.memory_space<vmem>>, %arg6: memref<28672xi32, #tpu.memory_space<vmem>>, %arg7: memref<512x64xf32, #tpu.memory_space<vmem>>, %arg8: memref<512x64xf32, #tpu.memory_space<vmem>>, %arg9: memref<!tpu.dma_semaphore, #tpu.memory_space<semaphore_mem>>, %arg10: memref<!tpu.dma_semaphore, #tpu.memory_space<semaphore_mem>>, %arg11: memref<!tpu.dma_semaphore, #tpu.memory_space<semaphore_mem>>) attributes {dimension_semantics = [#tpu.dimension_semantics<core_parallel>, #tpu.dimension_semantics<subcore_parallel>], iteration_bounds = array<i64: 2, 16>, scalar_prefetch = 0 : i64, scratch_operands = 7 : i64, tpu.core_type = #tpu.core_type<sc_vector_subcore>, window_params = [{transform_indices = #map}, {transform_indices = #map}, {transform_indices = #map}]} {
    %mul3A = arith.constant 2 : i32
    %mul3A_0 = arith.muli %arg1, %mul3A : i32
    %add3A = arith.addi %mul3A_0, %arg0 : i32
    %mul3A_1 = arith.constant 64 : i32
    %mul3A_2 = arith.muli %add3A, %mul3A_1 : i32
    %mul3A_3 = arith.constant 8 : i32
    %mul3A_4 = arith.muli %mul3A_2, %mul3A_3 : i32
    "tpu.region"() ({
      %run_scoped3A = tpu.sem_alloc : memref<!tpu.dma_semaphore, #tpu.memory_space<semaphore_mem>>
      %dma_start3A_20 = arith.constant 0 : i32
      %dma_start3A_21 = tpu.memref_slice %arg2[%dma_start3A_20, %mul3A_4] : memref<50x16384xi32, #tpu.memory_space<hbm>> -> memref<50x512xi32, #tpu.memory_space<hbm>>
      %dma_start3A_22 = arith.constant 0 : i32
      %dma_start3A_23 = tpu.memref_slice %arg2[%dma_start3A_22, %mul3A_4] : memref<50x16384xi32, #tpu.memory_space<hbm>> -> memref<50x512xi32, #tpu.memory_space<hbm>>
      tpu.enqueue_dma source(%dma_start3A_23 : memref<50x512xi32, #tpu.memory_space<hbm>>) target(%arg5 : memref<50x512xi32, #tpu.memory_space<vmem>>) target_semaphore(%run_scoped3A : memref<!tpu.dma_semaphore, #tpu.memory_space<semaphore_mem>>)
      %dma_wait3A = arith.constant 0 : i32
      %dma_wait3A_24 = tpu.memref_slice %arg2[%dma_wait3A, %mul3A_4] : memref<50x16384xi32, #tpu.memory_space<hbm>> -> memref<50x512xi32, #tpu.memory_space<hbm>>
      %dma_wait3A_25 = arith.constant 0 : i32
      %dma_wait3A_26 = tpu.memref_slice %arg2[%dma_wait3A_25, %mul3A_4] : memref<50x16384xi32, #tpu.memory_space<hbm>> -> memref<50x512xi32, #tpu.memory_space<hbm>>
      tpu.wait_dma2 semaphore(%run_scoped3A : memref<!tpu.dma_semaphore, #tpu.memory_space<semaphore_mem>>) src(%dma_wait3A_26 : memref<50x512xi32, #tpu.memory_space<hbm>>) dst(%arg5 : memref<50x512xi32, #tpu.memory_space<vmem>>)
      tpu.yield
    }) : () -> ()
    %scan3A = arith.constant 0 : i32
    %scan3A_5 = arith.constant 0 : i32
    %scan3A_6 = arith.constant 56 : i32
    %scan3A_7 = arith.addi %scan3A_5, %scan3A_6 : i32
    %scan3A_8 = arith.constant 1 : i32
    scf.for %scan3A_20 = %scan3A_5 to %scan3A_7 step %scan3A_8  : i32 {
      %jit3A = arith.constant 8 : i32
      %div3A = arith.divsi %scan3A_20, %jit3A : i32
      %sign3A = arith.constant 0 : i32
      %sign3A_21 = arith.cmpi sgt, %scan3A_20, %sign3A : i32
      %sign3A_22 = arith.extui %sign3A_21 : i1 to i32
      %sign3A_23 = arith.constant 0 : i32
      %sign3A_24 = arith.cmpi slt, %scan3A_20, %sign3A_23 : i32
      %sign3A_25 = arith.extui %sign3A_24 : i1 to i32
      %sign3A_26 = arith.subi %sign3A_22, %sign3A_25 : i32
      %sign3A_27 = arith.constant 0 : i32
      %sign3A_28 = arith.cmpi sgt, %jit3A, %sign3A_27 : i32
      %sign3A_29 = arith.extui %sign3A_28 : i1 to i32
      %sign3A_30 = arith.constant 0 : i32
      %sign3A_31 = arith.cmpi slt, %jit3A, %sign3A_30 : i32
      %sign3A_32 = arith.extui %sign3A_31 : i1 to i32
      %sign3A_33 = arith.subi %sign3A_29, %sign3A_32 : i32
      %ne3A = arith.cmpi ne, %sign3A_26, %sign3A_33 : i32
      %rem3A = arith.remsi %scan3A_20, %jit3A : i32
      %ne3A_34 = arith.constant 0 : i32
      %ne3A_35 = arith.cmpi ne, %rem3A, %ne3A_34 : i32
      %and3A = arith.andi %ne3A, %ne3A_35 : i1
      %sub3A = arith.constant 1 : i32
      %sub3A_36 = arith.subi %div3A, %sub3A : i32
      %select_n3A = arith.select %and3A, %sub3A_36, %div3A : i32
      %jit3A_37 = arith.constant 8 : i32
      %eq3A = arith.constant 0 : i32
      %eq3A_38 = arith.cmpi eq, %jit3A_37, %eq3A : i32
      %jit3A_39 = arith.constant 1 : i32
      %select_n3A_40 = arith.select %eq3A_38, %jit3A_39, %jit3A_37 : i32
      %rem3A_41 = arith.remsi %scan3A_20, %select_n3A_40 : i32
      %ne3A_42 = arith.constant 0 : i32
      %ne3A_43 = arith.cmpi ne, %rem3A_41, %ne3A_42 : i32
      %lt3A = arith.constant 0 : i32
      %lt3A_44 = arith.cmpi slt, %rem3A_41, %lt3A : i32
      %lt3A_45 = arith.constant 0 : i32
      %lt3A_46 = arith.cmpi slt, %select_n3A_40, %lt3A_45 : i32
      %ne3A_47 = arith.xori %lt3A_44, %lt3A_46 : i1
      %and3A_48 = arith.andi %ne3A_47, %ne3A_43 : i1
      %add3A_49 = arith.addi %rem3A_41, %select_n3A_40 : i32
      %select_n3A_50 = arith.select %and3A_48, %add3A_49, %rem3A_41 : i32
      %mul3A_51 = arith.constant 8 : i32
      %mul3A_52 = arith.muli %mul3A_51, %select_n3A : i32
      %add3A_53 = arith.constant 0 : i32
      %add3A_54 = arith.addi %mul3A_52, %add3A_53 : i32
      %min3A = arith.constant 49 : i32
      %min3A_55 = arith.minsi %add3A_54, %min3A : i32
      %mul3A_56 = arith.constant 64 : i32
      %mul3A_57 = arith.muli %select_n3A_50, %mul3A_56 : i32
      %add3A_58 = arith.constant 0 : i32
      %add3A_59 = arith.addi %mul3A_57, %add3A_58 : i32
      %get3A = arith.index_cast %min3A_55 : i32 to index
      %get3A_60 = arith.index_cast %add3A_59 : i32 to index
      %get3A_61 = tpu.vector_load %arg5[%get3A, %get3A_60] {strides = array<i32>} : memref<50x512xi32, #tpu.memory_space<vmem>>, vector<16xi32>,
      %mul3A_62 = arith.constant 512 : i32
      %mul3A_63 = arith.muli %scan3A_20, %mul3A_62 : i32
      %add3A_64 = arith.constant 0 : i32
      %add3A_65 = arith.addi %mul3A_63, %add3A_64 : i32
      %add3A_66 = arith.constant 0 : i32
      %add3A_67 = arith.addi %add3A_65, %add3A_66 : i32
      %swap3A = arith.index_cast %add3A_67 : i32 to index
      %swap3A_68 = tpu.vector_load %arg6[%swap3A] {strides = array<i32>} : memref<28672xi32, #tpu.memory_space<vmem>>, vector<16xi32>,
      tpu.vector_store %arg6[%swap3A], %get3A_61 {strides = array<i32>} : memref<28672xi32, #tpu.memory_space<vmem>>, vector<16xi32>,
      %mul3A_69 = arith.constant 64 : i32
      %mul3A_70 = arith.muli %select_n3A_50, %mul3A_69 : i32
      %add3A_71 = arith.constant 16 : i32
      %add3A_72 = arith.addi %mul3A_70, %add3A_71 : i32
      %get3A_73 = arith.index_cast %min3A_55 : i32 to index
      %get3A_74 = arith.index_cast %add3A_72 : i32 to index
      %get3A_75 = tpu.vector_load %arg5[%get3A_73, %get3A_74] {strides = array<i32>} : memref<50x512xi32, #tpu.memory_space<vmem>>, vector<16xi32>,
      %mul3A_76 = arith.constant 512 : i32
      %mul3A_77 = arith.muli %scan3A_20, %mul3A_76 : i32
      %add3A_78 = arith.constant 0 : i32
      %add3A_79 = arith.addi %mul3A_77, %add3A_78 : i32
      %add3A_80 = arith.constant 16 : i32
      %add3A_81 = arith.addi %add3A_79, %add3A_80 : i32
      %swap3A_82 = arith.index_cast %add3A_81 : i32 to index
      %swap3A_83 = tpu.vector_load %arg6[%swap3A_82] {strides = array<i32>} : memref<28672xi32, #tpu.memory_space<vmem>>, vector<16xi32>,
      tpu.vector_store %arg6[%swap3A_82], %get3A_75 {strides = array<i32>} : memref<28672xi32, #tpu.memory_space<vmem>>, vector<16xi32>,
      %mul3A_84 = arith.constant 64 : i32
      %mul3A_85 = arith.muli %select_n3A_50, %mul3A_84 : i32
      %add3A_86 = arith.constant 32 : i32
      %add3A_87 = arith.addi %mul3A_85, %add3A_86 : i32
      %get3A_88 = arith.index_cast %min3A_55 : i32 to index
      %get3A_89 = arith.index_cast %add3A_87 : i32 to index
      %get3A_90 = tpu.vector_load %arg5[%get3A_88, %get3A_89] {strides = array<i32>} : memref<50x512xi32, #tpu.memory_space<vmem>>, vector<16xi32>,
      %mul3A_91 = arith.constant 512 : i32
      %mul3A_92 = arith.muli %scan3A_20, %mul3A_91 : i32
      %add3A_93 = arith.constant 0 : i32
      %add3A_94 = arith.addi %mul3A_92, %add3A_93 : i32
      %add3A_95 = arith.constant 32 : i32
      %add3A_96 = arith.addi %add3A_94, %add3A_95 : i32
      %swap3A_97 = arith.index_cast %add3A_96 : i32 to index
      %swap3A_98 = tpu.vector_load %arg6[%swap3A_97] {strides = array<i32>} : memref<28672xi32, #tpu.memory_space<vmem>>, vector<16xi32>,
      tpu.vector_store %arg6[%swap3A_97], %get3A_90 {strides = array<i32>} : memref<28672xi32, #tpu.memory_space<vmem>>, vector<16xi32>,
      %mul3A_99 = arith.constant 64 : i32
      %mul3A_100 = arith.muli %select_n3A_50, %mul3A_99 : i32
      %add3A_101 = arith.constant 48 : i32
      %add3A_102 = arith.addi %mul3A_100, %add3A_101 : i32
      %get3A_103 = arith.index_cast %min3A_55 : i32 to index
      %get3A_104 = arith.index_cast %add3A_102 : i32 to index
      %get3A_105 = tpu.vector_load %arg5[%get3A_103, %get3A_104] {strides = array<i32>} : memref<50x512xi32, #tpu.memory_space<vmem>>, vector<16xi32>,
      %mul3A_106 = arith.constant 512 : i32
      %mul3A_107 = arith.muli %scan3A_20, %mul3A_106 : i32
      %add3A_108 = arith.constant 0 : i32
      %add3A_109 = arith.addi %mul3A_107, %add3A_108 : i32
      %add3A_110 = arith.constant 48 : i32
      %add3A_111 = arith.addi %add3A_109, %add3A_110 : i32
      %swap3A_112 = arith.index_cast %add3A_111 : i32 to index
      %swap3A_113 = tpu.vector_load %arg6[%swap3A_112] {strides = array<i32>} : memref<28672xi32, #tpu.memory_space<vmem>>, vector<16xi32>,
      tpu.vector_store %arg6[%swap3A_112], %get3A_105 {strides = array<i32>} : memref<28672xi32, #tpu.memory_space<vmem>>, vector<16xi32>,
      %mul3A_114 = arith.constant 8 : i32
      %mul3A_115 = arith.muli %mul3A_114, %select_n3A : i32
      %add3A_116 = arith.constant 1 : i32
      %add3A_117 = arith.addi %mul3A_115, %add3A_116 : i32
      %min3A_118 = arith.constant 49 : i32
      %min3A_119 = arith.minsi %add3A_117, %min3A_118 : i32
      %mul3A_120 = arith.constant 64 : i32
      %mul3A_121 = arith.muli %select_n3A_50, %mul3A_120 : i32
      %add3A_122 = arith.constant 0 : i32
      %add3A_123 = arith.addi %mul3A_121, %add3A_122 : i32
      %get3A_124 = arith.index_cast %min3A_119 : i32 to index
      %get3A_125 = arith.index_cast %add3A_123 : i32 to index
      %get3A_126 = tpu.vector_load %arg5[%get3A_124, %get3A_125] {strides = array<i32>} : memref<50x512xi32, #tpu.memory_space<vmem>>, vector<16xi32>,
      %mul3A_127 = arith.constant 512 : i32
      %mul3A_128 = arith.muli %scan3A_20, %mul3A_127 : i32
      %add3A_129 = arith.constant 64 : i32
      %add3A_130 = arith.addi %mul3A_128, %add3A_129 : i32
      %add3A_131 = arith.constant 0 : i32
      %add3A_132 = arith.addi %add3A_130, %add3A_131 : i32
      %swap3A_133 = arith.index_cast %add3A_132 : i32 to index
      %swap3A_134 = tpu.vector_load %arg6[%swap3A_133] {strides = array<i32>} : memref<28672xi32, #tpu.memory_space<vmem>>, vector<16xi32>,
      tpu.vector_store %arg6[%swap3A_133], %get3A_126 {strides = array<i32>} : memref<28672xi32, #tpu.memory_space<vmem>>, vector<16xi32>,
      %mul3A_135 = arith.constant 64 : i32
      %mul3A_136 = arith.muli %select_n3A_50, %mul3A_135 : i32
      %add3A_137 = arith.constant 16 : i32
      %add3A_138 = arith.addi %mul3A_136, %add3A_137 : i32
      %get3A_139 = arith.index_cast %min3A_119 : i32 to index
      %get3A_140 = arith.index_cast %add3A_138 : i32 to index
      %get3A_141 = tpu.vector_load %arg5[%get3A_139, %get3A_140] {strides = array<i32>} : memref<50x512xi32, #tpu.memory_space<vmem>>, vector<16xi32>,
      %mul3A_142 = arith.constant 512 : i32
      %mul3A_143 = arith.muli %scan3A_20, %mul3A_142 : i32
      %add3A_144 = arith.constant 64 : i32
      %add3A_145 = arith.addi %mul3A_143, %add3A_144 : i32
      %add3A_146 = arith.constant 16 : i32
      %add3A_147 = arith.addi %add3A_145, %add3A_146 : i32
      %swap3A_148 = arith.index_cast %add3A_147 : i32 to index
      %swap3A_149 = tpu.vector_load %arg6[%swap3A_148] {strides = array<i32>} : memref<28672xi32, #tpu.memory_space<vmem>>, vector<16xi32>,
      tpu.vector_store %arg6[%swap3A_148], %get3A_141 {strides = array<i32>} : memref<28672xi32, #tpu.memory_space<vmem>>, vector<16xi32>,
      %mul3A_150 = arith.constant 64 : i32
      %mul3A_151 = arith.muli %select_n3A_50, %mul3A_150 : i32
      %add3A_152 = arith.constant 32 : i32
      %add3A_153 = arith.addi %mul3A_151, %add3A_152 : i32
      %get3A_154 = arith.index_cast %min3A_119 : i32 to index
      %get3A_155 = arith.index_cast %add3A_153 : i32 to index
      %get3A_156 = tpu.vector_load %arg5[%get3A_154, %get3A_155] {strides = array<i32>} : memref<50x512xi32, #tpu.memory_space<vmem>>, vector<16xi32>,
      %mul3A_157 = arith.constant 512 : i32
      %mul3A_158 = arith.muli %scan3A_20, %mul3A_157 : i32
      %add3A_159 = arith.constant 64 : i32
      %add3A_160 = arith.addi %mul3A_158, %add3A_159 : i32
      %add3A_161 = arith.constant 32 : i32
      %add3A_162 = arith.addi %add3A_160, %add3A_161 : i32
      %swap3A_163 = arith.index_cast %add3A_162 : i32 to index
      %swap3A_164 = tpu.vector_load %arg6[%swap3A_163] {strides = array<i32>} : memref<28672xi32, #tpu.memory_space<vmem>>, vector<16xi32>,
      tpu.vector_store %arg6[%swap3A_163], %get3A_156 {strides = array<i32>} : memref<28672xi32, #tpu.memory_space<vmem>>, vector<16xi32>,
      %mul3A_165 = arith.constant 64 : i32
      %mul3A_166 = arith.muli %select_n3A_50, %mul3A_165 : i32
      %add3A_167 = arith.constant 48 : i32
      %add3A_168 = arith.addi %mul3A_166, %add3A_167 : i32
      %get3A_169 = arith.index_cast %min3A_119 : i32 to index
      %get3A_170 = arith.index_cast %add3A_168 : i32 to index
      %get3A_171 = tpu.vector_load %arg5[%get3A_169, %get3A_170] {strides = array<i32>} : memref<50x512xi32, #tpu.memory_space<vmem>>, vector<16xi32>,
      %mul3A_172 = arith.constant 512 : i32
      %mul3A_173 = arith.muli %scan3A_20, %mul3A_172 : i32
      %add3A_174 = arith.constant 64 : i32
      %add3A_175 = arith.addi %mul3A_173, %add3A_174 : i32
      %add3A_176 = arith.constant 48 : i32
      %add3A_177 = arith.addi %add3A_175, %add3A_176 : i32
      %swap3A_178 = arith.index_cast %add3A_177 : i32 to index
      %swap3A_179 = tpu.vector_load %arg6[%swap3A_178] {strides = array<i32>} : memref<28672xi32, #tpu.memory_space<vmem>>, vector<16xi32>,
      tpu.vector_store %arg6[%swap3A_178], %get3A_171 {strides = array<i32>} : memref<28672xi32, #tpu.memory_space<vmem>>, vector<16xi32>,
      %mul3A_180 = arith.constant 8 : i32
      %mul3A_181 = arith.muli %mul3A_180, %select_n3A : i32
      %add3A_182 = arith.constant 2 : i32
      %add3A_183 = arith.addi %mul3A_181, %add3A_182 : i32
      %min3A_184 = arith.constant 49 : i32
      %min3A_185 = arith.minsi %add3A_183, %min3A_184 : i32
      %mul3A_186 = arith.constant 64 : i32
      %mul3A_187 = arith.muli %select_n3A_50, %mul3A_186 : i32
      %add3A_188 = arith.constant 0 : i32
      %add3A_189 = arith.addi %mul3A_187, %add3A_188 : i32
      %get3A_190 = arith.index_cast %min3A_185 : i32 to index
      %get3A_191 = arith.index_cast %add3A_189 : i32 to index
      %get3A_192 = tpu.vector_load %arg5[%get3A_190, %get3A_191] {strides = array<i32>} : memref<50x512xi32, #tpu.memory_space<vmem>>, vector<16xi32>,
      %mul3A_193 = arith.constant 512 : i32
      %mul3A_194 = arith.muli %scan3A_20, %mul3A_193 : i32
      %add3A_195 = arith.constant 128 : i32
      %add3A_196 = arith.addi %mul3A_194, %add3A_195 : i32
      %add3A_197 = arith.constant 0 : i32
      %add3A_198 = arith.addi %add3A_196, %add3A_197 : i32
      %swap3A_199 = arith.index_cast %add3A_198 : i32 to index
      %swap3A_200 = tpu.vector_load %arg6[%swap3A_199] {strides = array<i32>} : memref<28672xi32, #tpu.memory_space<vmem>>, vector<16xi32>,
      tpu.vector_store %arg6[%swap3A_199], %get3A_192 {strides = array<i32>} : memref<28672xi32, #tpu.memory_space<vmem>>, vector<16xi32>,
      %mul3A_201 = arith.constant 64 : i32
      %mul3A_202 = arith.muli %select_n3A_50, %mul3A_201 : i32
      %add3A_203 = arith.constant 16 : i32
      %add3A_204 = arith.addi %mul3A_202, %add3A_203 : i32
      %get3A_205 = arith.index_cast %min3A_185 : i32 to index
      %get3A_206 = arith.index_cast %add3A_204 : i32 to index
      %get3A_207 = tpu.vector_load %arg5[%get3A_205, %get3A_206] {strides = array<i32>} : memref<50x512xi32, #tpu.memory_space<vmem>>, vector<16xi32>,
      %mul3A_208 = arith.constant 512 : i32
      %mul3A_209 = arith.muli %scan3A_20, %mul3A_208 : i32
      %add3A_210 = arith.constant 128 : i32
      %add3A_211 = arith.addi %mul3A_209, %add3A_210 : i32
      %add3A_212 = arith.constant 16 : i32
      %add3A_213 = arith.addi %add3A_211, %add3A_212 : i32
      %swap3A_214 = arith.index_cast %add3A_213 : i32 to index
      %swap3A_215 = tpu.vector_load %arg6[%swap3A_214] {strides = array<i32>} : memref<28672xi32, #tpu.memory_space<vmem>>, vector<16xi32>,
      tpu.vector_store %arg6[%swap3A_214], %get3A_207 {strides = array<i32>} : memref<28672xi32, #tpu.memory_space<vmem>>, vector<16xi32>,
      %mul3A_216 = arith.constant 64 : i32
      %mul3A_217 = arith.muli %select_n3A_50, %mul3A_216 : i32
      %add3A_218 = arith.constant 32 : i32
      %add3A_219 = arith.addi %mul3A_217, %add3A_218 : i32
      %get3A_220 = arith.index_cast %min3A_185 : i32 to index
      %get3A_221 = arith.index_cast %add3A_219 : i32 to index
      %get3A_222 = tpu.vector_load %arg5[%get3A_220, %get3A_221] {strides = array<i32>} : memref<50x512xi32, #tpu.memory_space<vmem>>, vector<16xi32>,
      %mul3A_223 = arith.constant 512 : i32
      %mul3A_224 = arith.muli %scan3A_20, %mul3A_223 : i32
      %add3A_225 = arith.constant 128 : i32
      %add3A_226 = arith.addi %mul3A_224, %add3A_225 : i32
      %add3A_227 = arith.constant 32 : i32
      %add3A_228 = arith.addi %add3A_226, %add3A_227 : i32
      %swap3A_229 = arith.index_cast %add3A_228 : i32 to index
      %swap3A_230 = tpu.vector_load %arg6[%swap3A_229] {strides = array<i32>} : memref<28672xi32, #tpu.memory_space<vmem>>, vector<16xi32>,
      tpu.vector_store %arg6[%swap3A_229], %get3A_222 {strides = array<i32>} : memref<28672xi32, #tpu.memory_space<vmem>>, vector<16xi32>,
      %mul3A_231 = arith.constant 64 : i32
      %mul3A_232 = arith.muli %select_n3A_50, %mul3A_231 : i32
      %add3A_233 = arith.constant 48 : i32
      %add3A_234 = arith.addi %mul3A_232, %add3A_233 : i32
      %get3A_235 = arith.index_cast %min3A_185 : i32 to index
      %get3A_236 = arith.index_cast %add3A_234 : i32 to index
      %get3A_237 = tpu.vector_load %arg5[%get3A_235, %get3A_236] {strides = array<i32>} : memref<50x512xi32, #tpu.memory_space<vmem>>, vector<16xi32>,
      %mul3A_238 = arith.constant 512 : i32
      %mul3A_239 = arith.muli %scan3A_20, %mul3A_238 : i32
      %add3A_240 = arith.constant 128 : i32
      %add3A_241 = arith.addi %mul3A_239, %add3A_240 : i32
      %add3A_242 = arith.constant 48 : i32
      %add3A_243 = arith.addi %add3A_241, %add3A_242 : i32
      %swap3A_244 = arith.index_cast %add3A_243 : i32 to index
      %swap3A_245 = tpu.vector_load %arg6[%swap3A_244] {strides = array<i32>} : memref<28672xi32, #tpu.memory_space<vmem>>, vector<16xi32>,
      tpu.vector_store %arg6[%swap3A_244], %get3A_237 {strides = array<i32>} : memref<28672xi32, #tpu.memory_space<vmem>>, vector<16xi32>,
      %mul3A_246 = arith.constant 8 : i32
      %mul3A_247 = arith.muli %mul3A_246, %select_n3A : i32
      %add3A_248 = arith.constant 3 : i32
      %add3A_249 = arith.addi %mul3A_247, %add3A_248 : i32
      %min3A_250 = arith.constant 49 : i32
      %min3A_251 = arith.minsi %add3A_249, %min3A_250 : i32
      %mul3A_252 = arith.constant 64 : i32
      %mul3A_253 = arith.muli %select_n3A_50, %mul3A_252 : i32
      %add3A_254 = arith.constant 0 : i32
      %add3A_255 = arith.addi %mul3A_253, %add3A_254 : i32
      %get3A_256 = arith.index_cast %min3A_251 : i32 to index
      %get3A_257 = arith.index_cast %add3A_255 : i32 to index
      %get3A_258 = tpu.vector_load %arg5[%get3A_256, %get3A_257] {strides = array<i32>} : memref<50x512xi32, #tpu.memory_space<vmem>>, vector<16xi32>,
      %mul3A_259 = arith.constant 512 : i32
      %mul3A_260 = arith.muli %scan3A_20, %mul3A_259 : i32
      %add3A_261 = arith.constant 192 : i32
      %add3A_262 = arith.addi %mul3A_260, %add3A_261 : i32
      %add3A_263 = arith.constant 0 : i32
      %add3A_264 = arith.addi %add3A_262, %add3A_263 : i32
      %swap3A_265 = arith.index_cast %add3A_264 : i32 to index
      %swap3A_266 = tpu.vector_load %arg6[%swap3A_265] {strides = array<i32>} : memref<28672xi32, #tpu.memory_space<vmem>>, vector<16xi32>,
      tpu.vector_store %arg6[%swap3A_265], %get3A_258 {strides = array<i32>} : memref<28672xi32, #tpu.memory_space<vmem>>, vector<16xi32>,
      %mul3A_267 = arith.constant 64 : i32
      %mul3A_268 = arith.muli %select_n3A_50, %mul3A_267 : i32
      %add3A_269 = arith.constant 16 : i32
      %add3A_270 = arith.addi %mul3A_268, %add3A_269 : i32
      %get3A_271 = arith.index_cast %min3A_251 : i32 to index
      %get3A_272 = arith.index_cast %add3A_270 : i32 to index
      %get3A_273 = tpu.vector_load %arg5[%get3A_271, %get3A_272] {strides = array<i32>} : memref<50x512xi32, #tpu.memory_space<vmem>>, vector<16xi32>,
      %mul3A_274 = arith.constant 512 : i32
      %mul3A_275 = arith.muli %scan3A_20, %mul3A_274 : i32
      %add3A_276 = arith.constant 192 : i32
      %add3A_277 = arith.addi %mul3A_275, %add3A_276 : i32
      %add3A_278 = arith.constant 16 : i32
      %add3A_279 = arith.addi %add3A_277, %add3A_278 : i32
      %swap3A_280 = arith.index_cast %add3A_279 : i32 to index
      %swap3A_281 = tpu.vector_load %arg6[%swap3A_280] {strides = array<i32>} : memref<28672xi32, #tpu.memory_space<vmem>>, vector<16xi32>,
      tpu.vector_store %arg6[%swap3A_280], %get3A_273 {strides = array<i32>} : memref<28672xi32, #tpu.memory_space<vmem>>, vector<16xi32>,
      %mul3A_282 = arith.constant 64 : i32
      %mul3A_283 = arith.muli %select_n3A_50, %mul3A_282 : i32
      %add3A_284 = arith.constant 32 : i32
      %add3A_285 = arith.addi %mul3A_283, %add3A_284 : i32
      %get3A_286 = arith.index_cast %min3A_251 : i32 to index
      %get3A_287 = arith.index_cast %add3A_285 : i32 to index
      %get3A_288 = tpu.vector_load %arg5[%get3A_286, %get3A_287] {strides = array<i32>} : memref<50x512xi32, #tpu.memory_space<vmem>>, vector<16xi32>,
      %mul3A_289 = arith.constant 512 : i32
      %mul3A_290 = arith.muli %scan3A_20, %mul3A_289 : i32
      %add3A_291 = arith.constant 192 : i32
      %add3A_292 = arith.addi %mul3A_290, %add3A_291 : i32
      %add3A_293 = arith.constant 32 : i32
      %add3A_294 = arith.addi %add3A_292, %add3A_293 : i32
      %swap3A_295 = arith.index_cast %add3A_294 : i32 to index
      %swap3A_296 = tpu.vector_load %arg6[%swap3A_295] {strides = array<i32>} : memref<28672xi32, #tpu.memory_space<vmem>>, vector<16xi32>,
      tpu.vector_store %arg6[%swap3A_295], %get3A_288 {strides = array<i32>} : memref<28672xi32, #tpu.memory_space<vmem>>, vector<16xi32>,
      %mul3A_297 = arith.constant 64 : i32
      %mul3A_298 = arith.muli %select_n3A_50, %mul3A_297 : i32
      %add3A_299 = arith.constant 48 : i32
      %add3A_300 = arith.addi %mul3A_298, %add3A_299 : i32
      %get3A_301 = arith.index_cast %min3A_251 : i32 to index
      %get3A_302 = arith.index_cast %add3A_300 : i32 to index
      %get3A_303 = tpu.vector_load %arg5[%get3A_301, %get3A_302] {strides = array<i32>} : memref<50x512xi32, #tpu.memory_space<vmem>>, vector<16xi32>,
      %mul3A_304 = arith.constant 512 : i32
      %mul3A_305 = arith.muli %scan3A_20, %mul3A_304 : i32
      %add3A_306 = arith.constant 192 : i32
      %add3A_307 = arith.addi %mul3A_305, %add3A_306 : i32
      %add3A_308 = arith.constant 48 : i32
      %add3A_309 = arith.addi %add3A_307, %add3A_308 : i32
      %swap3A_310 = arith.index_cast %add3A_309 : i32 to index
      %swap3A_311 = tpu.vector_load %arg6[%swap3A_310] {strides = array<i32>} : memref<28672xi32, #tpu.memory_space<vmem>>, vector<16xi32>,
      tpu.vector_store %arg6[%swap3A_310], %get3A_303 {strides = array<i32>} : memref<28672xi32, #tpu.memory_space<vmem>>, vector<16xi32>,
      %mul3A_312 = arith.constant 8 : i32
      %mul3A_313 = arith.muli %mul3A_312, %select_n3A : i32
      %add3A_314 = arith.constant 4 : i32
      %add3A_315 = arith.addi %mul3A_313, %add3A_314 : i32
      %min3A_316 = arith.constant 49 : i32
      %min3A_317 = arith.minsi %add3A_315, %min3A_316 : i32
      %mul3A_318 = arith.constant 64 : i32
      %mul3A_319 = arith.muli %select_n3A_50, %mul3A_318 : i32
      %add3A_320 = arith.constant 0 : i32
      %add3A_321 = arith.addi %mul3A_319, %add3A_320 : i32
      %get3A_322 = arith.index_cast %min3A_317 : i32 to index
      %get3A_323 = arith.index_cast %add3A_321 : i32 to index
      %get3A_324 = tpu.vector_load %arg5[%get3A_322, %get3A_323] {strides = array<i32>} : memref<50x512xi32, #tpu.memory_space<vmem>>, vector<16xi32>,
      %mul3A_325 = arith.constant 512 : i32
      %mul3A_326 = arith.muli %scan3A_20, %mul3A_325 : i32
      %add3A_327 = arith.constant 256 : i32
      %add3A_328 = arith.addi %mul3A_326, %add3A_327 : i32
      %add3A_329 = arith.constant 0 : i32
      %add3A_330 = arith.addi %add3A_328, %add3A_329 : i32
      %swap3A_331 = arith.index_cast %add3A_330 : i32 to index
      %swap3A_332 = tpu.vector_load %arg6[%swap3A_331] {strides = array<i32>} : memref<28672xi32, #tpu.memory_space<vmem>>, vector<16xi32>,
      tpu.vector_store %arg6[%swap3A_331], %get3A_324 {strides = array<i32>} : memref<28672xi32, #tpu.memory_space<vmem>>, vector<16xi32>,
      %mul3A_333 = arith.constant 64 : i32
      %mul3A_334 = arith.muli %select_n3A_50, %mul3A_333 : i32
      %add3A_335 = arith.constant 16 : i32
      %add3A_336 = arith.addi %mul3A_334, %add3A_335 : i32
      %get3A_337 = arith.index_cast %min3A_317 : i32 to index
      %get3A_338 = arith.index_cast %add3A_336 : i32 to index
      %get3A_339 = tpu.vector_load %arg5[%get3A_337, %get3A_338] {strides = array<i32>} : memref<50x512xi32, #tpu.memory_space<vmem>>, vector<16xi32>,
      %mul3A_340 = arith.constant 512 : i32
      %mul3A_341 = arith.muli %scan3A_20, %mul3A_340 : i32
      %add3A_342 = arith.constant 256 : i32
      %add3A_343 = arith.addi %mul3A_341, %add3A_342 : i32
      %add3A_344 = arith.constant 16 : i32
      %add3A_345 = arith.addi %add3A_343, %add3A_344 : i32
      %swap3A_346 = arith.index_cast %add3A_345 : i32 to index
      %swap3A_347 = tpu.vector_load %arg6[%swap3A_346] {strides = array<i32>} : memref<28672xi32, #tpu.memory_space<vmem>>, vector<16xi32>,
      tpu.vector_store %arg6[%swap3A_346], %get3A_339 {strides = array<i32>} : memref<28672xi32, #tpu.memory_space<vmem>>, vector<16xi32>,
      %mul3A_348 = arith.constant 64 : i32
      %mul3A_349 = arith.muli %select_n3A_50, %mul3A_348 : i32
      %add3A_350 = arith.constant 32 : i32
      %add3A_351 = arith.addi %mul3A_349, %add3A_350 : i32
      %get3A_352 = arith.index_cast %min3A_317 : i32 to index
      %get3A_353 = arith.index_cast %add3A_351 : i32 to index
      %get3A_354 = tpu.vector_load %arg5[%get3A_352, %get3A_353] {strides = array<i32>} : memref<50x512xi32, #tpu.memory_space<vmem>>, vector<16xi32>,
      %mul3A_355 = arith.constant 512 : i32
      %mul3A_356 = arith.muli %scan3A_20, %mul3A_355 : i32
      %add3A_357 = arith.constant 256 : i32
      %add3A_358 = arith.addi %mul3A_356, %add3A_357 : i32
      %add3A_359 = arith.constant 32 : i32
      %add3A_360 = arith.addi %add3A_358, %add3A_359 : i32
      %swap3A_361 = arith.index_cast %add3A_360 : i32 to index
      %swap3A_362 = tpu.vector_load %arg6[%swap3A_361] {strides = array<i32>} : memref<28672xi32, #tpu.memory_space<vmem>>, vector<16xi32>,
      tpu.vector_store %arg6[%swap3A_361], %get3A_354 {strides = array<i32>} : memref<28672xi32, #tpu.memory_space<vmem>>, vector<16xi32>,
      %mul3A_363 = arith.constant 64 : i32
      %mul3A_364 = arith.muli %select_n3A_50, %mul3A_363 : i32
      %add3A_365 = arith.constant 48 : i32
      %add3A_366 = arith.addi %mul3A_364, %add3A_365 : i32
      %get3A_367 = arith.index_cast %min3A_317 : i32 to index
      %get3A_368 = arith.index_cast %add3A_366 : i32 to index
      %get3A_369 = tpu.vector_load %arg5[%get3A_367, %get3A_368] {strides = array<i32>} : memref<50x512xi32, #tpu.memory_space<vmem>>, vector<16xi32>,
      %mul3A_370 = arith.constant 512 : i32
      %mul3A_371 = arith.muli %scan3A_20, %mul3A_370 : i32
      %add3A_372 = arith.constant 256 : i32
      %add3A_373 = arith.addi %mul3A_371, %add3A_372 : i32
      %add3A_374 = arith.constant 48 : i32
      %add3A_375 = arith.addi %add3A_373, %add3A_374 : i32
      %swap3A_376 = arith.index_cast %add3A_375 : i32 to index
      %swap3A_377 = tpu.vector_load %arg6[%swap3A_376] {strides = array<i32>} : memref<28672xi32, #tpu.memory_space<vmem>>, vector<16xi32>,
      tpu.vector_store %arg6[%swap3A_376], %get3A_369 {strides = array<i32>} : memref<28672xi32, #tpu.memory_space<vmem>>, vector<16xi32>,
      %mul3A_378 = arith.constant 8 : i32
      %mul3A_379 = arith.muli %mul3A_378, %select_n3A : i32
      %add3A_380 = arith.constant 5 : i32
      %add3A_381 = arith.addi %mul3A_379, %add3A_380 : i32
      %min3A_382 = arith.constant 49 : i32
      %min3A_383 = arith.minsi %add3A_381, %min3A_382 : i32
      %mul3A_384 = arith.constant 64 : i32
      %mul3A_385 = arith.muli %select_n3A_50, %mul3A_384 : i32
      %add3A_386 = arith.constant 0 : i32
      %add3A_387 = arith.addi %mul3A_385, %add3A_386 : i32
      %get3A_388 = arith.index_cast %min3A_383 : i32 to index
      %get3A_389 = arith.index_cast %add3A_387 : i32 to index
      %get3A_390 = tpu.vector_load %arg5[%get3A_388, %get3A_389] {strides = array<i32>} : memref<50x512xi32, #tpu.memory_space<vmem>>, vector<16xi32>,
      %mul3A_391 = arith.constant 512 : i32
      %mul3A_392 = arith.muli %scan3A_20, %mul3A_391 : i32
      %add3A_393 = arith.constant 320 : i32
      %add3A_394 = arith.addi %mul3A_392, %add3A_393 : i32
      %add3A_395 = arith.constant 0 : i32
      %add3A_396 = arith.addi %add3A_394, %add3A_395 : i32
      %swap3A_397 = arith.index_cast %add3A_396 : i32 to index
      %swap3A_398 = tpu.vector_load %arg6[%swap3A_397] {strides = array<i32>} : memref<28672xi32, #tpu.memory_space<vmem>>, vector<16xi32>,
      tpu.vector_store %arg6[%swap3A_397], %get3A_390 {strides = array<i32>} : memref<28672xi32, #tpu.memory_space<vmem>>, vector<16xi32>,
      %mul3A_399 = arith.constant 64 : i32
      %mul3A_400 = arith.muli %select_n3A_50, %mul3A_399 : i32
      %add3A_401 = arith.constant 16 : i32
      %add3A_402 = arith.addi %mul3A_400, %add3A_401 : i32
      %get3A_403 = arith.index_cast %min3A_383 : i32 to index
      %get3A_404 = arith.index_cast %add3A_402 : i32 to index
      %get3A_405 = tpu.vector_load %arg5[%get3A_403, %get3A_404] {strides = array<i32>} : memref<50x512xi32, #tpu.memory_space<vmem>>, vector<16xi32>,
      %mul3A_406 = arith.constant 512 : i32
      %mul3A_407 = arith.muli %scan3A_20, %mul3A_406 : i32
      %add3A_408 = arith.constant 320 : i32
      %add3A_409 = arith.addi %mul3A_407, %add3A_408 : i32
      %add3A_410 = arith.constant 16 : i32
      %add3A_411 = arith.addi %add3A_409, %add3A_410 : i32
      %swap3A_412 = arith.index_cast %add3A_411 : i32 to index
      %swap3A_413 = tpu.vector_load %arg6[%swap3A_412] {strides = array<i32>} : memref<28672xi32, #tpu.memory_space<vmem>>, vector<16xi32>,
      tpu.vector_store %arg6[%swap3A_412], %get3A_405 {strides = array<i32>} : memref<28672xi32, #tpu.memory_space<vmem>>, vector<16xi32>,
      %mul3A_414 = arith.constant 64 : i32
      %mul3A_415 = arith.muli %select_n3A_50, %mul3A_414 : i32
      %add3A_416 = arith.constant 32 : i32
      %add3A_417 = arith.addi %mul3A_415, %add3A_416 : i32
      %get3A_418 = arith.index_cast %min3A_383 : i32 to index
      %get3A_419 = arith.index_cast %add3A_417 : i32 to index
      %get3A_420 = tpu.vector_load %arg5[%get3A_418, %get3A_419] {strides = array<i32>} : memref<50x512xi32, #tpu.memory_space<vmem>>, vector<16xi32>,
      %mul3A_421 = arith.constant 512 : i32
      %mul3A_422 = arith.muli %scan3A_20, %mul3A_421 : i32
      %add3A_423 = arith.constant 320 : i32
      %add3A_424 = arith.addi %mul3A_422, %add3A_423 : i32
      %add3A_425 = arith.constant 32 : i32
      %add3A_426 = arith.addi %add3A_424, %add3A_425 : i32
      %swap3A_427 = arith.index_cast %add3A_426 : i32 to index
      %swap3A_428 = tpu.vector_load %arg6[%swap3A_427] {strides = array<i32>} : memref<28672xi32, #tpu.memory_space<vmem>>, vector<16xi32>,
      tpu.vector_store %arg6[%swap3A_427], %get3A_420 {strides = array<i32>} : memref<28672xi32, #tpu.memory_space<vmem>>, vector<16xi32>,
      %mul3A_429 = arith.constant 64 : i32
      %mul3A_430 = arith.muli %select_n3A_50, %mul3A_429 : i32
      %add3A_431 = arith.constant 48 : i32
      %add3A_432 = arith.addi %mul3A_430, %add3A_431 : i32
      %get3A_433 = arith.index_cast %min3A_383 : i32 to index
      %get3A_434 = arith.index_cast %add3A_432 : i32 to index
      %get3A_435 = tpu.vector_load %arg5[%get3A_433, %get3A_434] {strides = array<i32>} : memref<50x512xi32, #tpu.memory_space<vmem>>, vector<16xi32>,
      %mul3A_436 = arith.constant 512 : i32
      %mul3A_437 = arith.muli %scan3A_20, %mul3A_436 : i32
      %add3A_438 = arith.constant 320 : i32
      %add3A_439 = arith.addi %mul3A_437, %add3A_438 : i32
      %add3A_440 = arith.constant 48 : i32
      %add3A_441 = arith.addi %add3A_439, %add3A_440 : i32
      %swap3A_442 = arith.index_cast %add3A_441 : i32 to index
      %swap3A_443 = tpu.vector_load %arg6[%swap3A_442] {strides = array<i32>} : memref<28672xi32, #tpu.memory_space<vmem>>, vector<16xi32>,
      tpu.vector_store %arg6[%swap3A_442], %get3A_435 {strides = array<i32>} : memref<28672xi32, #tpu.memory_space<vmem>>, vector<16xi32>,
      %mul3A_444 = arith.constant 8 : i32
      %mul3A_445 = arith.muli %mul3A_444, %select_n3A : i32
      %add3A_446 = arith.constant 6 : i32
      %add3A_447 = arith.addi %mul3A_445, %add3A_446 : i32
      %min3A_448 = arith.constant 49 : i32
      %min3A_449 = arith.minsi %add3A_447, %min3A_448 : i32
      %mul3A_450 = arith.constant 64 : i32
      %mul3A_451 = arith.muli %select_n3A_50, %mul3A_450 : i32
      %add3A_452 = arith.constant 0 : i32
      %add3A_453 = arith.addi %mul3A_451, %add3A_452 : i32
      %get3A_454 = arith.index_cast %min3A_449 : i32 to index
      %get3A_455 = arith.index_cast %add3A_453 : i32 to index
      %get3A_456 = tpu.vector_load %arg5[%get3A_454, %get3A_455] {strides = array<i32>} : memref<50x512xi32, #tpu.memory_space<vmem>>, vector<16xi32>,
      %mul3A_457 = arith.constant 512 : i32
      %mul3A_458 = arith.muli %scan3A_20, %mul3A_457 : i32
      %add3A_459 = arith.constant 384 : i32
      %add3A_460 = arith.addi %mul3A_458, %add3A_459 : i32
      %add3A_461 = arith.constant 0 : i32
      %add3A_462 = arith.addi %add3A_460, %add3A_461 : i32
      %swap3A_463 = arith.index_cast %add3A_462 : i32 to index
      %swap3A_464 = tpu.vector_load %arg6[%swap3A_463] {strides = array<i32>} : memref<28672xi32, #tpu.memory_space<vmem>>, vector<16xi32>,
      tpu.vector_store %arg6[%swap3A_463], %get3A_456 {strides = array<i32>} : memref<28672xi32, #tpu.memory_space<vmem>>, vector<16xi32>,
      %mul3A_465 = arith.constant 64 : i32
      %mul3A_466 = arith.muli %select_n3A_50, %mul3A_465 : i32
      %add3A_467 = arith.constant 16 : i32
      %add3A_468 = arith.addi %mul3A_466, %add3A_467 : i32
      %get3A_469 = arith.index_cast %min3A_449 : i32 to index
      %get3A_470 = arith.index_cast %add3A_468 : i32 to index
      %get3A_471 = tpu.vector_load %arg5[%get3A_469, %get3A_470] {strides = array<i32>} : memref<50x512xi32, #tpu.memory_space<vmem>>, vector<16xi32>,
      %mul3A_472 = arith.constant 512 : i32
      %mul3A_473 = arith.muli %scan3A_20, %mul3A_472 : i32
      %add3A_474 = arith.constant 384 : i32
      %add3A_475 = arith.addi %mul3A_473, %add3A_474 : i32
      %add3A_476 = arith.constant 16 : i32
      %add3A_477 = arith.addi %add3A_475, %add3A_476 : i32
      %swap3A_478 = arith.index_cast %add3A_477 : i32 to index
      %swap3A_479 = tpu.vector_load %arg6[%swap3A_478] {strides = array<i32>} : memref<28672xi32, #tpu.memory_space<vmem>>, vector<16xi32>,
      tpu.vector_store %arg6[%swap3A_478], %get3A_471 {strides = array<i32>} : memref<28672xi32, #tpu.memory_space<vmem>>, vector<16xi32>,
      %mul3A_480 = arith.constant 64 : i32
      %mul3A_481 = arith.muli %select_n3A_50, %mul3A_480 : i32
      %add3A_482 = arith.constant 32 : i32
      %add3A_483 = arith.addi %mul3A_481, %add3A_482 : i32
      %get3A_484 = arith.index_cast %min3A_449 : i32 to index
      %get3A_485 = arith.index_cast %add3A_483 : i32 to index
      %get3A_486 = tpu.vector_load %arg5[%get3A_484, %get3A_485] {strides = array<i32>} : memref<50x512xi32, #tpu.memory_space<vmem>>, vector<16xi32>,
      %mul3A_487 = arith.constant 512 : i32
      %mul3A_488 = arith.muli %scan3A_20, %mul3A_487 : i32
      %add3A_489 = arith.constant 384 : i32
      %add3A_490 = arith.addi %mul3A_488, %add3A_489 : i32
      %add3A_491 = arith.constant 32 : i32
      %add3A_492 = arith.addi %add3A_490, %add3A_491 : i32
      %swap3A_493 = arith.index_cast %add3A_492 : i32 to index
      %swap3A_494 = tpu.vector_load %arg6[%swap3A_493] {strides = array<i32>} : memref<28672xi32, #tpu.memory_space<vmem>>, vector<16xi32>,
      tpu.vector_store %arg6[%swap3A_493], %get3A_486 {strides = array<i32>} : memref<28672xi32, #tpu.memory_space<vmem>>, vector<16xi32>,
      %mul3A_495 = arith.constant 64 : i32
      %mul3A_496 = arith.muli %select_n3A_50, %mul3A_495 : i32
      %add3A_497 = arith.constant 48 : i32
      %add3A_498 = arith.addi %mul3A_496, %add3A_497 : i32
      %get3A_499 = arith.index_cast %min3A_449 : i32 to index
      %get3A_500 = arith.index_cast %add3A_498 : i32 to index
      %get3A_501 = tpu.vector_load %arg5[%get3A_499, %get3A_500] {strides = array<i32>} : memref<50x512xi32, #tpu.memory_space<vmem>>, vector<16xi32>,
      %mul3A_502 = arith.constant 512 : i32
      %mul3A_503 = arith.muli %scan3A_20, %mul3A_502 : i32
      %add3A_504 = arith.constant 384 : i32
      %add3A_505 = arith.addi %mul3A_503, %add3A_504 : i32
      %add3A_506 = arith.constant 48 : i32
      %add3A_507 = arith.addi %add3A_505, %add3A_506 : i32
      %swap3A_508 = arith.index_cast %add3A_507 : i32 to index
      %swap3A_509 = tpu.vector_load %arg6[%swap3A_508] {strides = array<i32>} : memref<28672xi32, #tpu.memory_space<vmem>>, vector<16xi32>,
      tpu.vector_store %arg6[%swap3A_508], %get3A_501 {strides = array<i32>} : memref<28672xi32, #tpu.memory_space<vmem>>, vector<16xi32>,
      %mul3A_510 = arith.constant 8 : i32
      %mul3A_511 = arith.muli %mul3A_510, %select_n3A : i32
      %add3A_512 = arith.constant 7 : i32
      %add3A_513 = arith.addi %mul3A_511, %add3A_512 : i32
      %min3A_514 = arith.constant 49 : i32
      %min3A_515 = arith.minsi %add3A_513, %min3A_514 : i32
      %mul3A_516 = arith.constant 64 : i32
      %mul3A_517 = arith.muli %select_n3A_50, %mul3A_516 : i32
      %add3A_518 = arith.constant 0 : i32
      %add3A_519 = arith.addi %mul3A_517, %add3A_518 : i32
      %get3A_520 = arith.index_cast %min3A_515 : i32 to index
      %get3A_521 = arith.index_cast %add3A_519 : i32 to index
      %get3A_522 = tpu.vector_load %arg5[%get3A_520, %get3A_521] {strides = array<i32>} : memref<50x512xi32, #tpu.memory_space<vmem>>, vector<16xi32>,
      %mul3A_523 = arith.constant 512 : i32
      %mul3A_524 = arith.muli %scan3A_20, %mul3A_523 : i32
      %add3A_525 = arith.constant 448 : i32
      %add3A_526 = arith.addi %mul3A_524, %add3A_525 : i32
      %add3A_527 = arith.constant 0 : i32
      %add3A_528 = arith.addi %add3A_526, %add3A_527 : i32
      %swap3A_529 = arith.index_cast %add3A_528 : i32 to index
      %swap3A_530 = tpu.vector_load %arg6[%swap3A_529] {strides = array<i32>} : memref<28672xi32, #tpu.memory_space<vmem>>, vector<16xi32>,
      tpu.vector_store %arg6[%swap3A_529], %get3A_522 {strides = array<i32>} : memref<28672xi32, #tpu.memory_space<vmem>>, vector<16xi32>,
      %mul3A_531 = arith.constant 64 : i32
      %mul3A_532 = arith.muli %select_n3A_50, %mul3A_531 : i32
      %add3A_533 = arith.constant 16 : i32
      %add3A_534 = arith.addi %mul3A_532, %add3A_533 : i32
      %get3A_535 = arith.index_cast %min3A_515 : i32 to index
      %get3A_536 = arith.index_cast %add3A_534 : i32 to index
      %get3A_537 = tpu.vector_load %arg5[%get3A_535, %get3A_536] {strides = array<i32>} : memref<50x512xi32, #tpu.memory_space<vmem>>, vector<16xi32>,
      %mul3A_538 = arith.constant 512 : i32
      %mul3A_539 = arith.muli %scan3A_20, %mul3A_538 : i32
      %add3A_540 = arith.constant 448 : i32
      %add3A_541 = arith.addi %mul3A_539, %add3A_540 : i32
      %add3A_542 = arith.constant 16 : i32
      %add3A_543 = arith.addi %add3A_541, %add3A_542 : i32
      %swap3A_544 = arith.index_cast %add3A_543 : i32 to index
      %swap3A_545 = tpu.vector_load %arg6[%swap3A_544] {strides = array<i32>} : memref<28672xi32, #tpu.memory_space<vmem>>, vector<16xi32>,
      tpu.vector_store %arg6[%swap3A_544], %get3A_537 {strides = array<i32>} : memref<28672xi32, #tpu.memory_space<vmem>>, vector<16xi32>,
      %mul3A_546 = arith.constant 64 : i32
      %mul3A_547 = arith.muli %select_n3A_50, %mul3A_546 : i32
      %add3A_548 = arith.constant 32 : i32
      %add3A_549 = arith.addi %mul3A_547, %add3A_548 : i32
      %get3A_550 = arith.index_cast %min3A_515 : i32 to index
      %get3A_551 = arith.index_cast %add3A_549 : i32 to index
      %get3A_552 = tpu.vector_load %arg5[%get3A_550, %get3A_551] {strides = array<i32>} : memref<50x512xi32, #tpu.memory_space<vmem>>, vector<16xi32>,
      %mul3A_553 = arith.constant 512 : i32
      %mul3A_554 = arith.muli %scan3A_20, %mul3A_553 : i32
      %add3A_555 = arith.constant 448 : i32
      %add3A_556 = arith.addi %mul3A_554, %add3A_555 : i32
      %add3A_557 = arith.constant 32 : i32
      %add3A_558 = arith.addi %add3A_556, %add3A_557 : i32
      %swap3A_559 = arith.index_cast %add3A_558 : i32 to index
      %swap3A_560 = tpu.vector_load %arg6[%swap3A_559] {strides = array<i32>} : memref<28672xi32, #tpu.memory_space<vmem>>, vector<16xi32>,
      tpu.vector_store %arg6[%swap3A_559], %get3A_552 {strides = array<i32>} : memref<28672xi32, #tpu.memory_space<vmem>>, vector<16xi32>,
      %mul3A_561 = arith.constant 64 : i32
      %mul3A_562 = arith.muli %select_n3A_50, %mul3A_561 : i32
      %add3A_563 = arith.constant 48 : i32
      %add3A_564 = arith.addi %mul3A_562, %add3A_563 : i32
      %get3A_565 = arith.index_cast %min3A_515 : i32 to index
      %get3A_566 = arith.index_cast %add3A_564 : i32 to index
      %get3A_567 = tpu.vector_load %arg5[%get3A_565, %get3A_566] {strides = array<i32>} : memref<50x512xi32, #tpu.memory_space<vmem>>, vector<16xi32>,
      %mul3A_568 = arith.constant 512 : i32
      %mul3A_569 = arith.muli %scan3A_20, %mul3A_568 : i32
      %add3A_570 = arith.constant 448 : i32
      %add3A_571 = arith.addi %mul3A_569, %add3A_570 : i32
      %add3A_572 = arith.constant 48 : i32
      %add3A_573 = arith.addi %add3A_571, %add3A_572 : i32
      %swap3A_574 = arith.index_cast %add3A_573 : i32 to index
      %swap3A_575 = tpu.vector_load %arg6[%swap3A_574] {strides = array<i32>} : memref<28672xi32, #tpu.memory_space<vmem>>, vector<16xi32>,
      tpu.vector_store %arg6[%swap3A_574], %get3A_567 {strides = array<i32>} : memref<28672xi32, #tpu.memory_space<vmem>>, vector<16xi32>,
    }
    %scan3A_9 = arith.constant 56 : i32
    %dma_start3A = arith.constant 0 : i32
    %dma_start3A_10 = tpu.memref_slice %arg6[%dma_start3A] : memref<28672xi32, #tpu.memory_space<vmem>> -> memref<512xi32, #tpu.memory_space<vmem>>
    %dma_start3A_11 = arith.constant 0 : i32
    %dma_start3A_12 = arith.constant 0 : i32
    %dma_start3A_13 = tpu.memref_slice %arg3[%dma_start3A_11, %dma_start3A_12] : memref<1000000x64xf32, #tpu.memory_space<hbm>> -> memref<1000000x64xf32, #tpu.memory_space<hbm>>
    tpu.enqueue_indirect_dma source(%dma_start3A_13 : memref<1000000x64xf32, #tpu.memory_space<hbm>>) target(%arg7 : memref<512x64xf32, #tpu.memory_space<vmem>>) offsets(%dma_start3A_10 : memref<512xi32, #tpu.memory_space<vmem>>) semaphore(%arg9 : memref<!tpu.dma_semaphore, #tpu.memory_space<semaphore_mem>>)
    %scan3A_14 = arith.constant 0 : i32
    %scan3A_15 = arith.constant 0 : i32
    %scan3A_16 = arith.constant 28 : i32
    %scan3A_17 = arith.addi %scan3A_15, %scan3A_16 : i32
    %scan3A_18 = arith.constant 1 : i32
    scf.for %scan3A_20 = %scan3A_15 to %scan3A_17 step %scan3A_18  : i32 {
      %mul3A_21 = arith.constant 2 : i32
      %mul3A_22 = arith.muli %mul3A_21, %scan3A_20 : i32
      %add3A_23 = arith.constant 0 : i32
      %add3A_24 = arith.addi %mul3A_22, %add3A_23 : i32
      %add3A_25 = arith.constant 1 : i32
      %add3A_26 = arith.addi %add3A_24, %add3A_25 : i32
      %lt3A = arith.constant 56 : i32
      %lt3A_27 = arith.cmpi slt, %add3A_26, %lt3A : i32
      %convert_element_type3A = arith.extui %lt3A_27 : i1 to i32
      %cond3A = arith.constant 0 : i32
      %cond3A_28 = arith.cmpi ne, %convert_element_type3A, %cond3A : i32
      scf.if %cond3A_28 {
        %add3A_1930 = arith.constant 1 : i32
        %add3A_1931 = arith.addi %add3A_24, %add3A_1930 : i32
        %mul3A_1932 = arith.constant 512 : i32
        %mul3A_1933 = arith.muli %add3A_1931, %mul3A_1932 : i32
        %dma_start3A_1934 = tpu.memref_slice %arg6[%mul3A_1933] : memref<28672xi32, #tpu.memory_space<vmem>> -> memref<512xi32, #tpu.memory_space<vmem>>
        %dma_start3A_1935 = arith.constant 0 : i32
        %dma_start3A_1936 = arith.constant 0 : i32
        %dma_start3A_1937 = tpu.memref_slice %arg3[%dma_start3A_1935, %dma_start3A_1936] : memref<1000000x64xf32, #tpu.memory_space<hbm>> -> memref<1000000x64xf32, #tpu.memory_space<hbm>>
        tpu.enqueue_indirect_dma source(%dma_start3A_1937 : memref<1000000x64xf32, #tpu.memory_space<hbm>>) target(%arg8 : memref<512x64xf32, #tpu.memory_space<vmem>>) offsets(%dma_start3A_1934 : memref<512xi32, #tpu.memory_space<vmem>>) semaphore(%arg10 : memref<!tpu.dma_semaphore, #tpu.memory_space<semaphore_mem>>)
      } else {
      }
      %mul3A_29 = arith.constant 512 : i32
      %mul3A_30 = arith.muli %add3A_24, %mul3A_29 : i32
      %dma_wait3A = tpu.memref_slice %arg6[%mul3A_30] : memref<28672xi32, #tpu.memory_space<vmem>> -> memref<512xi32, #tpu.memory_space<vmem>>
      %dma_wait3A_31 = arith.constant 0 : i32
      %dma_wait3A_32 = arith.constant 0 : i32
      %dma_wait3A_33 = tpu.memref_slice %arg3[%dma_wait3A_31, %dma_wait3A_32] : memref<1000000x64xf32, #tpu.memory_space<hbm>> -> memref<1000000x64xf32, #tpu.memory_space<hbm>>
      tpu.wait_indirect_dma semaphore(%arg9 : memref<!tpu.dma_semaphore, #tpu.memory_space<semaphore_mem>>) src(%dma_wait3A_33 : memref<1000000x64xf32, #tpu.memory_space<hbm>>) dst(%arg7 : memref<512x64xf32, #tpu.memory_space<vmem>>)
      %jit3A = arith.constant 8 : i32
      %div3A = arith.divsi %add3A_24, %jit3A : i32
      %sign3A = arith.constant 0 : i32
      %sign3A_34 = arith.cmpi sgt, %add3A_24, %sign3A : i32
      %sign3A_35 = arith.extui %sign3A_34 : i1 to i32
      %sign3A_36 = arith.constant 0 : i32
      %sign3A_37 = arith.cmpi slt, %add3A_24, %sign3A_36 : i32
      %sign3A_38 = arith.extui %sign3A_37 : i1 to i32
      %sign3A_39 = arith.subi %sign3A_35, %sign3A_38 : i32
      %sign3A_40 = arith.constant 0 : i32
      %sign3A_41 = arith.cmpi sgt, %jit3A, %sign3A_40 : i32
      %sign3A_42 = arith.extui %sign3A_41 : i1 to i32
      %sign3A_43 = arith.constant 0 : i32
      %sign3A_44 = arith.cmpi slt, %jit3A, %sign3A_43 : i32
      %sign3A_45 = arith.extui %sign3A_44 : i1 to i32
      %sign3A_46 = arith.subi %sign3A_42, %sign3A_45 : i32
      %ne3A = arith.cmpi ne, %sign3A_39, %sign3A_46 : i32
      %rem3A = arith.remsi %add3A_24, %jit3A : i32
      %ne3A_47 = arith.constant 0 : i32
      %ne3A_48 = arith.cmpi ne, %rem3A, %ne3A_47 : i32
      %and3A = arith.andi %ne3A, %ne3A_48 : i1
      %sub3A = arith.constant 1 : i32
      %sub3A_49 = arith.subi %div3A, %sub3A : i32
      %select_n3A = arith.select %and3A, %sub3A_49, %div3A : i32
      %jit3A_50 = arith.constant 8 : i32
      %eq3A = arith.constant 0 : i32
      %eq3A_51 = arith.cmpi eq, %jit3A_50, %eq3A : i32
      %jit3A_52 = arith.constant 1 : i32
      %select_n3A_53 = arith.select %eq3A_51, %jit3A_52, %jit3A_50 : i32
      %rem3A_54 = arith.remsi %add3A_24, %select_n3A_53 : i32
      %ne3A_55 = arith.constant 0 : i32
      %ne3A_56 = arith.cmpi ne, %rem3A_54, %ne3A_55 : i32
      %lt3A_57 = arith.constant 0 : i32
      %lt3A_58 = arith.cmpi slt, %rem3A_54, %lt3A_57 : i32
      %lt3A_59 = arith.constant 0 : i32
      %lt3A_60 = arith.cmpi slt, %select_n3A_53, %lt3A_59 : i32
      %ne3A_61 = arith.xori %lt3A_58, %lt3A_60 : i1
      %and3A_62 = arith.andi %ne3A_61, %ne3A_56 : i1
      %add3A_63 = arith.addi %rem3A_54, %select_n3A_53 : i32
      %select_n3A_64 = arith.select %and3A_62, %add3A_63, %rem3A_54 : i32
      %mul3A_65 = arith.constant 8 : i32
      %mul3A_66 = arith.muli %add3A, %mul3A_65 : i32
      %add3A_67 = arith.addi %mul3A_66, %select_n3A_64 : i32
      %mul3A_68 = arith.constant 64 : i32
      %mul3A_69 = arith.muli %add3A_67, %mul3A_68 : i32
      %mul3A_70 = arith.constant 8 : i32
      %mul3A_71 = arith.muli %select_n3A, %mul3A_70 : i32
      %add3A_72 = arith.constant 0 : i32
      %add3A_73 = arith.addi %mul3A_71, %add3A_72 : i32
      %mul3A_74 = arith.constant 128 : i32
      %mul3A_75 = arith.muli %add3A_73, %mul3A_74 : i32
      %dma_start3A_76 = arith.constant 0 : i32
      %dma_start3A_77 = arith.constant 0 : i32
      %dma_start3A_78 = tpu.memref_slice %arg7[%dma_start3A_76, %dma_start3A_77] : memref<512x64xf32, #tpu.memory_space<vmem>> -> memref<64x64xf32, #tpu.memory_space<vmem>>
      %dma_start3A_79 = tpu.memref_slice %arg4[%mul3A_69, %mul3A_75] : memref<16384x7168xf32, #tpu.memory_space<hbm>> -> memref<64x64xf32, #tpu.memory_space<hbm>>
      %dma_start3A_80 = tpu.memref_slice %arg4[%mul3A_69, %mul3A_75] : memref<16384x7168xf32, #tpu.memory_space<hbm>> -> memref<64x64xf32, #tpu.memory_space<hbm>>
      %dma_start3A_81 = arith.constant 0 : i32
      %dma_start3A_82 = arith.constant 0 : i32
      %dma_start3A_83 = tpu.memref_slice %arg7[%dma_start3A_81, %dma_start3A_82] : memref<512x64xf32, #tpu.memory_space<vmem>> -> memref<64x64xf32, #tpu.memory_space<vmem>>
      tpu.enqueue_dma source(%dma_start3A_83 : memref<64x64xf32, #tpu.memory_space<vmem>>) target(%dma_start3A_80 : memref<64x64xf32, #tpu.memory_space<hbm>>) target_semaphore(%arg11 : memref<!tpu.dma_semaphore, #tpu.memory_space<semaphore_mem>>)
      %jit3A_84 = arith.constant 8 : i32
      %div3A_85 = arith.divsi %add3A_24, %jit3A_84 : i32
      %sign3A_86 = arith.constant 0 : i32
      %sign3A_87 = arith.cmpi sgt, %add3A_24, %sign3A_86 : i32
      %sign3A_88 = arith.extui %sign3A_87 : i1 to i32
      %sign3A_89 = arith.constant 0 : i32
      %sign3A_90 = arith.cmpi slt, %add3A_24, %sign3A_89 : i32
      %sign3A_91 = arith.extui %sign3A_90 : i1 to i32
      %sign3A_92 = arith.subi %sign3A_88, %sign3A_91 : i32
      %sign3A_93 = arith.constant 0 : i32
      %sign3A_94 = arith.cmpi sgt, %jit3A_84, %sign3A_93 : i32
      %sign3A_95 = arith.extui %sign3A_94 : i1 to i32
      %sign3A_96 = arith.constant 0 : i32
      %sign3A_97 = arith.cmpi slt, %jit3A_84, %sign3A_96 : i32
      %sign3A_98 = arith.extui %sign3A_97 : i1 to i32
      %sign3A_99 = arith.subi %sign3A_95, %sign3A_98 : i32
      %ne3A_100 = arith.cmpi ne, %sign3A_92, %sign3A_99 : i32
      %rem3A_101 = arith.remsi %add3A_24, %jit3A_84 : i32
      %ne3A_102 = arith.constant 0 : i32
      %ne3A_103 = arith.cmpi ne, %rem3A_101, %ne3A_102 : i32
      %and3A_104 = arith.andi %ne3A_100, %ne3A_103 : i1
      %sub3A_105 = arith.constant 1 : i32
      %sub3A_106 = arith.subi %div3A_85, %sub3A_105 : i32
      %select_n3A_107 = arith.select %and3A_104, %sub3A_106, %div3A_85 : i32
      %jit3A_108 = arith.constant 8 : i32
      %eq3A_109 = arith.constant 0 : i32
      %eq3A_110 = arith.cmpi eq, %jit3A_108, %eq3A_109 : i32
      %jit3A_111 = arith.constant 1 : i32
      %select_n3A_112 = arith.select %eq3A_110, %jit3A_111, %jit3A_108 : i32
      %rem3A_113 = arith.remsi %add3A_24, %select_n3A_112 : i32
      %ne3A_114 = arith.constant 0 : i32
      %ne3A_115 = arith.cmpi ne, %rem3A_113, %ne3A_114 : i32
      %lt3A_116 = arith.constant 0 : i32
      %lt3A_117 = arith.cmpi slt, %rem3A_113, %lt3A_116 : i32
      %lt3A_118 = arith.constant 0 : i32
      %lt3A_119 = arith.cmpi slt, %select_n3A_112, %lt3A_118 : i32
      %ne3A_120 = arith.xori %lt3A_117, %lt3A_119 : i1
      %and3A_121 = arith.andi %ne3A_120, %ne3A_115 : i1
      %add3A_122 = arith.addi %rem3A_113, %select_n3A_112 : i32
      %select_n3A_123 = arith.select %and3A_121, %add3A_122, %rem3A_113 : i32
      %mul3A_124 = arith.constant 8 : i32
      %mul3A_125 = arith.muli %add3A, %mul3A_124 : i32
      %add3A_126 = arith.addi %mul3A_125, %select_n3A_123 : i32
      %mul3A_127 = arith.constant 64 : i32
      %mul3A_128 = arith.muli %add3A_126, %mul3A_127 : i32
      %mul3A_129 = arith.constant 8 : i32
      %mul3A_130 = arith.muli %select_n3A_107, %mul3A_129 : i32
      %add3A_131 = arith.constant 1 : i32
      %add3A_132 = arith.addi %mul3A_130, %add3A_131 : i32
      %mul3A_133 = arith.constant 128 : i32
      %mul3A_134 = arith.muli %add3A_132, %mul3A_133 : i32
      %dma_start3A_135 = arith.constant 64 : i32
      %dma_start3A_136 = arith.constant 0 : i32
      %dma_start3A_137 = tpu.memref_slice %arg7[%dma_start3A_135, %dma_start3A_136] : memref<512x64xf32, #tpu.memory_space<vmem>> -> memref<64x64xf32, #tpu.memory_space<vmem>>
      %dma_start3A_138 = tpu.memref_slice %arg4[%mul3A_128, %mul3A_134] : memref<16384x7168xf32, #tpu.memory_space<hbm>> -> memref<64x64xf32, #tpu.memory_space<hbm>>
      %dma_start3A_139 = tpu.memref_slice %arg4[%mul3A_128, %mul3A_134] : memref<16384x7168xf32, #tpu.memory_space<hbm>> -> memref<64x64xf32, #tpu.memory_space<hbm>>
      %dma_start3A_140 = arith.constant 64 : i32
      %dma_start3A_141 = arith.constant 0 : i32
      %dma_start3A_142 = tpu.memref_slice %arg7[%dma_start3A_140, %dma_start3A_141] : memref<512x64xf32, #tpu.memory_space<vmem>> -> memref<64x64xf32, #tpu.memory_space<vmem>>
      tpu.enqueue_dma source(%dma_start3A_142 : memref<64x64xf32, #tpu.memory_space<vmem>>) target(%dma_start3A_139 : memref<64x64xf32, #tpu.memory_space<hbm>>) target_semaphore(%arg11 : memref<!tpu.dma_semaphore, #tpu.memory_space<semaphore_mem>>)
      %jit3A_143 = arith.constant 8 : i32
      %div3A_144 = arith.divsi %add3A_24, %jit3A_143 : i32
      %sign3A_145 = arith.constant 0 : i32
      %sign3A_146 = arith.cmpi sgt, %add3A_24, %sign3A_145 : i32
      %sign3A_147 = arith.extui %sign3A_146 : i1 to i32
      %sign3A_148 = arith.constant 0 : i32
      %sign3A_149 = arith.cmpi slt, %add3A_24, %sign3A_148 : i32
      %sign3A_150 = arith.extui %sign3A_149 : i1 to i32
      %sign3A_151 = arith.subi %sign3A_147, %sign3A_150 : i32
      %sign3A_152 = arith.constant 0 : i32
      %sign3A_153 = arith.cmpi sgt, %jit3A_143, %sign3A_152 : i32
      %sign3A_154 = arith.extui %sign3A_153 : i1 to i32
      %sign3A_155 = arith.constant 0 : i32
      %sign3A_156 = arith.cmpi slt, %jit3A_143, %sign3A_155 : i32
      %sign3A_157 = arith.extui %sign3A_156 : i1 to i32
      %sign3A_158 = arith.subi %sign3A_154, %sign3A_157 : i32
      %ne3A_159 = arith.cmpi ne, %sign3A_151, %sign3A_158 : i32
      %rem3A_160 = arith.remsi %add3A_24, %jit3A_143 : i32
      %ne3A_161 = arith.constant 0 : i32
      %ne3A_162 = arith.cmpi ne, %rem3A_160, %ne3A_161 : i32
      %and3A_163 = arith.andi %ne3A_159, %ne3A_162 : i1
      %sub3A_164 = arith.constant 1 : i32
      %sub3A_165 = arith.subi %div3A_144, %sub3A_164 : i32
      %select_n3A_166 = arith.select %and3A_163, %sub3A_165, %div3A_144 : i32
      %jit3A_167 = arith.constant 8 : i32
      %eq3A_168 = arith.constant 0 : i32
      %eq3A_169 = arith.cmpi eq, %jit3A_167, %eq3A_168 : i32
      %jit3A_170 = arith.constant 1 : i32
      %select_n3A_171 = arith.select %eq3A_169, %jit3A_170, %jit3A_167 : i32
      %rem3A_172 = arith.remsi %add3A_24, %select_n3A_171 : i32
      %ne3A_173 = arith.constant 0 : i32
      %ne3A_174 = arith.cmpi ne, %rem3A_172, %ne3A_173 : i32
      %lt3A_175 = arith.constant 0 : i32
      %lt3A_176 = arith.cmpi slt, %rem3A_172, %lt3A_175 : i32
      %lt3A_177 = arith.constant 0 : i32
      %lt3A_178 = arith.cmpi slt, %select_n3A_171, %lt3A_177 : i32
      %ne3A_179 = arith.xori %lt3A_176, %lt3A_178 : i1
      %and3A_180 = arith.andi %ne3A_179, %ne3A_174 : i1
      %add3A_181 = arith.addi %rem3A_172, %select_n3A_171 : i32
      %select_n3A_182 = arith.select %and3A_180, %add3A_181, %rem3A_172 : i32
      %mul3A_183 = arith.constant 8 : i32
      %mul3A_184 = arith.muli %add3A, %mul3A_183 : i32
      %add3A_185 = arith.addi %mul3A_184, %select_n3A_182 : i32
      %mul3A_186 = arith.constant 64 : i32
      %mul3A_187 = arith.muli %add3A_185, %mul3A_186 : i32
      %mul3A_188 = arith.constant 8 : i32
      %mul3A_189 = arith.muli %select_n3A_166, %mul3A_188 : i32
      %add3A_190 = arith.constant 0 : i32
      %add3A_191 = arith.addi %mul3A_189, %add3A_190 : i32
      %mul3A_192 = arith.constant 128 : i32
      %mul3A_193 = arith.muli %add3A_191, %mul3A_192 : i32
      %dma_wait3A_194 = arith.constant 0 : i32
      %dma_wait3A_195 = arith.constant 0 : i32
      %dma_wait3A_196 = tpu.memref_slice %arg7[%dma_wait3A_194, %dma_wait3A_195] : memref<512x64xf32, #tpu.memory_space<vmem>> -> memref<64x64xf32, #tpu.memory_space<vmem>>
      %dma_wait3A_197 = tpu.memref_slice %arg4[%mul3A_187, %mul3A_193] : memref<16384x7168xf32, #tpu.memory_space<hbm>> -> memref<64x64xf32, #tpu.memory_space<hbm>>
      %dma_wait3A_198 = tpu.memref_slice %arg4[%mul3A_187, %mul3A_193] : memref<16384x7168xf32, #tpu.memory_space<hbm>> -> memref<64x64xf32, #tpu.memory_space<hbm>>
      %dma_wait3A_199 = arith.constant 0 : i32
      %dma_wait3A_200 = arith.constant 0 : i32
      %dma_wait3A_201 = tpu.memref_slice %arg7[%dma_wait3A_199, %dma_wait3A_200] : memref<512x64xf32, #tpu.memory_space<vmem>> -> memref<64x64xf32, #tpu.memory_space<vmem>>
      tpu.wait_dma2 semaphore(%arg11 : memref<!tpu.dma_semaphore, #tpu.memory_space<semaphore_mem>>) src(%dma_wait3A_201 : memref<64x64xf32, #tpu.memory_space<vmem>>) dst(%dma_wait3A_198 : memref<64x64xf32, #tpu.memory_space<hbm>>)
      %jit3A_202 = arith.constant 8 : i32
      %div3A_203 = arith.divsi %add3A_24, %jit3A_202 : i32
      %sign3A_204 = arith.constant 0 : i32
      %sign3A_205 = arith.cmpi sgt, %add3A_24, %sign3A_204 : i32
      %sign3A_206 = arith.extui %sign3A_205 : i1 to i32
      %sign3A_207 = arith.constant 0 : i32
      %sign3A_208 = arith.cmpi slt, %add3A_24, %sign3A_207 : i32
      %sign3A_209 = arith.extui %sign3A_208 : i1 to i32
      %sign3A_210 = arith.subi %sign3A_206, %sign3A_209 : i32
      %sign3A_211 = arith.constant 0 : i32
      %sign3A_212 = arith.cmpi sgt, %jit3A_202, %sign3A_211 : i32
      %sign3A_213 = arith.extui %sign3A_212 : i1 to i32
      %sign3A_214 = arith.constant 0 : i32
      %sign3A_215 = arith.cmpi slt, %jit3A_202, %sign3A_214 : i32
      %sign3A_216 = arith.extui %sign3A_215 : i1 to i32
      %sign3A_217 = arith.subi %sign3A_213, %sign3A_216 : i32
      %ne3A_218 = arith.cmpi ne, %sign3A_210, %sign3A_217 : i32
      %rem3A_219 = arith.remsi %add3A_24, %jit3A_202 : i32
      %ne3A_220 = arith.constant 0 : i32
      %ne3A_221 = arith.cmpi ne, %rem3A_219, %ne3A_220 : i32
      %and3A_222 = arith.andi %ne3A_218, %ne3A_221 : i1
      %sub3A_223 = arith.constant 1 : i32
      %sub3A_224 = arith.subi %div3A_203, %sub3A_223 : i32
      %select_n3A_225 = arith.select %and3A_222, %sub3A_224, %div3A_203 : i32
      %jit3A_226 = arith.constant 8 : i32
      %eq3A_227 = arith.constant 0 : i32
      %eq3A_228 = arith.cmpi eq, %jit3A_226, %eq3A_227 : i32
      %jit3A_229 = arith.constant 1 : i32
      %select_n3A_230 = arith.select %eq3A_228, %jit3A_229, %jit3A_226 : i32
      %rem3A_231 = arith.remsi %add3A_24, %select_n3A_230 : i32
      %ne3A_232 = arith.constant 0 : i32
      %ne3A_233 = arith.cmpi ne, %rem3A_231, %ne3A_232 : i32
      %lt3A_234 = arith.constant 0 : i32
      %lt3A_235 = arith.cmpi slt, %rem3A_231, %lt3A_234 : i32
      %lt3A_236 = arith.constant 0 : i32
      %lt3A_237 = arith.cmpi slt, %select_n3A_230, %lt3A_236 : i32
      %ne3A_238 = arith.xori %lt3A_235, %lt3A_237 : i1
      %and3A_239 = arith.andi %ne3A_238, %ne3A_233 : i1
      %add3A_240 = arith.addi %rem3A_231, %select_n3A_230 : i32
      %select_n3A_241 = arith.select %and3A_239, %add3A_240, %rem3A_231 : i32
      %mul3A_242 = arith.constant 8 : i32
      %mul3A_243 = arith.muli %add3A, %mul3A_242 : i32
      %add3A_244 = arith.addi %mul3A_243, %select_n3A_241 : i32
      %mul3A_245 = arith.constant 64 : i32
      %mul3A_246 = arith.muli %add3A_244, %mul3A_245 : i32
      %mul3A_247 = arith.constant 8 : i32
      %mul3A_248 = arith.muli %select_n3A_225, %mul3A_247 : i32
      %add3A_249 = arith.constant 2 : i32
      %add3A_250 = arith.addi %mul3A_248, %add3A_249 : i32
      %mul3A_251 = arith.constant 128 : i32
      %mul3A_252 = arith.muli %add3A_250, %mul3A_251 : i32
      %dma_start3A_253 = arith.constant 128 : i32
      %dma_start3A_254 = arith.constant 0 : i32
      %dma_start3A_255 = tpu.memref_slice %arg7[%dma_start3A_253, %dma_start3A_254] : memref<512x64xf32, #tpu.memory_space<vmem>> -> memref<64x64xf32, #tpu.memory_space<vmem>>
      %dma_start3A_256 = tpu.memref_slice %arg4[%mul3A_246, %mul3A_252] : memref<16384x7168xf32, #tpu.memory_space<hbm>> -> memref<64x64xf32, #tpu.memory_space<hbm>>
      %dma_start3A_257 = tpu.memref_slice %arg4[%mul3A_246, %mul3A_252] : memref<16384x7168xf32, #tpu.memory_space<hbm>> -> memref<64x64xf32, #tpu.memory_space<hbm>>
      %dma_start3A_258 = arith.constant 128 : i32
      %dma_start3A_259 = arith.constant 0 : i32
      %dma_start3A_260 = tpu.memref_slice %arg7[%dma_start3A_258, %dma_start3A_259] : memref<512x64xf32, #tpu.memory_space<vmem>> -> memref<64x64xf32, #tpu.memory_space<vmem>>
      tpu.enqueue_dma source(%dma_start3A_260 : memref<64x64xf32, #tpu.memory_space<vmem>>) target(%dma_start3A_257 : memref<64x64xf32, #tpu.memory_space<hbm>>) target_semaphore(%arg11 : memref<!tpu.dma_semaphore, #tpu.memory_space<semaphore_mem>>)
      %jit3A_261 = arith.constant 8 : i32
      %div3A_262 = arith.divsi %add3A_24, %jit3A_261 : i32
      %sign3A_263 = arith.constant 0 : i32
      %sign3A_264 = arith.cmpi sgt, %add3A_24, %sign3A_263 : i32
      %sign3A_265 = arith.extui %sign3A_264 : i1 to i32
      %sign3A_266 = arith.constant 0 : i32
      %sign3A_267 = arith.cmpi slt, %add3A_24, %sign3A_266 : i32
      %sign3A_268 = arith.extui %sign3A_267 : i1 to i32
      %sign3A_269 = arith.subi %sign3A_265, %sign3A_268 : i32
      %sign3A_270 = arith.constant 0 : i32
      %sign3A_271 = arith.cmpi sgt, %jit3A_261, %sign3A_270 : i32
      %sign3A_272 = arith.extui %sign3A_271 : i1 to i32
      %sign3A_273 = arith.constant 0 : i32
      %sign3A_274 = arith.cmpi slt, %jit3A_261, %sign3A_273 : i32
      %sign3A_275 = arith.extui %sign3A_274 : i1 to i32
      %sign3A_276 = arith.subi %sign3A_272, %sign3A_275 : i32
      %ne3A_277 = arith.cmpi ne, %sign3A_269, %sign3A_276 : i32
      %rem3A_278 = arith.remsi %add3A_24, %jit3A_261 : i32
      %ne3A_279 = arith.constant 0 : i32
      %ne3A_280 = arith.cmpi ne, %rem3A_278, %ne3A_279 : i32
      %and3A_281 = arith.andi %ne3A_277, %ne3A_280 : i1
      %sub3A_282 = arith.constant 1 : i32
      %sub3A_283 = arith.subi %div3A_262, %sub3A_282 : i32
      %select_n3A_284 = arith.select %and3A_281, %sub3A_283, %div3A_262 : i32
      %jit3A_285 = arith.constant 8 : i32
      %eq3A_286 = arith.constant 0 : i32
      %eq3A_287 = arith.cmpi eq, %jit3A_285, %eq3A_286 : i32
      %jit3A_288 = arith.constant 1 : i32
      %select_n3A_289 = arith.select %eq3A_287, %jit3A_288, %jit3A_285 : i32
      %rem3A_290 = arith.remsi %add3A_24, %select_n3A_289 : i32
      %ne3A_291 = arith.constant 0 : i32
      %ne3A_292 = arith.cmpi ne, %rem3A_290, %ne3A_291 : i32
      %lt3A_293 = arith.constant 0 : i32
      %lt3A_294 = arith.cmpi slt, %rem3A_290, %lt3A_293 : i32
      %lt3A_295 = arith.constant 0 : i32
      %lt3A_296 = arith.cmpi slt, %select_n3A_289, %lt3A_295 : i32
      %ne3A_297 = arith.xori %lt3A_294, %lt3A_296 : i1
      %and3A_298 = arith.andi %ne3A_297, %ne3A_292 : i1
      %add3A_299 = arith.addi %rem3A_290, %select_n3A_289 : i32
      %select_n3A_300 = arith.select %and3A_298, %add3A_299, %rem3A_290 : i32
      %mul3A_301 = arith.constant 8 : i32
      %mul3A_302 = arith.muli %add3A, %mul3A_301 : i32
      %add3A_303 = arith.addi %mul3A_302, %select_n3A_300 : i32
      %mul3A_304 = arith.constant 64 : i32
      %mul3A_305 = arith.muli %add3A_303, %mul3A_304 : i32
      %mul3A_306 = arith.constant 8 : i32
      %mul3A_307 = arith.muli %select_n3A_284, %mul3A_306 : i32
      %add3A_308 = arith.constant 1 : i32
      %add3A_309 = arith.addi %mul3A_307, %add3A_308 : i32
      %mul3A_310 = arith.constant 128 : i32
      %mul3A_311 = arith.muli %add3A_309, %mul3A_310 : i32
      %dma_wait3A_312 = arith.constant 64 : i32
      %dma_wait3A_313 = arith.constant 0 : i32
      %dma_wait3A_314 = tpu.memref_slice %arg7[%dma_wait3A_312, %dma_wait3A_313] : memref<512x64xf32, #tpu.memory_space<vmem>> -> memref<64x64xf32, #tpu.memory_space<vmem>>
      %dma_wait3A_315 = tpu.memref_slice %arg4[%mul3A_305, %mul3A_311] : memref<16384x7168xf32, #tpu.memory_space<hbm>> -> memref<64x64xf32, #tpu.memory_space<hbm>>
      %dma_wait3A_316 = tpu.memref_slice %arg4[%mul3A_305, %mul3A_311] : memref<16384x7168xf32, #tpu.memory_space<hbm>> -> memref<64x64xf32, #tpu.memory_space<hbm>>
      %dma_wait3A_317 = arith.constant 64 : i32
      %dma_wait3A_318 = arith.constant 0 : i32
      %dma_wait3A_319 = tpu.memref_slice %arg7[%dma_wait3A_317, %dma_wait3A_318] : memref<512x64xf32, #tpu.memory_space<vmem>> -> memref<64x64xf32, #tpu.memory_space<vmem>>
      tpu.wait_dma2 semaphore(%arg11 : memref<!tpu.dma_semaphore, #tpu.memory_space<semaphore_mem>>) src(%dma_wait3A_319 : memref<64x64xf32, #tpu.memory_space<vmem>>) dst(%dma_wait3A_316 : memref<64x64xf32, #tpu.memory_space<hbm>>)
      %jit3A_320 = arith.constant 8 : i32
      %div3A_321 = arith.divsi %add3A_24, %jit3A_320 : i32
      %sign3A_322 = arith.constant 0 : i32
      %sign3A_323 = arith.cmpi sgt, %add3A_24, %sign3A_322 : i32
      %sign3A_324 = arith.extui %sign3A_323 : i1 to i32
      %sign3A_325 = arith.constant 0 : i32
      %sign3A_326 = arith.cmpi slt, %add3A_24, %sign3A_325 : i32
      %sign3A_327 = arith.extui %sign3A_326 : i1 to i32
      %sign3A_328 = arith.subi %sign3A_324, %sign3A_327 : i32
      %sign3A_329 = arith.constant 0 : i32
      %sign3A_330 = arith.cmpi sgt, %jit3A_320, %sign3A_329 : i32
      %sign3A_331 = arith.extui %sign3A_330 : i1 to i32
      %sign3A_332 = arith.constant 0 : i32
      %sign3A_333 = arith.cmpi slt, %jit3A_320, %sign3A_332 : i32
      %sign3A_334 = arith.extui %sign3A_333 : i1 to i32
      %sign3A_335 = arith.subi %sign3A_331, %sign3A_334 : i32
      %ne3A_336 = arith.cmpi ne, %sign3A_328, %sign3A_335 : i32
      %rem3A_337 = arith.remsi %add3A_24, %jit3A_320 : i32
      %ne3A_338 = arith.constant 0 : i32
      %ne3A_339 = arith.cmpi ne, %rem3A_337, %ne3A_338 : i32
      %and3A_340 = arith.andi %ne3A_336, %ne3A_339 : i1
      %sub3A_341 = arith.constant 1 : i32
      %sub3A_342 = arith.subi %div3A_321, %sub3A_341 : i32
      %select_n3A_343 = arith.select %and3A_340, %sub3A_342, %div3A_321 : i32
      %jit3A_344 = arith.constant 8 : i32
      %eq3A_345 = arith.constant 0 : i32
      %eq3A_346 = arith.cmpi eq, %jit3A_344, %eq3A_345 : i32
      %jit3A_347 = arith.constant 1 : i32
      %select_n3A_348 = arith.select %eq3A_346, %jit3A_347, %jit3A_344 : i32
      %rem3A_349 = arith.remsi %add3A_24, %select_n3A_348 : i32
      %ne3A_350 = arith.constant 0 : i32
      %ne3A_351 = arith.cmpi ne, %rem3A_349, %ne3A_350 : i32
      %lt3A_352 = arith.constant 0 : i32
      %lt3A_353 = arith.cmpi slt, %rem3A_349, %lt3A_352 : i32
      %lt3A_354 = arith.constant 0 : i32
      %lt3A_355 = arith.cmpi slt, %select_n3A_348, %lt3A_354 : i32
      %ne3A_356 = arith.xori %lt3A_353, %lt3A_355 : i1
      %and3A_357 = arith.andi %ne3A_356, %ne3A_351 : i1
      %add3A_358 = arith.addi %rem3A_349, %select_n3A_348 : i32
      %select_n3A_359 = arith.select %and3A_357, %add3A_358, %rem3A_349 : i32
      %mul3A_360 = arith.constant 8 : i32
      %mul3A_361 = arith.muli %add3A, %mul3A_360 : i32
      %add3A_362 = arith.addi %mul3A_361, %select_n3A_359 : i32
      %mul3A_363 = arith.constant 64 : i32
      %mul3A_364 = arith.muli %add3A_362, %mul3A_363 : i32
      %mul3A_365 = arith.constant 8 : i32
      %mul3A_366 = arith.muli %select_n3A_343, %mul3A_365 : i32
      %add3A_367 = arith.constant 3 : i32
      %add3A_368 = arith.addi %mul3A_366, %add3A_367 : i32
      %mul3A_369 = arith.constant 128 : i32
      %mul3A_370 = arith.muli %add3A_368, %mul3A_369 : i32
      %dma_start3A_371 = arith.constant 192 : i32
      %dma_start3A_372 = arith.constant 0 : i32
      %dma_start3A_373 = tpu.memref_slice %arg7[%dma_start3A_371, %dma_start3A_372] : memref<512x64xf32, #tpu.memory_space<vmem>> -> memref<64x64xf32, #tpu.memory_space<vmem>>
      %dma_start3A_374 = tpu.memref_slice %arg4[%mul3A_364, %mul3A_370] : memref<16384x7168xf32, #tpu.memory_space<hbm>> -> memref<64x64xf32, #tpu.memory_space<hbm>>
      %dma_start3A_375 = tpu.memref_slice %arg4[%mul3A_364, %mul3A_370] : memref<16384x7168xf32, #tpu.memory_space<hbm>> -> memref<64x64xf32, #tpu.memory_space<hbm>>
      %dma_start3A_376 = arith.constant 192 : i32
      %dma_start3A_377 = arith.constant 0 : i32
      %dma_start3A_378 = tpu.memref_slice %arg7[%dma_start3A_376, %dma_start3A_377] : memref<512x64xf32, #tpu.memory_space<vmem>> -> memref<64x64xf32, #tpu.memory_space<vmem>>
      tpu.enqueue_dma source(%dma_start3A_378 : memref<64x64xf32, #tpu.memory_space<vmem>>) target(%dma_start3A_375 : memref<64x64xf32, #tpu.memory_space<hbm>>) target_semaphore(%arg11 : memref<!tpu.dma_semaphore, #tpu.memory_space<semaphore_mem>>)
      %jit3A_379 = arith.constant 8 : i32
      %div3A_380 = arith.divsi %add3A_24, %jit3A_379 : i32
      %sign3A_381 = arith.constant 0 : i32
      %sign3A_382 = arith.cmpi sgt, %add3A_24, %sign3A_381 : i32
      %sign3A_383 = arith.extui %sign3A_382 : i1 to i32
      %sign3A_384 = arith.constant 0 : i32
      %sign3A_385 = arith.cmpi slt, %add3A_24, %sign3A_384 : i32
      %sign3A_386 = arith.extui %sign3A_385 : i1 to i32
      %sign3A_387 = arith.subi %sign3A_383, %sign3A_386 : i32
      %sign3A_388 = arith.constant 0 : i32
      %sign3A_389 = arith.cmpi sgt, %jit3A_379, %sign3A_388 : i32
      %sign3A_390 = arith.extui %sign3A_389 : i1 to i32
      %sign3A_391 = arith.constant 0 : i32
      %sign3A_392 = arith.cmpi slt, %jit3A_379, %sign3A_391 : i32
      %sign3A_393 = arith.extui %sign3A_392 : i1 to i32
      %sign3A_394 = arith.subi %sign3A_390, %sign3A_393 : i32
      %ne3A_395 = arith.cmpi ne, %sign3A_387, %sign3A_394 : i32
      %rem3A_396 = arith.remsi %add3A_24, %jit3A_379 : i32
      %ne3A_397 = arith.constant 0 : i32
      %ne3A_398 = arith.cmpi ne, %rem3A_396, %ne3A_397 : i32
      %and3A_399 = arith.andi %ne3A_395, %ne3A_398 : i1
      %sub3A_400 = arith.constant 1 : i32
      %sub3A_401 = arith.subi %div3A_380, %sub3A_400 : i32
      %select_n3A_402 = arith.select %and3A_399, %sub3A_401, %div3A_380 : i32
      %jit3A_403 = arith.constant 8 : i32
      %eq3A_404 = arith.constant 0 : i32
      %eq3A_405 = arith.cmpi eq, %jit3A_403, %eq3A_404 : i32
      %jit3A_406 = arith.constant 1 : i32
      %select_n3A_407 = arith.select %eq3A_405, %jit3A_406, %jit3A_403 : i32
      %rem3A_408 = arith.remsi %add3A_24, %select_n3A_407 : i32
      %ne3A_409 = arith.constant 0 : i32
      %ne3A_410 = arith.cmpi ne, %rem3A_408, %ne3A_409 : i32
      %lt3A_411 = arith.constant 0 : i32
      %lt3A_412 = arith.cmpi slt, %rem3A_408, %lt3A_411 : i32
      %lt3A_413 = arith.constant 0 : i32
      %lt3A_414 = arith.cmpi slt, %select_n3A_407, %lt3A_413 : i32
      %ne3A_415 = arith.xori %lt3A_412, %lt3A_414 : i1
      %and3A_416 = arith.andi %ne3A_415, %ne3A_410 : i1
      %add3A_417 = arith.addi %rem3A_408, %select_n3A_407 : i32
      %select_n3A_418 = arith.select %and3A_416, %add3A_417, %rem3A_408 : i32
      %mul3A_419 = arith.constant 8 : i32
      %mul3A_420 = arith.muli %add3A, %mul3A_419 : i32
      %add3A_421 = arith.addi %mul3A_420, %select_n3A_418 : i32
      %mul3A_422 = arith.constant 64 : i32
      %mul3A_423 = arith.muli %add3A_421, %mul3A_422 : i32
      %mul3A_424 = arith.constant 8 : i32
      %mul3A_425 = arith.muli %select_n3A_402, %mul3A_424 : i32
      %add3A_426 = arith.constant 2 : i32
      %add3A_427 = arith.addi %mul3A_425, %add3A_426 : i32
      %mul3A_428 = arith.constant 128 : i32
      %mul3A_429 = arith.muli %add3A_427, %mul3A_428 : i32
      %dma_wait3A_430 = arith.constant 128 : i32
      %dma_wait3A_431 = arith.constant 0 : i32
      %dma_wait3A_432 = tpu.memref_slice %arg7[%dma_wait3A_430, %dma_wait3A_431] : memref<512x64xf32, #tpu.memory_space<vmem>> -> memref<64x64xf32, #tpu.memory_space<vmem>>
      %dma_wait3A_433 = tpu.memref_slice %arg4[%mul3A_423, %mul3A_429] : memref<16384x7168xf32, #tpu.memory_space<hbm>> -> memref<64x64xf32, #tpu.memory_space<hbm>>
      %dma_wait3A_434 = tpu.memref_slice %arg4[%mul3A_423, %mul3A_429] : memref<16384x7168xf32, #tpu.memory_space<hbm>> -> memref<64x64xf32, #tpu.memory_space<hbm>>
      %dma_wait3A_435 = arith.constant 128 : i32
      %dma_wait3A_436 = arith.constant 0 : i32
      %dma_wait3A_437 = tpu.memref_slice %arg7[%dma_wait3A_435, %dma_wait3A_436] : memref<512x64xf32, #tpu.memory_space<vmem>> -> memref<64x64xf32, #tpu.memory_space<vmem>>
      tpu.wait_dma2 semaphore(%arg11 : memref<!tpu.dma_semaphore, #tpu.memory_space<semaphore_mem>>) src(%dma_wait3A_437 : memref<64x64xf32, #tpu.memory_space<vmem>>) dst(%dma_wait3A_434 : memref<64x64xf32, #tpu.memory_space<hbm>>)
      %jit3A_438 = arith.constant 8 : i32
      %div3A_439 = arith.divsi %add3A_24, %jit3A_438 : i32
      %sign3A_440 = arith.constant 0 : i32
      %sign3A_441 = arith.cmpi sgt, %add3A_24, %sign3A_440 : i32
      %sign3A_442 = arith.extui %sign3A_441 : i1 to i32
      %sign3A_443 = arith.constant 0 : i32
      %sign3A_444 = arith.cmpi slt, %add3A_24, %sign3A_443 : i32
      %sign3A_445 = arith.extui %sign3A_444 : i1 to i32
      %sign3A_446 = arith.subi %sign3A_442, %sign3A_445 : i32
      %sign3A_447 = arith.constant 0 : i32
      %sign3A_448 = arith.cmpi sgt, %jit3A_438, %sign3A_447 : i32
      %sign3A_449 = arith.extui %sign3A_448 : i1 to i32
      %sign3A_450 = arith.constant 0 : i32
      %sign3A_451 = arith.cmpi slt, %jit3A_438, %sign3A_450 : i32
      %sign3A_452 = arith.extui %sign3A_451 : i1 to i32
      %sign3A_453 = arith.subi %sign3A_449, %sign3A_452 : i32
      %ne3A_454 = arith.cmpi ne, %sign3A_446, %sign3A_453 : i32
      %rem3A_455 = arith.remsi %add3A_24, %jit3A_438 : i32
      %ne3A_456 = arith.constant 0 : i32
      %ne3A_457 = arith.cmpi ne, %rem3A_455, %ne3A_456 : i32
      %and3A_458 = arith.andi %ne3A_454, %ne3A_457 : i1
      %sub3A_459 = arith.constant 1 : i32
      %sub3A_460 = arith.subi %div3A_439, %sub3A_459 : i32
      %select_n3A_461 = arith.select %and3A_458, %sub3A_460, %div3A_439 : i32
      %jit3A_462 = arith.constant 8 : i32
      %eq3A_463 = arith.constant 0 : i32
      %eq3A_464 = arith.cmpi eq, %jit3A_462, %eq3A_463 : i32
      %jit3A_465 = arith.constant 1 : i32
      %select_n3A_466 = arith.select %eq3A_464, %jit3A_465, %jit3A_462 : i32
      %rem3A_467 = arith.remsi %add3A_24, %select_n3A_466 : i32
      %ne3A_468 = arith.constant 0 : i32
      %ne3A_469 = arith.cmpi ne, %rem3A_467, %ne3A_468 : i32
      %lt3A_470 = arith.constant 0 : i32
      %lt3A_471 = arith.cmpi slt, %rem3A_467, %lt3A_470 : i32
      %lt3A_472 = arith.constant 0 : i32
      %lt3A_473 = arith.cmpi slt, %select_n3A_466, %lt3A_472 : i32
      %ne3A_474 = arith.xori %lt3A_471, %lt3A_473 : i1
      %and3A_475 = arith.andi %ne3A_474, %ne3A_469 : i1
      %add3A_476 = arith.addi %rem3A_467, %select_n3A_466 : i32
      %select_n3A_477 = arith.select %and3A_475, %add3A_476, %rem3A_467 : i32
      %mul3A_478 = arith.constant 8 : i32
      %mul3A_479 = arith.muli %add3A, %mul3A_478 : i32
      %add3A_480 = arith.addi %mul3A_479, %select_n3A_477 : i32
      %mul3A_481 = arith.constant 64 : i32
      %mul3A_482 = arith.muli %add3A_480, %mul3A_481 : i32
      %mul3A_483 = arith.constant 8 : i32
      %mul3A_484 = arith.muli %select_n3A_461, %mul3A_483 : i32
      %add3A_485 = arith.constant 4 : i32
      %add3A_486 = arith.addi %mul3A_484, %add3A_485 : i32
      %mul3A_487 = arith.constant 128 : i32
      %mul3A_488 = arith.muli %add3A_486, %mul3A_487 : i32
      %dma_start3A_489 = arith.constant 256 : i32
      %dma_start3A_490 = arith.constant 0 : i32
      %dma_start3A_491 = tpu.memref_slice %arg7[%dma_start3A_489, %dma_start3A_490] : memref<512x64xf32, #tpu.memory_space<vmem>> -> memref<64x64xf32, #tpu.memory_space<vmem>>
      %dma_start3A_492 = tpu.memref_slice %arg4[%mul3A_482, %mul3A_488] : memref<16384x7168xf32, #tpu.memory_space<hbm>> -> memref<64x64xf32, #tpu.memory_space<hbm>>
      %dma_start3A_493 = tpu.memref_slice %arg4[%mul3A_482, %mul3A_488] : memref<16384x7168xf32, #tpu.memory_space<hbm>> -> memref<64x64xf32, #tpu.memory_space<hbm>>
      %dma_start3A_494 = arith.constant 256 : i32
      %dma_start3A_495 = arith.constant 0 : i32
      %dma_start3A_496 = tpu.memref_slice %arg7[%dma_start3A_494, %dma_start3A_495] : memref<512x64xf32, #tpu.memory_space<vmem>> -> memref<64x64xf32, #tpu.memory_space<vmem>>
      tpu.enqueue_dma source(%dma_start3A_496 : memref<64x64xf32, #tpu.memory_space<vmem>>) target(%dma_start3A_493 : memref<64x64xf32, #tpu.memory_space<hbm>>) target_semaphore(%arg11 : memref<!tpu.dma_semaphore, #tpu.memory_space<semaphore_mem>>)
      %jit3A_497 = arith.constant 8 : i32
      %div3A_498 = arith.divsi %add3A_24, %jit3A_497 : i32
      %sign3A_499 = arith.constant 0 : i32
      %sign3A_500 = arith.cmpi sgt, %add3A_24, %sign3A_499 : i32
      %sign3A_501 = arith.extui %sign3A_500 : i1 to i32
      %sign3A_502 = arith.constant 0 : i32
      %sign3A_503 = arith.cmpi slt, %add3A_24, %sign3A_502 : i32
      %sign3A_504 = arith.extui %sign3A_503 : i1 to i32
      %sign3A_505 = arith.subi %sign3A_501, %sign3A_504 : i32
      %sign3A_506 = arith.constant 0 : i32
      %sign3A_507 = arith.cmpi sgt, %jit3A_497, %sign3A_506 : i32
      %sign3A_508 = arith.extui %sign3A_507 : i1 to i32
      %sign3A_509 = arith.constant 0 : i32
      %sign3A_510 = arith.cmpi slt, %jit3A_497, %sign3A_509 : i32
      %sign3A_511 = arith.extui %sign3A_510 : i1 to i32
      %sign3A_512 = arith.subi %sign3A_508, %sign3A_511 : i32
      %ne3A_513 = arith.cmpi ne, %sign3A_505, %sign3A_512 : i32
      %rem3A_514 = arith.remsi %add3A_24, %jit3A_497 : i32
      %ne3A_515 = arith.constant 0 : i32
      %ne3A_516 = arith.cmpi ne, %rem3A_514, %ne3A_515 : i32
      %and3A_517 = arith.andi %ne3A_513, %ne3A_516 : i1
      %sub3A_518 = arith.constant 1 : i32
      %sub3A_519 = arith.subi %div3A_498, %sub3A_518 : i32
      %select_n3A_520 = arith.select %and3A_517, %sub3A_519, %div3A_498 : i32
      %jit3A_521 = arith.constant 8 : i32
      %eq3A_522 = arith.constant 0 : i32
      %eq3A_523 = arith.cmpi eq, %jit3A_521, %eq3A_522 : i32
      %jit3A_524 = arith.constant 1 : i32
      %select_n3A_525 = arith.select %eq3A_523, %jit3A_524, %jit3A_521 : i32
      %rem3A_526 = arith.remsi %add3A_24, %select_n3A_525 : i32
      %ne3A_527 = arith.constant 0 : i32
      %ne3A_528 = arith.cmpi ne, %rem3A_526, %ne3A_527 : i32
      %lt3A_529 = arith.constant 0 : i32
      %lt3A_530 = arith.cmpi slt, %rem3A_526, %lt3A_529 : i32
      %lt3A_531 = arith.constant 0 : i32
      %lt3A_532 = arith.cmpi slt, %select_n3A_525, %lt3A_531 : i32
      %ne3A_533 = arith.xori %lt3A_530, %lt3A_532 : i1
      %and3A_534 = arith.andi %ne3A_533, %ne3A_528 : i1
      %add3A_535 = arith.addi %rem3A_526, %select_n3A_525 : i32
      %select_n3A_536 = arith.select %and3A_534, %add3A_535, %rem3A_526 : i32
      %mul3A_537 = arith.constant 8 : i32
      %mul3A_538 = arith.muli %add3A, %mul3A_537 : i32
      %add3A_539 = arith.addi %mul3A_538, %select_n3A_536 : i32
      %mul3A_540 = arith.constant 64 : i32
      %mul3A_541 = arith.muli %add3A_539, %mul3A_540 : i32
      %mul3A_542 = arith.constant 8 : i32
      %mul3A_543 = arith.muli %select_n3A_520, %mul3A_542 : i32
      %add3A_544 = arith.constant 3 : i32
      %add3A_545 = arith.addi %mul3A_543, %add3A_544 : i32
      %mul3A_546 = arith.constant 128 : i32
      %mul3A_547 = arith.muli %add3A_545, %mul3A_546 : i32
      %dma_wait3A_548 = arith.constant 192 : i32
      %dma_wait3A_549 = arith.constant 0 : i32
      %dma_wait3A_550 = tpu.memref_slice %arg7[%dma_wait3A_548, %dma_wait3A_549] : memref<512x64xf32, #tpu.memory_space<vmem>> -> memref<64x64xf32, #tpu.memory_space<vmem>>
      %dma_wait3A_551 = tpu.memref_slice %arg4[%mul3A_541, %mul3A_547] : memref<16384x7168xf32, #tpu.memory_space<hbm>> -> memref<64x64xf32, #tpu.memory_space<hbm>>
      %dma_wait3A_552 = tpu.memref_slice %arg4[%mul3A_541, %mul3A_547] : memref<16384x7168xf32, #tpu.memory_space<hbm>> -> memref<64x64xf32, #tpu.memory_space<hbm>>
      %dma_wait3A_553 = arith.constant 192 : i32
      %dma_wait3A_554 = arith.constant 0 : i32
      %dma_wait3A_555 = tpu.memref_slice %arg7[%dma_wait3A_553, %dma_wait3A_554] : memref<512x64xf32, #tpu.memory_space<vmem>> -> memref<64x64xf32, #tpu.memory_space<vmem>>
      tpu.wait_dma2 semaphore(%arg11 : memref<!tpu.dma_semaphore, #tpu.memory_space<semaphore_mem>>) src(%dma_wait3A_555 : memref<64x64xf32, #tpu.memory_space<vmem>>) dst(%dma_wait3A_552 : memref<64x64xf32, #tpu.memory_space<hbm>>)
      %jit3A_556 = arith.constant 8 : i32
      %div3A_557 = arith.divsi %add3A_24, %jit3A_556 : i32
      %sign3A_558 = arith.constant 0 : i32
      %sign3A_559 = arith.cmpi sgt, %add3A_24, %sign3A_558 : i32
      %sign3A_560 = arith.extui %sign3A_559 : i1 to i32
      %sign3A_561 = arith.constant 0 : i32
      %sign3A_562 = arith.cmpi slt, %add3A_24, %sign3A_561 : i32
      %sign3A_563 = arith.extui %sign3A_562 : i1 to i32
      %sign3A_564 = arith.subi %sign3A_560, %sign3A_563 : i32
      %sign3A_565 = arith.constant 0 : i32
      %sign3A_566 = arith.cmpi sgt, %jit3A_556, %sign3A_565 : i32
      %sign3A_567 = arith.extui %sign3A_566 : i1 to i32
      %sign3A_568 = arith.constant 0 : i32
      %sign3A_569 = arith.cmpi slt, %jit3A_556, %sign3A_568 : i32
      %sign3A_570 = arith.extui %sign3A_569 : i1 to i32
      %sign3A_571 = arith.subi %sign3A_567, %sign3A_570 : i32
      %ne3A_572 = arith.cmpi ne, %sign3A_564, %sign3A_571 : i32
      %rem3A_573 = arith.remsi %add3A_24, %jit3A_556 : i32
      %ne3A_574 = arith.constant 0 : i32
      %ne3A_575 = arith.cmpi ne, %rem3A_573, %ne3A_574 : i32
      %and3A_576 = arith.andi %ne3A_572, %ne3A_575 : i1
      %sub3A_577 = arith.constant 1 : i32
      %sub3A_578 = arith.subi %div3A_557, %sub3A_577 : i32
      %select_n3A_579 = arith.select %and3A_576, %sub3A_578, %div3A_557 : i32
      %jit3A_580 = arith.constant 8 : i32
      %eq3A_581 = arith.constant 0 : i32
      %eq3A_582 = arith.cmpi eq, %jit3A_580, %eq3A_581 : i32
      %jit3A_583 = arith.constant 1 : i32
      %select_n3A_584 = arith.select %eq3A_582, %jit3A_583, %jit3A_580 : i32
      %rem3A_585 = arith.remsi %add3A_24, %select_n3A_584 : i32
      %ne3A_586 = arith.constant 0 : i32
      %ne3A_587 = arith.cmpi ne, %rem3A_585, %ne3A_586 : i32
      %lt3A_588 = arith.constant 0 : i32
      %lt3A_589 = arith.cmpi slt, %rem3A_585, %lt3A_588 : i32
      %lt3A_590 = arith.constant 0 : i32
      %lt3A_591 = arith.cmpi slt, %select_n3A_584, %lt3A_590 : i32
      %ne3A_592 = arith.xori %lt3A_589, %lt3A_591 : i1
      %and3A_593 = arith.andi %ne3A_592, %ne3A_587 : i1
      %add3A_594 = arith.addi %rem3A_585, %select_n3A_584 : i32
      %select_n3A_595 = arith.select %and3A_593, %add3A_594, %rem3A_585 : i32
      %mul3A_596 = arith.constant 8 : i32
      %mul3A_597 = arith.muli %add3A, %mul3A_596 : i32
      %add3A_598 = arith.addi %mul3A_597, %select_n3A_595 : i32
      %mul3A_599 = arith.constant 64 : i32
      %mul3A_600 = arith.muli %add3A_598, %mul3A_599 : i32
      %mul3A_601 = arith.constant 8 : i32
      %mul3A_602 = arith.muli %select_n3A_579, %mul3A_601 : i32
      %add3A_603 = arith.constant 5 : i32
      %add3A_604 = arith.addi %mul3A_602, %add3A_603 : i32
      %mul3A_605 = arith.constant 128 : i32
      %mul3A_606 = arith.muli %add3A_604, %mul3A_605 : i32
      %dma_start3A_607 = arith.constant 320 : i32
      %dma_start3A_608 = arith.constant 0 : i32
      %dma_start3A_609 = tpu.memref_slice %arg7[%dma_start3A_607, %dma_start3A_608] : memref<512x64xf32, #tpu.memory_space<vmem>> -> memref<64x64xf32, #tpu.memory_space<vmem>>
      %dma_start3A_610 = tpu.memref_slice %arg4[%mul3A_600, %mul3A_606] : memref<16384x7168xf32, #tpu.memory_space<hbm>> -> memref<64x64xf32, #tpu.memory_space<hbm>>
      %dma_start3A_611 = tpu.memref_slice %arg4[%mul3A_600, %mul3A_606] : memref<16384x7168xf32, #tpu.memory_space<hbm>> -> memref<64x64xf32, #tpu.memory_space<hbm>>
      %dma_start3A_612 = arith.constant 320 : i32
      %dma_start3A_613 = arith.constant 0 : i32
      %dma_start3A_614 = tpu.memref_slice %arg7[%dma_start3A_612, %dma_start3A_613] : memref<512x64xf32, #tpu.memory_space<vmem>> -> memref<64x64xf32, #tpu.memory_space<vmem>>
      tpu.enqueue_dma source(%dma_start3A_614 : memref<64x64xf32, #tpu.memory_space<vmem>>) target(%dma_start3A_611 : memref<64x64xf32, #tpu.memory_space<hbm>>) target_semaphore(%arg11 : memref<!tpu.dma_semaphore, #tpu.memory_space<semaphore_mem>>)
      %jit3A_615 = arith.constant 8 : i32
      %div3A_616 = arith.divsi %add3A_24, %jit3A_615 : i32
      %sign3A_617 = arith.constant 0 : i32
      %sign3A_618 = arith.cmpi sgt, %add3A_24, %sign3A_617 : i32
      %sign3A_619 = arith.extui %sign3A_618 : i1 to i32
      %sign3A_620 = arith.constant 0 : i32
      %sign3A_621 = arith.cmpi slt, %add3A_24, %sign3A_620 : i32
      %sign3A_622 = arith.extui %sign3A_621 : i1 to i32
      %sign3A_623 = arith.subi %sign3A_619, %sign3A_622 : i32
      %sign3A_624 = arith.constant 0 : i32
      %sign3A_625 = arith.cmpi sgt, %jit3A_615, %sign3A_624 : i32
      %sign3A_626 = arith.extui %sign3A_625 : i1 to i32
      %sign3A_627 = arith.constant 0 : i32
      %sign3A_628 = arith.cmpi slt, %jit3A_615, %sign3A_627 : i32
      %sign3A_629 = arith.extui %sign3A_628 : i1 to i32
      %sign3A_630 = arith.subi %sign3A_626, %sign3A_629 : i32
      %ne3A_631 = arith.cmpi ne, %sign3A_623, %sign3A_630 : i32
      %rem3A_632 = arith.remsi %add3A_24, %jit3A_615 : i32
      %ne3A_633 = arith.constant 0 : i32
      %ne3A_634 = arith.cmpi ne, %rem3A_632, %ne3A_633 : i32
      %and3A_635 = arith.andi %ne3A_631, %ne3A_634 : i1
      %sub3A_636 = arith.constant 1 : i32
      %sub3A_637 = arith.subi %div3A_616, %sub3A_636 : i32
      %select_n3A_638 = arith.select %and3A_635, %sub3A_637, %div3A_616 : i32
      %jit3A_639 = arith.constant 8 : i32
      %eq3A_640 = arith.constant 0 : i32
      %eq3A_641 = arith.cmpi eq, %jit3A_639, %eq3A_640 : i32
      %jit3A_642 = arith.constant 1 : i32
      %select_n3A_643 = arith.select %eq3A_641, %jit3A_642, %jit3A_639 : i32
      %rem3A_644 = arith.remsi %add3A_24, %select_n3A_643 : i32
      %ne3A_645 = arith.constant 0 : i32
      %ne3A_646 = arith.cmpi ne, %rem3A_644, %ne3A_645 : i32
      %lt3A_647 = arith.constant 0 : i32
      %lt3A_648 = arith.cmpi slt, %rem3A_644, %lt3A_647 : i32
      %lt3A_649 = arith.constant 0 : i32
      %lt3A_650 = arith.cmpi slt, %select_n3A_643, %lt3A_649 : i32
      %ne3A_651 = arith.xori %lt3A_648, %lt3A_650 : i1
      %and3A_652 = arith.andi %ne3A_651, %ne3A_646 : i1
      %add3A_653 = arith.addi %rem3A_644, %select_n3A_643 : i32
      %select_n3A_654 = arith.select %and3A_652, %add3A_653, %rem3A_644 : i32
      %mul3A_655 = arith.constant 8 : i32
      %mul3A_656 = arith.muli %add3A, %mul3A_655 : i32
      %add3A_657 = arith.addi %mul3A_656, %select_n3A_654 : i32
      %mul3A_658 = arith.constant 64 : i32
      %mul3A_659 = arith.muli %add3A_657, %mul3A_658 : i32
      %mul3A_660 = arith.constant 8 : i32
      %mul3A_661 = arith.muli %select_n3A_638, %mul3A_660 : i32
      %add3A_662 = arith.constant 4 : i32
      %add3A_663 = arith.addi %mul3A_661, %add3A_662 : i32
      %mul3A_664 = arith.constant 128 : i32
      %mul3A_665 = arith.muli %add3A_663, %mul3A_664 : i32
      %dma_wait3A_666 = arith.constant 256 : i32
      %dma_wait3A_667 = arith.constant 0 : i32
      %dma_wait3A_668 = tpu.memref_slice %arg7[%dma_wait3A_666, %dma_wait3A_667] : memref<512x64xf32, #tpu.memory_space<vmem>> -> memref<64x64xf32, #tpu.memory_space<vmem>>
      %dma_wait3A_669 = tpu.memref_slice %arg4[%mul3A_659, %mul3A_665] : memref<16384x7168xf32, #tpu.memory_space<hbm>> -> memref<64x64xf32, #tpu.memory_space<hbm>>
      %dma_wait3A_670 = tpu.memref_slice %arg4[%mul3A_659, %mul3A_665] : memref<16384x7168xf32, #tpu.memory_space<hbm>> -> memref<64x64xf32, #tpu.memory_space<hbm>>
      %dma_wait3A_671 = arith.constant 256 : i32
      %dma_wait3A_672 = arith.constant 0 : i32
      %dma_wait3A_673 = tpu.memref_slice %arg7[%dma_wait3A_671, %dma_wait3A_672] : memref<512x64xf32, #tpu.memory_space<vmem>> -> memref<64x64xf32, #tpu.memory_space<vmem>>
      tpu.wait_dma2 semaphore(%arg11 : memref<!tpu.dma_semaphore, #tpu.memory_space<semaphore_mem>>) src(%dma_wait3A_673 : memref<64x64xf32, #tpu.memory_space<vmem>>) dst(%dma_wait3A_670 : memref<64x64xf32, #tpu.memory_space<hbm>>)
      %jit3A_674 = arith.constant 8 : i32
      %div3A_675 = arith.divsi %add3A_24, %jit3A_674 : i32
      %sign3A_676 = arith.constant 0 : i32
      %sign3A_677 = arith.cmpi sgt, %add3A_24, %sign3A_676 : i32
      %sign3A_678 = arith.extui %sign3A_677 : i1 to i32
      %sign3A_679 = arith.constant 0 : i32
      %sign3A_680 = arith.cmpi slt, %add3A_24, %sign3A_679 : i32
      %sign3A_681 = arith.extui %sign3A_680 : i1 to i32
      %sign3A_682 = arith.subi %sign3A_678, %sign3A_681 : i32
      %sign3A_683 = arith.constant 0 : i32
      %sign3A_684 = arith.cmpi sgt, %jit3A_674, %sign3A_683 : i32
      %sign3A_685 = arith.extui %sign3A_684 : i1 to i32
      %sign3A_686 = arith.constant 0 : i32
      %sign3A_687 = arith.cmpi slt, %jit3A_674, %sign3A_686 : i32
      %sign3A_688 = arith.extui %sign3A_687 : i1 to i32
      %sign3A_689 = arith.subi %sign3A_685, %sign3A_688 : i32
      %ne3A_690 = arith.cmpi ne, %sign3A_682, %sign3A_689 : i32
      %rem3A_691 = arith.remsi %add3A_24, %jit3A_674 : i32
      %ne3A_692 = arith.constant 0 : i32
      %ne3A_693 = arith.cmpi ne, %rem3A_691, %ne3A_692 : i32
      %and3A_694 = arith.andi %ne3A_690, %ne3A_693 : i1
      %sub3A_695 = arith.constant 1 : i32
      %sub3A_696 = arith.subi %div3A_675, %sub3A_695 : i32
      %select_n3A_697 = arith.select %and3A_694, %sub3A_696, %div3A_675 : i32
      %jit3A_698 = arith.constant 8 : i32
      %eq3A_699 = arith.constant 0 : i32
      %eq3A_700 = arith.cmpi eq, %jit3A_698, %eq3A_699 : i32
      %jit3A_701 = arith.constant 1 : i32
      %select_n3A_702 = arith.select %eq3A_700, %jit3A_701, %jit3A_698 : i32
      %rem3A_703 = arith.remsi %add3A_24, %select_n3A_702 : i32
      %ne3A_704 = arith.constant 0 : i32
      %ne3A_705 = arith.cmpi ne, %rem3A_703, %ne3A_704 : i32
      %lt3A_706 = arith.constant 0 : i32
      %lt3A_707 = arith.cmpi slt, %rem3A_703, %lt3A_706 : i32
      %lt3A_708 = arith.constant 0 : i32
      %lt3A_709 = arith.cmpi slt, %select_n3A_702, %lt3A_708 : i32
      %ne3A_710 = arith.xori %lt3A_707, %lt3A_709 : i1
      %and3A_711 = arith.andi %ne3A_710, %ne3A_705 : i1
      %add3A_712 = arith.addi %rem3A_703, %select_n3A_702 : i32
      %select_n3A_713 = arith.select %and3A_711, %add3A_712, %rem3A_703 : i32
      %mul3A_714 = arith.constant 8 : i32
      %mul3A_715 = arith.muli %add3A, %mul3A_714 : i32
      %add3A_716 = arith.addi %mul3A_715, %select_n3A_713 : i32
      %mul3A_717 = arith.constant 64 : i32
      %mul3A_718 = arith.muli %add3A_716, %mul3A_717 : i32
      %mul3A_719 = arith.constant 8 : i32
      %mul3A_720 = arith.muli %select_n3A_697, %mul3A_719 : i32
      %add3A_721 = arith.constant 6 : i32
      %add3A_722 = arith.addi %mul3A_720, %add3A_721 : i32
      %mul3A_723 = arith.constant 128 : i32
      %mul3A_724 = arith.muli %add3A_722, %mul3A_723 : i32
      %dma_start3A_725 = arith.constant 384 : i32
      %dma_start3A_726 = arith.constant 0 : i32
      %dma_start3A_727 = tpu.memref_slice %arg7[%dma_start3A_725, %dma_start3A_726] : memref<512x64xf32, #tpu.memory_space<vmem>> -> memref<64x64xf32, #tpu.memory_space<vmem>>
      %dma_start3A_728 = tpu.memref_slice %arg4[%mul3A_718, %mul3A_724] : memref<16384x7168xf32, #tpu.memory_space<hbm>> -> memref<64x64xf32, #tpu.memory_space<hbm>>
      %dma_start3A_729 = tpu.memref_slice %arg4[%mul3A_718, %mul3A_724] : memref<16384x7168xf32, #tpu.memory_space<hbm>> -> memref<64x64xf32, #tpu.memory_space<hbm>>
      %dma_start3A_730 = arith.constant 384 : i32
      %dma_start3A_731 = arith.constant 0 : i32
      %dma_start3A_732 = tpu.memref_slice %arg7[%dma_start3A_730, %dma_start3A_731] : memref<512x64xf32, #tpu.memory_space<vmem>> -> memref<64x64xf32, #tpu.memory_space<vmem>>
      tpu.enqueue_dma source(%dma_start3A_732 : memref<64x64xf32, #tpu.memory_space<vmem>>) target(%dma_start3A_729 : memref<64x64xf32, #tpu.memory_space<hbm>>) target_semaphore(%arg11 : memref<!tpu.dma_semaphore, #tpu.memory_space<semaphore_mem>>)
      %jit3A_733 = arith.constant 8 : i32
      %div3A_734 = arith.divsi %add3A_24, %jit3A_733 : i32
      %sign3A_735 = arith.constant 0 : i32
      %sign3A_736 = arith.cmpi sgt, %add3A_24, %sign3A_735 : i32
      %sign3A_737 = arith.extui %sign3A_736 : i1 to i32
      %sign3A_738 = arith.constant 0 : i32
      %sign3A_739 = arith.cmpi slt, %add3A_24, %sign3A_738 : i32
      %sign3A_740 = arith.extui %sign3A_739 : i1 to i32
      %sign3A_741 = arith.subi %sign3A_737, %sign3A_740 : i32
      %sign3A_742 = arith.constant 0 : i32
      %sign3A_743 = arith.cmpi sgt, %jit3A_733, %sign3A_742 : i32
      %sign3A_744 = arith.extui %sign3A_743 : i1 to i32
      %sign3A_745 = arith.constant 0 : i32
      %sign3A_746 = arith.cmpi slt, %jit3A_733, %sign3A_745 : i32
      %sign3A_747 = arith.extui %sign3A_746 : i1 to i32
      %sign3A_748 = arith.subi %sign3A_744, %sign3A_747 : i32
      %ne3A_749 = arith.cmpi ne, %sign3A_741, %sign3A_748 : i32
      %rem3A_750 = arith.remsi %add3A_24, %jit3A_733 : i32
      %ne3A_751 = arith.constant 0 : i32
      %ne3A_752 = arith.cmpi ne, %rem3A_750, %ne3A_751 : i32
      %and3A_753 = arith.andi %ne3A_749, %ne3A_752 : i1
      %sub3A_754 = arith.constant 1 : i32
      %sub3A_755 = arith.subi %div3A_734, %sub3A_754 : i32
      %select_n3A_756 = arith.select %and3A_753, %sub3A_755, %div3A_734 : i32
      %jit3A_757 = arith.constant 8 : i32
      %eq3A_758 = arith.constant 0 : i32
      %eq3A_759 = arith.cmpi eq, %jit3A_757, %eq3A_758 : i32
      %jit3A_760 = arith.constant 1 : i32
      %select_n3A_761 = arith.select %eq3A_759, %jit3A_760, %jit3A_757 : i32
      %rem3A_762 = arith.remsi %add3A_24, %select_n3A_761 : i32
      %ne3A_763 = arith.constant 0 : i32
      %ne3A_764 = arith.cmpi ne, %rem3A_762, %ne3A_763 : i32
      %lt3A_765 = arith.constant 0 : i32
      %lt3A_766 = arith.cmpi slt, %rem3A_762, %lt3A_765 : i32
      %lt3A_767 = arith.constant 0 : i32
      %lt3A_768 = arith.cmpi slt, %select_n3A_761, %lt3A_767 : i32
      %ne3A_769 = arith.xori %lt3A_766, %lt3A_768 : i1
      %and3A_770 = arith.andi %ne3A_769, %ne3A_764 : i1
      %add3A_771 = arith.addi %rem3A_762, %select_n3A_761 : i32
      %select_n3A_772 = arith.select %and3A_770, %add3A_771, %rem3A_762 : i32
      %mul3A_773 = arith.constant 8 : i32
      %mul3A_774 = arith.muli %add3A, %mul3A_773 : i32
      %add3A_775 = arith.addi %mul3A_774, %select_n3A_772 : i32
      %mul3A_776 = arith.constant 64 : i32
      %mul3A_777 = arith.muli %add3A_775, %mul3A_776 : i32
      %mul3A_778 = arith.constant 8 : i32
      %mul3A_779 = arith.muli %select_n3A_756, %mul3A_778 : i32
      %add3A_780 = arith.constant 5 : i32
      %add3A_781 = arith.addi %mul3A_779, %add3A_780 : i32
      %mul3A_782 = arith.constant 128 : i32
      %mul3A_783 = arith.muli %add3A_781, %mul3A_782 : i32
      %dma_wait3A_784 = arith.constant 320 : i32
      %dma_wait3A_785 = arith.constant 0 : i32
      %dma_wait3A_786 = tpu.memref_slice %arg7[%dma_wait3A_784, %dma_wait3A_785] : memref<512x64xf32, #tpu.memory_space<vmem>> -> memref<64x64xf32, #tpu.memory_space<vmem>>
      %dma_wait3A_787 = tpu.memref_slice %arg4[%mul3A_777, %mul3A_783] : memref<16384x7168xf32, #tpu.memory_space<hbm>> -> memref<64x64xf32, #tpu.memory_space<hbm>>
      %dma_wait3A_788 = tpu.memref_slice %arg4[%mul3A_777, %mul3A_783] : memref<16384x7168xf32, #tpu.memory_space<hbm>> -> memref<64x64xf32, #tpu.memory_space<hbm>>
      %dma_wait3A_789 = arith.constant 320 : i32
      %dma_wait3A_790 = arith.constant 0 : i32
      %dma_wait3A_791 = tpu.memref_slice %arg7[%dma_wait3A_789, %dma_wait3A_790] : memref<512x64xf32, #tpu.memory_space<vmem>> -> memref<64x64xf32, #tpu.memory_space<vmem>>
      tpu.wait_dma2 semaphore(%arg11 : memref<!tpu.dma_semaphore, #tpu.memory_space<semaphore_mem>>) src(%dma_wait3A_791 : memref<64x64xf32, #tpu.memory_space<vmem>>) dst(%dma_wait3A_788 : memref<64x64xf32, #tpu.memory_space<hbm>>)
      %jit3A_792 = arith.constant 8 : i32
      %div3A_793 = arith.divsi %add3A_24, %jit3A_792 : i32
      %sign3A_794 = arith.constant 0 : i32
      %sign3A_795 = arith.cmpi sgt, %add3A_24, %sign3A_794 : i32
      %sign3A_796 = arith.extui %sign3A_795 : i1 to i32
      %sign3A_797 = arith.constant 0 : i32
      %sign3A_798 = arith.cmpi slt, %add3A_24, %sign3A_797 : i32
      %sign3A_799 = arith.extui %sign3A_798 : i1 to i32
      %sign3A_800 = arith.subi %sign3A_796, %sign3A_799 : i32
      %sign3A_801 = arith.constant 0 : i32
      %sign3A_802 = arith.cmpi sgt, %jit3A_792, %sign3A_801 : i32
      %sign3A_803 = arith.extui %sign3A_802 : i1 to i32
      %sign3A_804 = arith.constant 0 : i32
      %sign3A_805 = arith.cmpi slt, %jit3A_792, %sign3A_804 : i32
      %sign3A_806 = arith.extui %sign3A_805 : i1 to i32
      %sign3A_807 = arith.subi %sign3A_803, %sign3A_806 : i32
      %ne3A_808 = arith.cmpi ne, %sign3A_800, %sign3A_807 : i32
      %rem3A_809 = arith.remsi %add3A_24, %jit3A_792 : i32
      %ne3A_810 = arith.constant 0 : i32
      %ne3A_811 = arith.cmpi ne, %rem3A_809, %ne3A_810 : i32
      %and3A_812 = arith.andi %ne3A_808, %ne3A_811 : i1
      %sub3A_813 = arith.constant 1 : i32
      %sub3A_814 = arith.subi %div3A_793, %sub3A_813 : i32
      %select_n3A_815 = arith.select %and3A_812, %sub3A_814, %div3A_793 : i32
      %jit3A_816 = arith.constant 8 : i32
      %eq3A_817 = arith.constant 0 : i32
      %eq3A_818 = arith.cmpi eq, %jit3A_816, %eq3A_817 : i32
      %jit3A_819 = arith.constant 1 : i32
      %select_n3A_820 = arith.select %eq3A_818, %jit3A_819, %jit3A_816 : i32
      %rem3A_821 = arith.remsi %add3A_24, %select_n3A_820 : i32
      %ne3A_822 = arith.constant 0 : i32
      %ne3A_823 = arith.cmpi ne, %rem3A_821, %ne3A_822 : i32
      %lt3A_824 = arith.constant 0 : i32
      %lt3A_825 = arith.cmpi slt, %rem3A_821, %lt3A_824 : i32
      %lt3A_826 = arith.constant 0 : i32
      %lt3A_827 = arith.cmpi slt, %select_n3A_820, %lt3A_826 : i32
      %ne3A_828 = arith.xori %lt3A_825, %lt3A_827 : i1
      %and3A_829 = arith.andi %ne3A_828, %ne3A_823 : i1
      %add3A_830 = arith.addi %rem3A_821, %select_n3A_820 : i32
      %select_n3A_831 = arith.select %and3A_829, %add3A_830, %rem3A_821 : i32
      %mul3A_832 = arith.constant 8 : i32
      %mul3A_833 = arith.muli %add3A, %mul3A_832 : i32
      %add3A_834 = arith.addi %mul3A_833, %select_n3A_831 : i32
      %mul3A_835 = arith.constant 64 : i32
      %mul3A_836 = arith.muli %add3A_834, %mul3A_835 : i32
      %mul3A_837 = arith.constant 8 : i32
      %mul3A_838 = arith.muli %select_n3A_815, %mul3A_837 : i32
      %add3A_839 = arith.constant 7 : i32
      %add3A_840 = arith.addi %mul3A_838, %add3A_839 : i32
      %mul3A_841 = arith.constant 128 : i32
      %mul3A_842 = arith.muli %add3A_840, %mul3A_841 : i32
      %dma_start3A_843 = arith.constant 448 : i32
      %dma_start3A_844 = arith.constant 0 : i32
      %dma_start3A_845 = tpu.memref_slice %arg7[%dma_start3A_843, %dma_start3A_844] : memref<512x64xf32, #tpu.memory_space<vmem>> -> memref<64x64xf32, #tpu.memory_space<vmem>>
      %dma_start3A_846 = tpu.memref_slice %arg4[%mul3A_836, %mul3A_842] : memref<16384x7168xf32, #tpu.memory_space<hbm>> -> memref<64x64xf32, #tpu.memory_space<hbm>>
      %dma_start3A_847 = tpu.memref_slice %arg4[%mul3A_836, %mul3A_842] : memref<16384x7168xf32, #tpu.memory_space<hbm>> -> memref<64x64xf32, #tpu.memory_space<hbm>>
      %dma_start3A_848 = arith.constant 448 : i32
      %dma_start3A_849 = arith.constant 0 : i32
      %dma_start3A_850 = tpu.memref_slice %arg7[%dma_start3A_848, %dma_start3A_849] : memref<512x64xf32, #tpu.memory_space<vmem>> -> memref<64x64xf32, #tpu.memory_space<vmem>>
      tpu.enqueue_dma source(%dma_start3A_850 : memref<64x64xf32, #tpu.memory_space<vmem>>) target(%dma_start3A_847 : memref<64x64xf32, #tpu.memory_space<hbm>>) target_semaphore(%arg11 : memref<!tpu.dma_semaphore, #tpu.memory_space<semaphore_mem>>)
      %jit3A_851 = arith.constant 8 : i32
      %div3A_852 = arith.divsi %add3A_24, %jit3A_851 : i32
      %sign3A_853 = arith.constant 0 : i32
      %sign3A_854 = arith.cmpi sgt, %add3A_24, %sign3A_853 : i32
      %sign3A_855 = arith.extui %sign3A_854 : i1 to i32
      %sign3A_856 = arith.constant 0 : i32
      %sign3A_857 = arith.cmpi slt, %add3A_24, %sign3A_856 : i32
      %sign3A_858 = arith.extui %sign3A_857 : i1 to i32
      %sign3A_859 = arith.subi %sign3A_855, %sign3A_858 : i32
      %sign3A_860 = arith.constant 0 : i32
      %sign3A_861 = arith.cmpi sgt, %jit3A_851, %sign3A_860 : i32
      %sign3A_862 = arith.extui %sign3A_861 : i1 to i32
      %sign3A_863 = arith.constant 0 : i32
      %sign3A_864 = arith.cmpi slt, %jit3A_851, %sign3A_863 : i32
      %sign3A_865 = arith.extui %sign3A_864 : i1 to i32
      %sign3A_866 = arith.subi %sign3A_862, %sign3A_865 : i32
      %ne3A_867 = arith.cmpi ne, %sign3A_859, %sign3A_866 : i32
      %rem3A_868 = arith.remsi %add3A_24, %jit3A_851 : i32
      %ne3A_869 = arith.constant 0 : i32
      %ne3A_870 = arith.cmpi ne, %rem3A_868, %ne3A_869 : i32
      %and3A_871 = arith.andi %ne3A_867, %ne3A_870 : i1
      %sub3A_872 = arith.constant 1 : i32
      %sub3A_873 = arith.subi %div3A_852, %sub3A_872 : i32
      %select_n3A_874 = arith.select %and3A_871, %sub3A_873, %div3A_852 : i32
      %jit3A_875 = arith.constant 8 : i32
      %eq3A_876 = arith.constant 0 : i32
      %eq3A_877 = arith.cmpi eq, %jit3A_875, %eq3A_876 : i32
      %jit3A_878 = arith.constant 1 : i32
      %select_n3A_879 = arith.select %eq3A_877, %jit3A_878, %jit3A_875 : i32
      %rem3A_880 = arith.remsi %add3A_24, %select_n3A_879 : i32
      %ne3A_881 = arith.constant 0 : i32
      %ne3A_882 = arith.cmpi ne, %rem3A_880, %ne3A_881 : i32
      %lt3A_883 = arith.constant 0 : i32
      %lt3A_884 = arith.cmpi slt, %rem3A_880, %lt3A_883 : i32
      %lt3A_885 = arith.constant 0 : i32
      %lt3A_886 = arith.cmpi slt, %select_n3A_879, %lt3A_885 : i32
      %ne3A_887 = arith.xori %lt3A_884, %lt3A_886 : i1
      %and3A_888 = arith.andi %ne3A_887, %ne3A_882 : i1
      %add3A_889 = arith.addi %rem3A_880, %select_n3A_879 : i32
      %select_n3A_890 = arith.select %and3A_888, %add3A_889, %rem3A_880 : i32
      %mul3A_891 = arith.constant 8 : i32
      %mul3A_892 = arith.muli %add3A, %mul3A_891 : i32
      %add3A_893 = arith.addi %mul3A_892, %select_n3A_890 : i32
      %mul3A_894 = arith.constant 64 : i32
      %mul3A_895 = arith.muli %add3A_893, %mul3A_894 : i32
      %mul3A_896 = arith.constant 8 : i32
      %mul3A_897 = arith.muli %select_n3A_874, %mul3A_896 : i32
      %add3A_898 = arith.constant 6 : i32
      %add3A_899 = arith.addi %mul3A_897, %add3A_898 : i32
      %mul3A_900 = arith.constant 128 : i32
      %mul3A_901 = arith.muli %add3A_899, %mul3A_900 : i32
      %dma_wait3A_902 = arith.constant 384 : i32
      %dma_wait3A_903 = arith.constant 0 : i32
      %dma_wait3A_904 = tpu.memref_slice %arg7[%dma_wait3A_902, %dma_wait3A_903] : memref<512x64xf32, #tpu.memory_space<vmem>> -> memref<64x64xf32, #tpu.memory_space<vmem>>
      %dma_wait3A_905 = tpu.memref_slice %arg4[%mul3A_895, %mul3A_901] : memref<16384x7168xf32, #tpu.memory_space<hbm>> -> memref<64x64xf32, #tpu.memory_space<hbm>>
      %dma_wait3A_906 = tpu.memref_slice %arg4[%mul3A_895, %mul3A_901] : memref<16384x7168xf32, #tpu.memory_space<hbm>> -> memref<64x64xf32, #tpu.memory_space<hbm>>
      %dma_wait3A_907 = arith.constant 384 : i32
      %dma_wait3A_908 = arith.constant 0 : i32
      %dma_wait3A_909 = tpu.memref_slice %arg7[%dma_wait3A_907, %dma_wait3A_908] : memref<512x64xf32, #tpu.memory_space<vmem>> -> memref<64x64xf32, #tpu.memory_space<vmem>>
      tpu.wait_dma2 semaphore(%arg11 : memref<!tpu.dma_semaphore, #tpu.memory_space<semaphore_mem>>) src(%dma_wait3A_909 : memref<64x64xf32, #tpu.memory_space<vmem>>) dst(%dma_wait3A_906 : memref<64x64xf32, #tpu.memory_space<hbm>>)
      %jit3A_910 = arith.constant 8 : i32
      %div3A_911 = arith.divsi %add3A_24, %jit3A_910 : i32
      %sign3A_912 = arith.constant 0 : i32
      %sign3A_913 = arith.cmpi sgt, %add3A_24, %sign3A_912 : i32
      %sign3A_914 = arith.extui %sign3A_913 : i1 to i32
      %sign3A_915 = arith.constant 0 : i32
      %sign3A_916 = arith.cmpi slt, %add3A_24, %sign3A_915 : i32
      %sign3A_917 = arith.extui %sign3A_916 : i1 to i32
      %sign3A_918 = arith.subi %sign3A_914, %sign3A_917 : i32
      %sign3A_919 = arith.constant 0 : i32
      %sign3A_920 = arith.cmpi sgt, %jit3A_910, %sign3A_919 : i32
      %sign3A_921 = arith.extui %sign3A_920 : i1 to i32
      %sign3A_922 = arith.constant 0 : i32
      %sign3A_923 = arith.cmpi slt, %jit3A_910, %sign3A_922 : i32
      %sign3A_924 = arith.extui %sign3A_923 : i1 to i32
      %sign3A_925 = arith.subi %sign3A_921, %sign3A_924 : i32
      %ne3A_926 = arith.cmpi ne, %sign3A_918, %sign3A_925 : i32
      %rem3A_927 = arith.remsi %add3A_24, %jit3A_910 : i32
      %ne3A_928 = arith.constant 0 : i32
      %ne3A_929 = arith.cmpi ne, %rem3A_927, %ne3A_928 : i32
      %and3A_930 = arith.andi %ne3A_926, %ne3A_929 : i1
      %sub3A_931 = arith.constant 1 : i32
      %sub3A_932 = arith.subi %div3A_911, %sub3A_931 : i32
      %select_n3A_933 = arith.select %and3A_930, %sub3A_932, %div3A_911 : i32
      %jit3A_934 = arith.constant 8 : i32
      %eq3A_935 = arith.constant 0 : i32
      %eq3A_936 = arith.cmpi eq, %jit3A_934, %eq3A_935 : i32
      %jit3A_937 = arith.constant 1 : i32
      %select_n3A_938 = arith.select %eq3A_936, %jit3A_937, %jit3A_934 : i32
      %rem3A_939 = arith.remsi %add3A_24, %select_n3A_938 : i32
      %ne3A_940 = arith.constant 0 : i32
      %ne3A_941 = arith.cmpi ne, %rem3A_939, %ne3A_940 : i32
      %lt3A_942 = arith.constant 0 : i32
      %lt3A_943 = arith.cmpi slt, %rem3A_939, %lt3A_942 : i32
      %lt3A_944 = arith.constant 0 : i32
      %lt3A_945 = arith.cmpi slt, %select_n3A_938, %lt3A_944 : i32
      %ne3A_946 = arith.xori %lt3A_943, %lt3A_945 : i1
      %and3A_947 = arith.andi %ne3A_946, %ne3A_941 : i1
      %add3A_948 = arith.addi %rem3A_939, %select_n3A_938 : i32
      %select_n3A_949 = arith.select %and3A_947, %add3A_948, %rem3A_939 : i32
      %mul3A_950 = arith.constant 8 : i32
      %mul3A_951 = arith.muli %add3A, %mul3A_950 : i32
      %add3A_952 = arith.addi %mul3A_951, %select_n3A_949 : i32
      %mul3A_953 = arith.constant 64 : i32
      %mul3A_954 = arith.muli %add3A_952, %mul3A_953 : i32
      %mul3A_955 = arith.constant 8 : i32
      %mul3A_956 = arith.muli %select_n3A_933, %mul3A_955 : i32
      %add3A_957 = arith.constant 7 : i32
      %add3A_958 = arith.addi %mul3A_956, %add3A_957 : i32
      %mul3A_959 = arith.constant 128 : i32
      %mul3A_960 = arith.muli %add3A_958, %mul3A_959 : i32
      %dma_wait3A_961 = arith.constant 448 : i32
      %dma_wait3A_962 = arith.constant 0 : i32
      %dma_wait3A_963 = tpu.memref_slice %arg7[%dma_wait3A_961, %dma_wait3A_962] : memref<512x64xf32, #tpu.memory_space<vmem>> -> memref<64x64xf32, #tpu.memory_space<vmem>>
      %dma_wait3A_964 = tpu.memref_slice %arg4[%mul3A_954, %mul3A_960] : memref<16384x7168xf32, #tpu.memory_space<hbm>> -> memref<64x64xf32, #tpu.memory_space<hbm>>
      %dma_wait3A_965 = tpu.memref_slice %arg4[%mul3A_954, %mul3A_960] : memref<16384x7168xf32, #tpu.memory_space<hbm>> -> memref<64x64xf32, #tpu.memory_space<hbm>>
      %dma_wait3A_966 = arith.constant 448 : i32
      %dma_wait3A_967 = arith.constant 0 : i32
      %dma_wait3A_968 = tpu.memref_slice %arg7[%dma_wait3A_966, %dma_wait3A_967] : memref<512x64xf32, #tpu.memory_space<vmem>> -> memref<64x64xf32, #tpu.memory_space<vmem>>
      tpu.wait_dma2 semaphore(%arg11 : memref<!tpu.dma_semaphore, #tpu.memory_space<semaphore_mem>>) src(%dma_wait3A_968 : memref<64x64xf32, #tpu.memory_space<vmem>>) dst(%dma_wait3A_965 : memref<64x64xf32, #tpu.memory_space<hbm>>)
      %mul3A_969 = arith.constant 2 : i32
      %mul3A_970 = arith.muli %mul3A_969, %scan3A_20 : i32
      %add3A_971 = arith.constant 1 : i32
      %add3A_972 = arith.addi %mul3A_970, %add3A_971 : i32
      %add3A_973 = arith.constant 1 : i32
      %add3A_974 = arith.addi %add3A_972, %add3A_973 : i32
      %lt3A_975 = arith.constant 56 : i32
      %lt3A_976 = arith.cmpi slt, %add3A_974, %lt3A_975 : i32
      %convert_element_type3A_977 = arith.extui %lt3A_976 : i1 to i32
      %cond3A_978 = arith.constant 0 : i32
      %cond3A_979 = arith.cmpi ne, %convert_element_type3A_977, %cond3A_978 : i32
      scf.if %cond3A_979 {
        %add3A_1930 = arith.constant 1 : i32
        %add3A_1931 = arith.addi %add3A_972, %add3A_1930 : i32
        %mul3A_1932 = arith.constant 512 : i32
        %mul3A_1933 = arith.muli %add3A_1931, %mul3A_1932 : i32
        %dma_start3A_1934 = tpu.memref_slice %arg6[%mul3A_1933] : memref<28672xi32, #tpu.memory_space<vmem>> -> memref<512xi32, #tpu.memory_space<vmem>>
        %dma_start3A_1935 = arith.constant 0 : i32
        %dma_start3A_1936 = arith.constant 0 : i32
        %dma_start3A_1937 = tpu.memref_slice %arg3[%dma_start3A_1935, %dma_start3A_1936] : memref<1000000x64xf32, #tpu.memory_space<hbm>> -> memref<1000000x64xf32, #tpu.memory_space<hbm>>
        tpu.enqueue_indirect_dma source(%dma_start3A_1937 : memref<1000000x64xf32, #tpu.memory_space<hbm>>) target(%arg7 : memref<512x64xf32, #tpu.memory_space<vmem>>) offsets(%dma_start3A_1934 : memref<512xi32, #tpu.memory_space<vmem>>) semaphore(%arg9 : memref<!tpu.dma_semaphore, #tpu.memory_space<semaphore_mem>>)
      } else {
      }
      %mul3A_980 = arith.constant 512 : i32
      %mul3A_981 = arith.muli %add3A_972, %mul3A_980 : i32
      %dma_wait3A_982 = tpu.memref_slice %arg6[%mul3A_981] : memref<28672xi32, #tpu.memory_space<vmem>> -> memref<512xi32, #tpu.memory_space<vmem>>
      %dma_wait3A_983 = arith.constant 0 : i32
      %dma_wait3A_984 = arith.constant 0 : i32
      %dma_wait3A_985 = tpu.memref_slice %arg3[%dma_wait3A_983, %dma_wait3A_984] : memref<1000000x64xf32, #tpu.memory_space<hbm>> -> memref<1000000x64xf32, #tpu.memory_space<hbm>>
      tpu.wait_indirect_dma semaphore(%arg10 : memref<!tpu.dma_semaphore, #tpu.memory_space<semaphore_mem>>) src(%dma_wait3A_985 : memref<1000000x64xf32, #tpu.memory_space<hbm>>) dst(%arg8 : memref<512x64xf32, #tpu.memory_space<vmem>>)
      %jit3A_986 = arith.constant 8 : i32
      %div3A_987 = arith.divsi %add3A_972, %jit3A_986 : i32
      %sign3A_988 = arith.constant 0 : i32
      %sign3A_989 = arith.cmpi sgt, %add3A_972, %sign3A_988 : i32
      %sign3A_990 = arith.extui %sign3A_989 : i1 to i32
      %sign3A_991 = arith.constant 0 : i32
      %sign3A_992 = arith.cmpi slt, %add3A_972, %sign3A_991 : i32
      %sign3A_993 = arith.extui %sign3A_992 : i1 to i32
      %sign3A_994 = arith.subi %sign3A_990, %sign3A_993 : i32
      %sign3A_995 = arith.constant 0 : i32
      %sign3A_996 = arith.cmpi sgt, %jit3A_986, %sign3A_995 : i32
      %sign3A_997 = arith.extui %sign3A_996 : i1 to i32
      %sign3A_998 = arith.constant 0 : i32
      %sign3A_999 = arith.cmpi slt, %jit3A_986, %sign3A_998 : i32
      %sign3A_1000 = arith.extui %sign3A_999 : i1 to i32
      %sign3A_1001 = arith.subi %sign3A_997, %sign3A_1000 : i32
      %ne3A_1002 = arith.cmpi ne, %sign3A_994, %sign3A_1001 : i32
      %rem3A_1003 = arith.remsi %add3A_972, %jit3A_986 : i32
      %ne3A_1004 = arith.constant 0 : i32
      %ne3A_1005 = arith.cmpi ne, %rem3A_1003, %ne3A_1004 : i32
      %and3A_1006 = arith.andi %ne3A_1002, %ne3A_1005 : i1
      %sub3A_1007 = arith.constant 1 : i32
      %sub3A_1008 = arith.subi %div3A_987, %sub3A_1007 : i32
      %select_n3A_1009 = arith.select %and3A_1006, %sub3A_1008, %div3A_987 : i32
      %jit3A_1010 = arith.constant 8 : i32
      %eq3A_1011 = arith.constant 0 : i32
      %eq3A_1012 = arith.cmpi eq, %jit3A_1010, %eq3A_1011 : i32
      %jit3A_1013 = arith.constant 1 : i32
      %select_n3A_1014 = arith.select %eq3A_1012, %jit3A_1013, %jit3A_1010 : i32
      %rem3A_1015 = arith.remsi %add3A_972, %select_n3A_1014 : i32
      %ne3A_1016 = arith.constant 0 : i32
      %ne3A_1017 = arith.cmpi ne, %rem3A_1015, %ne3A_1016 : i32
      %lt3A_1018 = arith.constant 0 : i32
      %lt3A_1019 = arith.cmpi slt, %rem3A_1015, %lt3A_1018 : i32
      %lt3A_1020 = arith.constant 0 : i32
      %lt3A_1021 = arith.cmpi slt, %select_n3A_1014, %lt3A_1020 : i32
      %ne3A_1022 = arith.xori %lt3A_1019, %lt3A_1021 : i1
      %and3A_1023 = arith.andi %ne3A_1022, %ne3A_1017 : i1
      %add3A_1024 = arith.addi %rem3A_1015, %select_n3A_1014 : i32
      %select_n3A_1025 = arith.select %and3A_1023, %add3A_1024, %rem3A_1015 : i32
      %mul3A_1026 = arith.constant 8 : i32
      %mul3A_1027 = arith.muli %add3A, %mul3A_1026 : i32
      %add3A_1028 = arith.addi %mul3A_1027, %select_n3A_1025 : i32
      %mul3A_1029 = arith.constant 64 : i32
      %mul3A_1030 = arith.muli %add3A_1028, %mul3A_1029 : i32
      %mul3A_1031 = arith.constant 8 : i32
      %mul3A_1032 = arith.muli %select_n3A_1009, %mul3A_1031 : i32
      %add3A_1033 = arith.constant 0 : i32
      %add3A_1034 = arith.addi %mul3A_1032, %add3A_1033 : i32
      %mul3A_1035 = arith.constant 128 : i32
      %mul3A_1036 = arith.muli %add3A_1034, %mul3A_1035 : i32
      %dma_start3A_1037 = arith.constant 0 : i32
      %dma_start3A_1038 = arith.constant 0 : i32
      %dma_start3A_1039 = tpu.memref_slice %arg8[%dma_start3A_1037, %dma_start3A_1038] : memref<512x64xf32, #tpu.memory_space<vmem>> -> memref<64x64xf32, #tpu.memory_space<vmem>>
      %dma_start3A_1040 = tpu.memref_slice %arg4[%mul3A_1030, %mul3A_1036] : memref<16384x7168xf32, #tpu.memory_space<hbm>> -> memref<64x64xf32, #tpu.memory_space<hbm>>
      %dma_start3A_1041 = tpu.memref_slice %arg4[%mul3A_1030, %mul3A_1036] : memref<16384x7168xf32, #tpu.memory_space<hbm>> -> memref<64x64xf32, #tpu.memory_space<hbm>>
      %dma_start3A_1042 = arith.constant 0 : i32
      %dma_start3A_1043 = arith.constant 0 : i32
      %dma_start3A_1044 = tpu.memref_slice %arg8[%dma_start3A_1042, %dma_start3A_1043] : memref<512x64xf32, #tpu.memory_space<vmem>> -> memref<64x64xf32, #tpu.memory_space<vmem>>
      tpu.enqueue_dma source(%dma_start3A_1044 : memref<64x64xf32, #tpu.memory_space<vmem>>) target(%dma_start3A_1041 : memref<64x64xf32, #tpu.memory_space<hbm>>) target_semaphore(%arg11 : memref<!tpu.dma_semaphore, #tpu.memory_space<semaphore_mem>>)
      %jit3A_1045 = arith.constant 8 : i32
      %div3A_1046 = arith.divsi %add3A_972, %jit3A_1045 : i32
      %sign3A_1047 = arith.constant 0 : i32
      %sign3A_1048 = arith.cmpi sgt, %add3A_972, %sign3A_1047 : i32
      %sign3A_1049 = arith.extui %sign3A_1048 : i1 to i32
      %sign3A_1050 = arith.constant 0 : i32
      %sign3A_1051 = arith.cmpi slt, %add3A_972, %sign3A_1050 : i32
      %sign3A_1052 = arith.extui %sign3A_1051 : i1 to i32
      %sign3A_1053 = arith.subi %sign3A_1049, %sign3A_1052 : i32
      %sign3A_1054 = arith.constant 0 : i32
      %sign3A_1055 = arith.cmpi sgt, %jit3A_1045, %sign3A_1054 : i32
      %sign3A_1056 = arith.extui %sign3A_1055 : i1 to i32
      %sign3A_1057 = arith.constant 0 : i32
      %sign3A_1058 = arith.cmpi slt, %jit3A_1045, %sign3A_1057 : i32
      %sign3A_1059 = arith.extui %sign3A_1058 : i1 to i32
      %sign3A_1060 = arith.subi %sign3A_1056, %sign3A_1059 : i32
      %ne3A_1061 = arith.cmpi ne, %sign3A_1053, %sign3A_1060 : i32
      %rem3A_1062 = arith.remsi %add3A_972, %jit3A_1045 : i32
      %ne3A_1063 = arith.constant 0 : i32
      %ne3A_1064 = arith.cmpi ne, %rem3A_1062, %ne3A_1063 : i32
      %and3A_1065 = arith.andi %ne3A_1061, %ne3A_1064 : i1
      %sub3A_1066 = arith.constant 1 : i32
      %sub3A_1067 = arith.subi %div3A_1046, %sub3A_1066 : i32
      %select_n3A_1068 = arith.select %and3A_1065, %sub3A_1067, %div3A_1046 : i32
      %jit3A_1069 = arith.constant 8 : i32
      %eq3A_1070 = arith.constant 0 : i32
      %eq3A_1071 = arith.cmpi eq, %jit3A_1069, %eq3A_1070 : i32
      %jit3A_1072 = arith.constant 1 : i32
      %select_n3A_1073 = arith.select %eq3A_1071, %jit3A_1072, %jit3A_1069 : i32
      %rem3A_1074 = arith.remsi %add3A_972, %select_n3A_1073 : i32
      %ne3A_1075 = arith.constant 0 : i32
      %ne3A_1076 = arith.cmpi ne, %rem3A_1074, %ne3A_1075 : i32
      %lt3A_1077 = arith.constant 0 : i32
      %lt3A_1078 = arith.cmpi slt, %rem3A_1074, %lt3A_1077 : i32
      %lt3A_1079 = arith.constant 0 : i32
      %lt3A_1080 = arith.cmpi slt, %select_n3A_1073, %lt3A_1079 : i32
      %ne3A_1081 = arith.xori %lt3A_1078, %lt3A_1080 : i1
      %and3A_1082 = arith.andi %ne3A_1081, %ne3A_1076 : i1
      %add3A_1083 = arith.addi %rem3A_1074, %select_n3A_1073 : i32
      %select_n3A_1084 = arith.select %and3A_1082, %add3A_1083, %rem3A_1074 : i32
      %mul3A_1085 = arith.constant 8 : i32
      %mul3A_1086 = arith.muli %add3A, %mul3A_1085 : i32
      %add3A_1087 = arith.addi %mul3A_1086, %select_n3A_1084 : i32
      %mul3A_1088 = arith.constant 64 : i32
      %mul3A_1089 = arith.muli %add3A_1087, %mul3A_1088 : i32
      %mul3A_1090 = arith.constant 8 : i32
      %mul3A_1091 = arith.muli %select_n3A_1068, %mul3A_1090 : i32
      %add3A_1092 = arith.constant 1 : i32
      %add3A_1093 = arith.addi %mul3A_1091, %add3A_1092 : i32
      %mul3A_1094 = arith.constant 128 : i32
      %mul3A_1095 = arith.muli %add3A_1093, %mul3A_1094 : i32
      %dma_start3A_1096 = arith.constant 64 : i32
      %dma_start3A_1097 = arith.constant 0 : i32
      %dma_start3A_1098 = tpu.memref_slice %arg8[%dma_start3A_1096, %dma_start3A_1097] : memref<512x64xf32, #tpu.memory_space<vmem>> -> memref<64x64xf32, #tpu.memory_space<vmem>>
      %dma_start3A_1099 = tpu.memref_slice %arg4[%mul3A_1089, %mul3A_1095] : memref<16384x7168xf32, #tpu.memory_space<hbm>> -> memref<64x64xf32, #tpu.memory_space<hbm>>
      %dma_start3A_1100 = tpu.memref_slice %arg4[%mul3A_1089, %mul3A_1095] : memref<16384x7168xf32, #tpu.memory_space<hbm>> -> memref<64x64xf32, #tpu.memory_space<hbm>>
      %dma_start3A_1101 = arith.constant 64 : i32
      %dma_start3A_1102 = arith.constant 0 : i32
      %dma_start3A_1103 = tpu.memref_slice %arg8[%dma_start3A_1101, %dma_start3A_1102] : memref<512x64xf32, #tpu.memory_space<vmem>> -> memref<64x64xf32, #tpu.memory_space<vmem>>
      tpu.enqueue_dma source(%dma_start3A_1103 : memref<64x64xf32, #tpu.memory_space<vmem>>) target(%dma_start3A_1100 : memref<64x64xf32, #tpu.memory_space<hbm>>) target_semaphore(%arg11 : memref<!tpu.dma_semaphore, #tpu.memory_space<semaphore_mem>>)
      %jit3A_1104 = arith.constant 8 : i32
      %div3A_1105 = arith.divsi %add3A_972, %jit3A_1104 : i32
      %sign3A_1106 = arith.constant 0 : i32
      %sign3A_1107 = arith.cmpi sgt, %add3A_972, %sign3A_1106 : i32
      %sign3A_1108 = arith.extui %sign3A_1107 : i1 to i32
      %sign3A_1109 = arith.constant 0 : i32
      %sign3A_1110 = arith.cmpi slt, %add3A_972, %sign3A_1109 : i32
      %sign3A_1111 = arith.extui %sign3A_1110 : i1 to i32
      %sign3A_1112 = arith.subi %sign3A_1108, %sign3A_1111 : i32
      %sign3A_1113 = arith.constant 0 : i32
      %sign3A_1114 = arith.cmpi sgt, %jit3A_1104, %sign3A_1113 : i32
      %sign3A_1115 = arith.extui %sign3A_1114 : i1 to i32
      %sign3A_1116 = arith.constant 0 : i32
      %sign3A_1117 = arith.cmpi slt, %jit3A_1104, %sign3A_1116 : i32
      %sign3A_1118 = arith.extui %sign3A_1117 : i1 to i32
      %sign3A_1119 = arith.subi %sign3A_1115, %sign3A_1118 : i32
      %ne3A_1120 = arith.cmpi ne, %sign3A_1112, %sign3A_1119 : i32
      %rem3A_1121 = arith.remsi %add3A_972, %jit3A_1104 : i32
      %ne3A_1122 = arith.constant 0 : i32
      %ne3A_1123 = arith.cmpi ne, %rem3A_1121, %ne3A_1122 : i32
      %and3A_1124 = arith.andi %ne3A_1120, %ne3A_1123 : i1
      %sub3A_1125 = arith.constant 1 : i32
      %sub3A_1126 = arith.subi %div3A_1105, %sub3A_1125 : i32
      %select_n3A_1127 = arith.select %and3A_1124, %sub3A_1126, %div3A_1105 : i32
      %jit3A_1128 = arith.constant 8 : i32
      %eq3A_1129 = arith.constant 0 : i32
      %eq3A_1130 = arith.cmpi eq, %jit3A_1128, %eq3A_1129 : i32
      %jit3A_1131 = arith.constant 1 : i32
      %select_n3A_1132 = arith.select %eq3A_1130, %jit3A_1131, %jit3A_1128 : i32
      %rem3A_1133 = arith.remsi %add3A_972, %select_n3A_1132 : i32
      %ne3A_1134 = arith.constant 0 : i32
      %ne3A_1135 = arith.cmpi ne, %rem3A_1133, %ne3A_1134 : i32
      %lt3A_1136 = arith.constant 0 : i32
      %lt3A_1137 = arith.cmpi slt, %rem3A_1133, %lt3A_1136 : i32
      %lt3A_1138 = arith.constant 0 : i32
      %lt3A_1139 = arith.cmpi slt, %select_n3A_1132, %lt3A_1138 : i32
      %ne3A_1140 = arith.xori %lt3A_1137, %lt3A_1139 : i1
      %and3A_1141 = arith.andi %ne3A_1140, %ne3A_1135 : i1
      %add3A_1142 = arith.addi %rem3A_1133, %select_n3A_1132 : i32
      %select_n3A_1143 = arith.select %and3A_1141, %add3A_1142, %rem3A_1133 : i32
      %mul3A_1144 = arith.constant 8 : i32
      %mul3A_1145 = arith.muli %add3A, %mul3A_1144 : i32
      %add3A_1146 = arith.addi %mul3A_1145, %select_n3A_1143 : i32
      %mul3A_1147 = arith.constant 64 : i32
      %mul3A_1148 = arith.muli %add3A_1146, %mul3A_1147 : i32
      %mul3A_1149 = arith.constant 8 : i32
      %mul3A_1150 = arith.muli %select_n3A_1127, %mul3A_1149 : i32
      %add3A_1151 = arith.constant 0 : i32
      %add3A_1152 = arith.addi %mul3A_1150, %add3A_1151 : i32
      %mul3A_1153 = arith.constant 128 : i32
      %mul3A_1154 = arith.muli %add3A_1152, %mul3A_1153 : i32
      %dma_wait3A_1155 = arith.constant 0 : i32
      %dma_wait3A_1156 = arith.constant 0 : i32
      %dma_wait3A_1157 = tpu.memref_slice %arg8[%dma_wait3A_1155, %dma_wait3A_1156] : memref<512x64xf32, #tpu.memory_space<vmem>> -> memref<64x64xf32, #tpu.memory_space<vmem>>
      %dma_wait3A_1158 = tpu.memref_slice %arg4[%mul3A_1148, %mul3A_1154] : memref<16384x7168xf32, #tpu.memory_space<hbm>> -> memref<64x64xf32, #tpu.memory_space<hbm>>
      %dma_wait3A_1159 = tpu.memref_slice %arg4[%mul3A_1148, %mul3A_1154] : memref<16384x7168xf32, #tpu.memory_space<hbm>> -> memref<64x64xf32, #tpu.memory_space<hbm>>
      %dma_wait3A_1160 = arith.constant 0 : i32
      %dma_wait3A_1161 = arith.constant 0 : i32
      %dma_wait3A_1162 = tpu.memref_slice %arg8[%dma_wait3A_1160, %dma_wait3A_1161] : memref<512x64xf32, #tpu.memory_space<vmem>> -> memref<64x64xf32, #tpu.memory_space<vmem>>
      tpu.wait_dma2 semaphore(%arg11 : memref<!tpu.dma_semaphore, #tpu.memory_space<semaphore_mem>>) src(%dma_wait3A_1162 : memref<64x64xf32, #tpu.memory_space<vmem>>) dst(%dma_wait3A_1159 : memref<64x64xf32, #tpu.memory_space<hbm>>)
      %jit3A_1163 = arith.constant 8 : i32
      %div3A_1164 = arith.divsi %add3A_972, %jit3A_1163 : i32
      %sign3A_1165 = arith.constant 0 : i32
      %sign3A_1166 = arith.cmpi sgt, %add3A_972, %sign3A_1165 : i32
      %sign3A_1167 = arith.extui %sign3A_1166 : i1 to i32
      %sign3A_1168 = arith.constant 0 : i32
      %sign3A_1169 = arith.cmpi slt, %add3A_972, %sign3A_1168 : i32
      %sign3A_1170 = arith.extui %sign3A_1169 : i1 to i32
      %sign3A_1171 = arith.subi %sign3A_1167, %sign3A_1170 : i32
      %sign3A_1172 = arith.constant 0 : i32
      %sign3A_1173 = arith.cmpi sgt, %jit3A_1163, %sign3A_1172 : i32
      %sign3A_1174 = arith.extui %sign3A_1173 : i1 to i32
      %sign3A_1175 = arith.constant 0 : i32
      %sign3A_1176 = arith.cmpi slt, %jit3A_1163, %sign3A_1175 : i32
      %sign3A_1177 = arith.extui %sign3A_1176 : i1 to i32
      %sign3A_1178 = arith.subi %sign3A_1174, %sign3A_1177 : i32
      %ne3A_1179 = arith.cmpi ne, %sign3A_1171, %sign3A_1178 : i32
      %rem3A_1180 = arith.remsi %add3A_972, %jit3A_1163 : i32
      %ne3A_1181 = arith.constant 0 : i32
      %ne3A_1182 = arith.cmpi ne, %rem3A_1180, %ne3A_1181 : i32
      %and3A_1183 = arith.andi %ne3A_1179, %ne3A_1182 : i1
      %sub3A_1184 = arith.constant 1 : i32
      %sub3A_1185 = arith.subi %div3A_1164, %sub3A_1184 : i32
      %select_n3A_1186 = arith.select %and3A_1183, %sub3A_1185, %div3A_1164 : i32
      %jit3A_1187 = arith.constant 8 : i32
      %eq3A_1188 = arith.constant 0 : i32
      %eq3A_1189 = arith.cmpi eq, %jit3A_1187, %eq3A_1188 : i32
      %jit3A_1190 = arith.constant 1 : i32
      %select_n3A_1191 = arith.select %eq3A_1189, %jit3A_1190, %jit3A_1187 : i32
      %rem3A_1192 = arith.remsi %add3A_972, %select_n3A_1191 : i32
      %ne3A_1193 = arith.constant 0 : i32
      %ne3A_1194 = arith.cmpi ne, %rem3A_1192, %ne3A_1193 : i32
      %lt3A_1195 = arith.constant 0 : i32
      %lt3A_1196 = arith.cmpi slt, %rem3A_1192, %lt3A_1195 : i32
      %lt3A_1197 = arith.constant 0 : i32
      %lt3A_1198 = arith.cmpi slt, %select_n3A_1191, %lt3A_1197 : i32
      %ne3A_1199 = arith.xori %lt3A_1196, %lt3A_1198 : i1
      %and3A_1200 = arith.andi %ne3A_1199, %ne3A_1194 : i1
      %add3A_1201 = arith.addi %rem3A_1192, %select_n3A_1191 : i32
      %select_n3A_1202 = arith.select %and3A_1200, %add3A_1201, %rem3A_1192 : i32
      %mul3A_1203 = arith.constant 8 : i32
      %mul3A_1204 = arith.muli %add3A, %mul3A_1203 : i32
      %add3A_1205 = arith.addi %mul3A_1204, %select_n3A_1202 : i32
      %mul3A_1206 = arith.constant 64 : i32
      %mul3A_1207 = arith.muli %add3A_1205, %mul3A_1206 : i32
      %mul3A_1208 = arith.constant 8 : i32
      %mul3A_1209 = arith.muli %select_n3A_1186, %mul3A_1208 : i32
      %add3A_1210 = arith.constant 2 : i32
      %add3A_1211 = arith.addi %mul3A_1209, %add3A_1210 : i32
      %mul3A_1212 = arith.constant 128 : i32
      %mul3A_1213 = arith.muli %add3A_1211, %mul3A_1212 : i32
      %dma_start3A_1214 = arith.constant 128 : i32
      %dma_start3A_1215 = arith.constant 0 : i32
      %dma_start3A_1216 = tpu.memref_slice %arg8[%dma_start3A_1214, %dma_start3A_1215] : memref<512x64xf32, #tpu.memory_space<vmem>> -> memref<64x64xf32, #tpu.memory_space<vmem>>
      %dma_start3A_1217 = tpu.memref_slice %arg4[%mul3A_1207, %mul3A_1213] : memref<16384x7168xf32, #tpu.memory_space<hbm>> -> memref<64x64xf32, #tpu.memory_space<hbm>>
      %dma_start3A_1218 = tpu.memref_slice %arg4[%mul3A_1207, %mul3A_1213] : memref<16384x7168xf32, #tpu.memory_space<hbm>> -> memref<64x64xf32, #tpu.memory_space<hbm>>
      %dma_start3A_1219 = arith.constant 128 : i32
      %dma_start3A_1220 = arith.constant 0 : i32
      %dma_start3A_1221 = tpu.memref_slice %arg8[%dma_start3A_1219, %dma_start3A_1220] : memref<512x64xf32, #tpu.memory_space<vmem>> -> memref<64x64xf32, #tpu.memory_space<vmem>>
      tpu.enqueue_dma source(%dma_start3A_1221 : memref<64x64xf32, #tpu.memory_space<vmem>>) target(%dma_start3A_1218 : memref<64x64xf32, #tpu.memory_space<hbm>>) target_semaphore(%arg11 : memref<!tpu.dma_semaphore, #tpu.memory_space<semaphore_mem>>)
      %jit3A_1222 = arith.constant 8 : i32
      %div3A_1223 = arith.divsi %add3A_972, %jit3A_1222 : i32
      %sign3A_1224 = arith.constant 0 : i32
      %sign3A_1225 = arith.cmpi sgt, %add3A_972, %sign3A_1224 : i32
      %sign3A_1226 = arith.extui %sign3A_1225 : i1 to i32
      %sign3A_1227 = arith.constant 0 : i32
      %sign3A_1228 = arith.cmpi slt, %add3A_972, %sign3A_1227 : i32
      %sign3A_1229 = arith.extui %sign3A_1228 : i1 to i32
      %sign3A_1230 = arith.subi %sign3A_1226, %sign3A_1229 : i32
      %sign3A_1231 = arith.constant 0 : i32
      %sign3A_1232 = arith.cmpi sgt, %jit3A_1222, %sign3A_1231 : i32
      %sign3A_1233 = arith.extui %sign3A_1232 : i1 to i32
      %sign3A_1234 = arith.constant 0 : i32
      %sign3A_1235 = arith.cmpi slt, %jit3A_1222, %sign3A_1234 : i32
      %sign3A_1236 = arith.extui %sign3A_1235 : i1 to i32
      %sign3A_1237 = arith.subi %sign3A_1233, %sign3A_1236 : i32
      %ne3A_1238 = arith.cmpi ne, %sign3A_1230, %sign3A_1237 : i32
      %rem3A_1239 = arith.remsi %add3A_972, %jit3A_1222 : i32
      %ne3A_1240 = arith.constant 0 : i32
      %ne3A_1241 = arith.cmpi ne, %rem3A_1239, %ne3A_1240 : i32
      %and3A_1242 = arith.andi %ne3A_1238, %ne3A_1241 : i1
      %sub3A_1243 = arith.constant 1 : i32
      %sub3A_1244 = arith.subi %div3A_1223, %sub3A_1243 : i32
      %select_n3A_1245 = arith.select %and3A_1242, %sub3A_1244, %div3A_1223 : i32
      %jit3A_1246 = arith.constant 8 : i32
      %eq3A_1247 = arith.constant 0 : i32
      %eq3A_1248 = arith.cmpi eq, %jit3A_1246, %eq3A_1247 : i32
      %jit3A_1249 = arith.constant 1 : i32
      %select_n3A_1250 = arith.select %eq3A_1248, %jit3A_1249, %jit3A_1246 : i32
      %rem3A_1251 = arith.remsi %add3A_972, %select_n3A_1250 : i32
      %ne3A_1252 = arith.constant 0 : i32
      %ne3A_1253 = arith.cmpi ne, %rem3A_1251, %ne3A_1252 : i32
      %lt3A_1254 = arith.constant 0 : i32
      %lt3A_1255 = arith.cmpi slt, %rem3A_1251, %lt3A_1254 : i32
      %lt3A_1256 = arith.constant 0 : i32
      %lt3A_1257 = arith.cmpi slt, %select_n3A_1250, %lt3A_1256 : i32
      %ne3A_1258 = arith.xori %lt3A_1255, %lt3A_1257 : i1
      %and3A_1259 = arith.andi %ne3A_1258, %ne3A_1253 : i1
      %add3A_1260 = arith.addi %rem3A_1251, %select_n3A_1250 : i32
      %select_n3A_1261 = arith.select %and3A_1259, %add3A_1260, %rem3A_1251 : i32
      %mul3A_1262 = arith.constant 8 : i32
      %mul3A_1263 = arith.muli %add3A, %mul3A_1262 : i32
      %add3A_1264 = arith.addi %mul3A_1263, %select_n3A_1261 : i32
      %mul3A_1265 = arith.constant 64 : i32
      %mul3A_1266 = arith.muli %add3A_1264, %mul3A_1265 : i32
      %mul3A_1267 = arith.constant 8 : i32
      %mul3A_1268 = arith.muli %select_n3A_1245, %mul3A_1267 : i32
      %add3A_1269 = arith.constant 1 : i32
      %add3A_1270 = arith.addi %mul3A_1268, %add3A_1269 : i32
      %mul3A_1271 = arith.constant 128 : i32
      %mul3A_1272 = arith.muli %add3A_1270, %mul3A_1271 : i32
      %dma_wait3A_1273 = arith.constant 64 : i32
      %dma_wait3A_1274 = arith.constant 0 : i32
      %dma_wait3A_1275 = tpu.memref_slice %arg8[%dma_wait3A_1273, %dma_wait3A_1274] : memref<512x64xf32, #tpu.memory_space<vmem>> -> memref<64x64xf32, #tpu.memory_space<vmem>>
      %dma_wait3A_1276 = tpu.memref_slice %arg4[%mul3A_1266, %mul3A_1272] : memref<16384x7168xf32, #tpu.memory_space<hbm>> -> memref<64x64xf32, #tpu.memory_space<hbm>>
      %dma_wait3A_1277 = tpu.memref_slice %arg4[%mul3A_1266, %mul3A_1272] : memref<16384x7168xf32, #tpu.memory_space<hbm>> -> memref<64x64xf32, #tpu.memory_space<hbm>>
      %dma_wait3A_1278 = arith.constant 64 : i32
      %dma_wait3A_1279 = arith.constant 0 : i32
      %dma_wait3A_1280 = tpu.memref_slice %arg8[%dma_wait3A_1278, %dma_wait3A_1279] : memref<512x64xf32, #tpu.memory_space<vmem>> -> memref<64x64xf32, #tpu.memory_space<vmem>>
      tpu.wait_dma2 semaphore(%arg11 : memref<!tpu.dma_semaphore, #tpu.memory_space<semaphore_mem>>) src(%dma_wait3A_1280 : memref<64x64xf32, #tpu.memory_space<vmem>>) dst(%dma_wait3A_1277 : memref<64x64xf32, #tpu.memory_space<hbm>>)
      %jit3A_1281 = arith.constant 8 : i32
      %div3A_1282 = arith.divsi %add3A_972, %jit3A_1281 : i32
      %sign3A_1283 = arith.constant 0 : i32
      %sign3A_1284 = arith.cmpi sgt, %add3A_972, %sign3A_1283 : i32
      %sign3A_1285 = arith.extui %sign3A_1284 : i1 to i32
      %sign3A_1286 = arith.constant 0 : i32
      %sign3A_1287 = arith.cmpi slt, %add3A_972, %sign3A_1286 : i32
      %sign3A_1288 = arith.extui %sign3A_1287 : i1 to i32
      %sign3A_1289 = arith.subi %sign3A_1285, %sign3A_1288 : i32
      %sign3A_1290 = arith.constant 0 : i32
      %sign3A_1291 = arith.cmpi sgt, %jit3A_1281, %sign3A_1290 : i32
      %sign3A_1292 = arith.extui %sign3A_1291 : i1 to i32
      %sign3A_1293 = arith.constant 0 : i32
      %sign3A_1294 = arith.cmpi slt, %jit3A_1281, %sign3A_1293 : i32
      %sign3A_1295 = arith.extui %sign3A_1294 : i1 to i32
      %sign3A_1296 = arith.subi %sign3A_1292, %sign3A_1295 : i32
      %ne3A_1297 = arith.cmpi ne, %sign3A_1289, %sign3A_1296 : i32
      %rem3A_1298 = arith.remsi %add3A_972, %jit3A_1281 : i32
      %ne3A_1299 = arith.constant 0 : i32
      %ne3A_1300 = arith.cmpi ne, %rem3A_1298, %ne3A_1299 : i32
      %and3A_1301 = arith.andi %ne3A_1297, %ne3A_1300 : i1
      %sub3A_1302 = arith.constant 1 : i32
      %sub3A_1303 = arith.subi %div3A_1282, %sub3A_1302 : i32
      %select_n3A_1304 = arith.select %and3A_1301, %sub3A_1303, %div3A_1282 : i32
      %jit3A_1305 = arith.constant 8 : i32
      %eq3A_1306 = arith.constant 0 : i32
      %eq3A_1307 = arith.cmpi eq, %jit3A_1305, %eq3A_1306 : i32
      %jit3A_1308 = arith.constant 1 : i32
      %select_n3A_1309 = arith.select %eq3A_1307, %jit3A_1308, %jit3A_1305 : i32
      %rem3A_1310 = arith.remsi %add3A_972, %select_n3A_1309 : i32
      %ne3A_1311 = arith.constant 0 : i32
      %ne3A_1312 = arith.cmpi ne, %rem3A_1310, %ne3A_1311 : i32
      %lt3A_1313 = arith.constant 0 : i32
      %lt3A_1314 = arith.cmpi slt, %rem3A_1310, %lt3A_1313 : i32
      %lt3A_1315 = arith.constant 0 : i32
      %lt3A_1316 = arith.cmpi slt, %select_n3A_1309, %lt3A_1315 : i32
      %ne3A_1317 = arith.xori %lt3A_1314, %lt3A_1316 : i1
      %and3A_1318 = arith.andi %ne3A_1317, %ne3A_1312 : i1
      %add3A_1319 = arith.addi %rem3A_1310, %select_n3A_1309 : i32
      %select_n3A_1320 = arith.select %and3A_1318, %add3A_1319, %rem3A_1310 : i32
      %mul3A_1321 = arith.constant 8 : i32
      %mul3A_1322 = arith.muli %add3A, %mul3A_1321 : i32
      %add3A_1323 = arith.addi %mul3A_1322, %select_n3A_1320 : i32
      %mul3A_1324 = arith.constant 64 : i32
      %mul3A_1325 = arith.muli %add3A_1323, %mul3A_1324 : i32
      %mul3A_1326 = arith.constant 8 : i32
      %mul3A_1327 = arith.muli %select_n3A_1304, %mul3A_1326 : i32
      %add3A_1328 = arith.constant 3 : i32
      %add3A_1329 = arith.addi %mul3A_1327, %add3A_1328 : i32
      %mul3A_1330 = arith.constant 128 : i32
      %mul3A_1331 = arith.muli %add3A_1329, %mul3A_1330 : i32
      %dma_start3A_1332 = arith.constant 192 : i32
      %dma_start3A_1333 = arith.constant 0 : i32
      %dma_start3A_1334 = tpu.memref_slice %arg8[%dma_start3A_1332, %dma_start3A_1333] : memref<512x64xf32, #tpu.memory_space<vmem>> -> memref<64x64xf32, #tpu.memory_space<vmem>>
      %dma_start3A_1335 = tpu.memref_slice %arg4[%mul3A_1325, %mul3A_1331] : memref<16384x7168xf32, #tpu.memory_space<hbm>> -> memref<64x64xf32, #tpu.memory_space<hbm>>
      %dma_start3A_1336 = tpu.memref_slice %arg4[%mul3A_1325, %mul3A_1331] : memref<16384x7168xf32, #tpu.memory_space<hbm>> -> memref<64x64xf32, #tpu.memory_space<hbm>>
      %dma_start3A_1337 = arith.constant 192 : i32
      %dma_start3A_1338 = arith.constant 0 : i32
      %dma_start3A_1339 = tpu.memref_slice %arg8[%dma_start3A_1337, %dma_start3A_1338] : memref<512x64xf32, #tpu.memory_space<vmem>> -> memref<64x64xf32, #tpu.memory_space<vmem>>
      tpu.enqueue_dma source(%dma_start3A_1339 : memref<64x64xf32, #tpu.memory_space<vmem>>) target(%dma_start3A_1336 : memref<64x64xf32, #tpu.memory_space<hbm>>) target_semaphore(%arg11 : memref<!tpu.dma_semaphore, #tpu.memory_space<semaphore_mem>>)
      %jit3A_1340 = arith.constant 8 : i32
      %div3A_1341 = arith.divsi %add3A_972, %jit3A_1340 : i32
      %sign3A_1342 = arith.constant 0 : i32
      %sign3A_1343 = arith.cmpi sgt, %add3A_972, %sign3A_1342 : i32
      %sign3A_1344 = arith.extui %sign3A_1343 : i1 to i32
      %sign3A_1345 = arith.constant 0 : i32
      %sign3A_1346 = arith.cmpi slt, %add3A_972, %sign3A_1345 : i32
      %sign3A_1347 = arith.extui %sign3A_1346 : i1 to i32
      %sign3A_1348 = arith.subi %sign3A_1344, %sign3A_1347 : i32
      %sign3A_1349 = arith.constant 0 : i32
      %sign3A_1350 = arith.cmpi sgt, %jit3A_1340, %sign3A_1349 : i32
      %sign3A_1351 = arith.extui %sign3A_1350 : i1 to i32
      %sign3A_1352 = arith.constant 0 : i32
      %sign3A_1353 = arith.cmpi slt, %jit3A_1340, %sign3A_1352 : i32
      %sign3A_1354 = arith.extui %sign3A_1353 : i1 to i32
      %sign3A_1355 = arith.subi %sign3A_1351, %sign3A_1354 : i32
      %ne3A_1356 = arith.cmpi ne, %sign3A_1348, %sign3A_1355 : i32
      %rem3A_1357 = arith.remsi %add3A_972, %jit3A_1340 : i32
      %ne3A_1358 = arith.constant 0 : i32
      %ne3A_1359 = arith.cmpi ne, %rem3A_1357, %ne3A_1358 : i32
      %and3A_1360 = arith.andi %ne3A_1356, %ne3A_1359 : i1
      %sub3A_1361 = arith.constant 1 : i32
      %sub3A_1362 = arith.subi %div3A_1341, %sub3A_1361 : i32
      %select_n3A_1363 = arith.select %and3A_1360, %sub3A_1362, %div3A_1341 : i32
      %jit3A_1364 = arith.constant 8 : i32
      %eq3A_1365 = arith.constant 0 : i32
      %eq3A_1366 = arith.cmpi eq, %jit3A_1364, %eq3A_1365 : i32
      %jit3A_1367 = arith.constant 1 : i32
      %select_n3A_1368 = arith.select %eq3A_1366, %jit3A_1367, %jit3A_1364 : i32
      %rem3A_1369 = arith.remsi %add3A_972, %select_n3A_1368 : i32
      %ne3A_1370 = arith.constant 0 : i32
      %ne3A_1371 = arith.cmpi ne, %rem3A_1369, %ne3A_1370 : i32
      %lt3A_1372 = arith.constant 0 : i32
      %lt3A_1373 = arith.cmpi slt, %rem3A_1369, %lt3A_1372 : i32
      %lt3A_1374 = arith.constant 0 : i32
      %lt3A_1375 = arith.cmpi slt, %select_n3A_1368, %lt3A_1374 : i32
      %ne3A_1376 = arith.xori %lt3A_1373, %lt3A_1375 : i1
      %and3A_1377 = arith.andi %ne3A_1376, %ne3A_1371 : i1
      %add3A_1378 = arith.addi %rem3A_1369, %select_n3A_1368 : i32
      %select_n3A_1379 = arith.select %and3A_1377, %add3A_1378, %rem3A_1369 : i32
      %mul3A_1380 = arith.constant 8 : i32
      %mul3A_1381 = arith.muli %add3A, %mul3A_1380 : i32
      %add3A_1382 = arith.addi %mul3A_1381, %select_n3A_1379 : i32
      %mul3A_1383 = arith.constant 64 : i32
      %mul3A_1384 = arith.muli %add3A_1382, %mul3A_1383 : i32
      %mul3A_1385 = arith.constant 8 : i32
      %mul3A_1386 = arith.muli %select_n3A_1363, %mul3A_1385 : i32
      %add3A_1387 = arith.constant 2 : i32
      %add3A_1388 = arith.addi %mul3A_1386, %add3A_1387 : i32
      %mul3A_1389 = arith.constant 128 : i32
      %mul3A_1390 = arith.muli %add3A_1388, %mul3A_1389 : i32
      %dma_wait3A_1391 = arith.constant 128 : i32
      %dma_wait3A_1392 = arith.constant 0 : i32
      %dma_wait3A_1393 = tpu.memref_slice %arg8[%dma_wait3A_1391, %dma_wait3A_1392] : memref<512x64xf32, #tpu.memory_space<vmem>> -> memref<64x64xf32, #tpu.memory_space<vmem>>
      %dma_wait3A_1394 = tpu.memref_slice %arg4[%mul3A_1384, %mul3A_1390] : memref<16384x7168xf32, #tpu.memory_space<hbm>> -> memref<64x64xf32, #tpu.memory_space<hbm>>
      %dma_wait3A_1395 = tpu.memref_slice %arg4[%mul3A_1384, %mul3A_1390] : memref<16384x7168xf32, #tpu.memory_space<hbm>> -> memref<64x64xf32, #tpu.memory_space<hbm>>
      %dma_wait3A_1396 = arith.constant 128 : i32
      %dma_wait3A_1397 = arith.constant 0 : i32
      %dma_wait3A_1398 = tpu.memref_slice %arg8[%dma_wait3A_1396, %dma_wait3A_1397] : memref<512x64xf32, #tpu.memory_space<vmem>> -> memref<64x64xf32, #tpu.memory_space<vmem>>
      tpu.wait_dma2 semaphore(%arg11 : memref<!tpu.dma_semaphore, #tpu.memory_space<semaphore_mem>>) src(%dma_wait3A_1398 : memref<64x64xf32, #tpu.memory_space<vmem>>) dst(%dma_wait3A_1395 : memref<64x64xf32, #tpu.memory_space<hbm>>)
      %jit3A_1399 = arith.constant 8 : i32
      %div3A_1400 = arith.divsi %add3A_972, %jit3A_1399 : i32
      %sign3A_1401 = arith.constant 0 : i32
      %sign3A_1402 = arith.cmpi sgt, %add3A_972, %sign3A_1401 : i32
      %sign3A_1403 = arith.extui %sign3A_1402 : i1 to i32
      %sign3A_1404 = arith.constant 0 : i32
      %sign3A_1405 = arith.cmpi slt, %add3A_972, %sign3A_1404 : i32
      %sign3A_1406 = arith.extui %sign3A_1405 : i1 to i32
      %sign3A_1407 = arith.subi %sign3A_1403, %sign3A_1406 : i32
      %sign3A_1408 = arith.constant 0 : i32
      %sign3A_1409 = arith.cmpi sgt, %jit3A_1399, %sign3A_1408 : i32
      %sign3A_1410 = arith.extui %sign3A_1409 : i1 to i32
      %sign3A_1411 = arith.constant 0 : i32
      %sign3A_1412 = arith.cmpi slt, %jit3A_1399, %sign3A_1411 : i32
      %sign3A_1413 = arith.extui %sign3A_1412 : i1 to i32
      %sign3A_1414 = arith.subi %sign3A_1410, %sign3A_1413 : i32
      %ne3A_1415 = arith.cmpi ne, %sign3A_1407, %sign3A_1414 : i32
      %rem3A_1416 = arith.remsi %add3A_972, %jit3A_1399 : i32
      %ne3A_1417 = arith.constant 0 : i32
      %ne3A_1418 = arith.cmpi ne, %rem3A_1416, %ne3A_1417 : i32
      %and3A_1419 = arith.andi %ne3A_1415, %ne3A_1418 : i1
      %sub3A_1420 = arith.constant 1 : i32
      %sub3A_1421 = arith.subi %div3A_1400, %sub3A_1420 : i32
      %select_n3A_1422 = arith.select %and3A_1419, %sub3A_1421, %div3A_1400 : i32
      %jit3A_1423 = arith.constant 8 : i32
      %eq3A_1424 = arith.constant 0 : i32
      %eq3A_1425 = arith.cmpi eq, %jit3A_1423, %eq3A_1424 : i32
      %jit3A_1426 = arith.constant 1 : i32
      %select_n3A_1427 = arith.select %eq3A_1425, %jit3A_1426, %jit3A_1423 : i32
      %rem3A_1428 = arith.remsi %add3A_972, %select_n3A_1427 : i32
      %ne3A_1429 = arith.constant 0 : i32
      %ne3A_1430 = arith.cmpi ne, %rem3A_1428, %ne3A_1429 : i32
      %lt3A_1431 = arith.constant 0 : i32
      %lt3A_1432 = arith.cmpi slt, %rem3A_1428, %lt3A_1431 : i32
      %lt3A_1433 = arith.constant 0 : i32
      %lt3A_1434 = arith.cmpi slt, %select_n3A_1427, %lt3A_1433 : i32
      %ne3A_1435 = arith.xori %lt3A_1432, %lt3A_1434 : i1
      %and3A_1436 = arith.andi %ne3A_1435, %ne3A_1430 : i1
      %add3A_1437 = arith.addi %rem3A_1428, %select_n3A_1427 : i32
      %select_n3A_1438 = arith.select %and3A_1436, %add3A_1437, %rem3A_1428 : i32
      %mul3A_1439 = arith.constant 8 : i32
      %mul3A_1440 = arith.muli %add3A, %mul3A_1439 : i32
      %add3A_1441 = arith.addi %mul3A_1440, %select_n3A_1438 : i32
      %mul3A_1442 = arith.constant 64 : i32
      %mul3A_1443 = arith.muli %add3A_1441, %mul3A_1442 : i32
      %mul3A_1444 = arith.constant 8 : i32
      %mul3A_1445 = arith.muli %select_n3A_1422, %mul3A_1444 : i32
      %add3A_1446 = arith.constant 4 : i32
      %add3A_1447 = arith.addi %mul3A_1445, %add3A_1446 : i32
      %mul3A_1448 = arith.constant 128 : i32
      %mul3A_1449 = arith.muli %add3A_1447, %mul3A_1448 : i32
      %dma_start3A_1450 = arith.constant 256 : i32
      %dma_start3A_1451 = arith.constant 0 : i32
      %dma_start3A_1452 = tpu.memref_slice %arg8[%dma_start3A_1450, %dma_start3A_1451] : memref<512x64xf32, #tpu.memory_space<vmem>> -> memref<64x64xf32, #tpu.memory_space<vmem>>
      %dma_start3A_1453 = tpu.memref_slice %arg4[%mul3A_1443, %mul3A_1449] : memref<16384x7168xf32, #tpu.memory_space<hbm>> -> memref<64x64xf32, #tpu.memory_space<hbm>>
      %dma_start3A_1454 = tpu.memref_slice %arg4[%mul3A_1443, %mul3A_1449] : memref<16384x7168xf32, #tpu.memory_space<hbm>> -> memref<64x64xf32, #tpu.memory_space<hbm>>
      %dma_start3A_1455 = arith.constant 256 : i32
      %dma_start3A_1456 = arith.constant 0 : i32
      %dma_start3A_1457 = tpu.memref_slice %arg8[%dma_start3A_1455, %dma_start3A_1456] : memref<512x64xf32, #tpu.memory_space<vmem>> -> memref<64x64xf32, #tpu.memory_space<vmem>>
      tpu.enqueue_dma source(%dma_start3A_1457 : memref<64x64xf32, #tpu.memory_space<vmem>>) target(%dma_start3A_1454 : memref<64x64xf32, #tpu.memory_space<hbm>>) target_semaphore(%arg11 : memref<!tpu.dma_semaphore, #tpu.memory_space<semaphore_mem>>)
      %jit3A_1458 = arith.constant 8 : i32
      %div3A_1459 = arith.divsi %add3A_972, %jit3A_1458 : i32
      %sign3A_1460 = arith.constant 0 : i32
      %sign3A_1461 = arith.cmpi sgt, %add3A_972, %sign3A_1460 : i32
      %sign3A_1462 = arith.extui %sign3A_1461 : i1 to i32
      %sign3A_1463 = arith.constant 0 : i32
      %sign3A_1464 = arith.cmpi slt, %add3A_972, %sign3A_1463 : i32
      %sign3A_1465 = arith.extui %sign3A_1464 : i1 to i32
      %sign3A_1466 = arith.subi %sign3A_1462, %sign3A_1465 : i32
      %sign3A_1467 = arith.constant 0 : i32
      %sign3A_1468 = arith.cmpi sgt, %jit3A_1458, %sign3A_1467 : i32
      %sign3A_1469 = arith.extui %sign3A_1468 : i1 to i32
      %sign3A_1470 = arith.constant 0 : i32
      %sign3A_1471 = arith.cmpi slt, %jit3A_1458, %sign3A_1470 : i32
      %sign3A_1472 = arith.extui %sign3A_1471 : i1 to i32
      %sign3A_1473 = arith.subi %sign3A_1469, %sign3A_1472 : i32
      %ne3A_1474 = arith.cmpi ne, %sign3A_1466, %sign3A_1473 : i32
      %rem3A_1475 = arith.remsi %add3A_972, %jit3A_1458 : i32
      %ne3A_1476 = arith.constant 0 : i32
      %ne3A_1477 = arith.cmpi ne, %rem3A_1475, %ne3A_1476 : i32
      %and3A_1478 = arith.andi %ne3A_1474, %ne3A_1477 : i1
      %sub3A_1479 = arith.constant 1 : i32
      %sub3A_1480 = arith.subi %div3A_1459, %sub3A_1479 : i32
      %select_n3A_1481 = arith.select %and3A_1478, %sub3A_1480, %div3A_1459 : i32
      %jit3A_1482 = arith.constant 8 : i32
      %eq3A_1483 = arith.constant 0 : i32
      %eq3A_1484 = arith.cmpi eq, %jit3A_1482, %eq3A_1483 : i32
      %jit3A_1485 = arith.constant 1 : i32
      %select_n3A_1486 = arith.select %eq3A_1484, %jit3A_1485, %jit3A_1482 : i32
      %rem3A_1487 = arith.remsi %add3A_972, %select_n3A_1486 : i32
      %ne3A_1488 = arith.constant 0 : i32
      %ne3A_1489 = arith.cmpi ne, %rem3A_1487, %ne3A_1488 : i32
      %lt3A_1490 = arith.constant 0 : i32
      %lt3A_1491 = arith.cmpi slt, %rem3A_1487, %lt3A_1490 : i32
      %lt3A_1492 = arith.constant 0 : i32
      %lt3A_1493 = arith.cmpi slt, %select_n3A_1486, %lt3A_1492 : i32
      %ne3A_1494 = arith.xori %lt3A_1491, %lt3A_1493 : i1
      %and3A_1495 = arith.andi %ne3A_1494, %ne3A_1489 : i1
      %add3A_1496 = arith.addi %rem3A_1487, %select_n3A_1486 : i32
      %select_n3A_1497 = arith.select %and3A_1495, %add3A_1496, %rem3A_1487 : i32
      %mul3A_1498 = arith.constant 8 : i32
      %mul3A_1499 = arith.muli %add3A, %mul3A_1498 : i32
      %add3A_1500 = arith.addi %mul3A_1499, %select_n3A_1497 : i32
      %mul3A_1501 = arith.constant 64 : i32
      %mul3A_1502 = arith.muli %add3A_1500, %mul3A_1501 : i32
      %mul3A_1503 = arith.constant 8 : i32
      %mul3A_1504 = arith.muli %select_n3A_1481, %mul3A_1503 : i32
      %add3A_1505 = arith.constant 3 : i32
      %add3A_1506 = arith.addi %mul3A_1504, %add3A_1505 : i32
      %mul3A_1507 = arith.constant 128 : i32
      %mul3A_1508 = arith.muli %add3A_1506, %mul3A_1507 : i32
      %dma_wait3A_1509 = arith.constant 192 : i32
      %dma_wait3A_1510 = arith.constant 0 : i32
      %dma_wait3A_1511 = tpu.memref_slice %arg8[%dma_wait3A_1509, %dma_wait3A_1510] : memref<512x64xf32, #tpu.memory_space<vmem>> -> memref<64x64xf32, #tpu.memory_space<vmem>>
      %dma_wait3A_1512 = tpu.memref_slice %arg4[%mul3A_1502, %mul3A_1508] : memref<16384x7168xf32, #tpu.memory_space<hbm>> -> memref<64x64xf32, #tpu.memory_space<hbm>>
      %dma_wait3A_1513 = tpu.memref_slice %arg4[%mul3A_1502, %mul3A_1508] : memref<16384x7168xf32, #tpu.memory_space<hbm>> -> memref<64x64xf32, #tpu.memory_space<hbm>>
      %dma_wait3A_1514 = arith.constant 192 : i32
      %dma_wait3A_1515 = arith.constant 0 : i32
      %dma_wait3A_1516 = tpu.memref_slice %arg8[%dma_wait3A_1514, %dma_wait3A_1515] : memref<512x64xf32, #tpu.memory_space<vmem>> -> memref<64x64xf32, #tpu.memory_space<vmem>>
      tpu.wait_dma2 semaphore(%arg11 : memref<!tpu.dma_semaphore, #tpu.memory_space<semaphore_mem>>) src(%dma_wait3A_1516 : memref<64x64xf32, #tpu.memory_space<vmem>>) dst(%dma_wait3A_1513 : memref<64x64xf32, #tpu.memory_space<hbm>>)
      %jit3A_1517 = arith.constant 8 : i32
      %div3A_1518 = arith.divsi %add3A_972, %jit3A_1517 : i32
      %sign3A_1519 = arith.constant 0 : i32
      %sign3A_1520 = arith.cmpi sgt, %add3A_972, %sign3A_1519 : i32
      %sign3A_1521 = arith.extui %sign3A_1520 : i1 to i32
      %sign3A_1522 = arith.constant 0 : i32
      %sign3A_1523 = arith.cmpi slt, %add3A_972, %sign3A_1522 : i32
      %sign3A_1524 = arith.extui %sign3A_1523 : i1 to i32
      %sign3A_1525 = arith.subi %sign3A_1521, %sign3A_1524 : i32
      %sign3A_1526 = arith.constant 0 : i32
      %sign3A_1527 = arith.cmpi sgt, %jit3A_1517, %sign3A_1526 : i32
      %sign3A_1528 = arith.extui %sign3A_1527 : i1 to i32
      %sign3A_1529 = arith.constant 0 : i32
      %sign3A_1530 = arith.cmpi slt, %jit3A_1517, %sign3A_1529 : i32
      %sign3A_1531 = arith.extui %sign3A_1530 : i1 to i32
      %sign3A_1532 = arith.subi %sign3A_1528, %sign3A_1531 : i32
      %ne3A_1533 = arith.cmpi ne, %sign3A_1525, %sign3A_1532 : i32
      %rem3A_1534 = arith.remsi %add3A_972, %jit3A_1517 : i32
      %ne3A_1535 = arith.constant 0 : i32
      %ne3A_1536 = arith.cmpi ne, %rem3A_1534, %ne3A_1535 : i32
      %and3A_1537 = arith.andi %ne3A_1533, %ne3A_1536 : i1
      %sub3A_1538 = arith.constant 1 : i32
      %sub3A_1539 = arith.subi %div3A_1518, %sub3A_1538 : i32
      %select_n3A_1540 = arith.select %and3A_1537, %sub3A_1539, %div3A_1518 : i32
      %jit3A_1541 = arith.constant 8 : i32
      %eq3A_1542 = arith.constant 0 : i32
      %eq3A_1543 = arith.cmpi eq, %jit3A_1541, %eq3A_1542 : i32
      %jit3A_1544 = arith.constant 1 : i32
      %select_n3A_1545 = arith.select %eq3A_1543, %jit3A_1544, %jit3A_1541 : i32
      %rem3A_1546 = arith.remsi %add3A_972, %select_n3A_1545 : i32
      %ne3A_1547 = arith.constant 0 : i32
      %ne3A_1548 = arith.cmpi ne, %rem3A_1546, %ne3A_1547 : i32
      %lt3A_1549 = arith.constant 0 : i32
      %lt3A_1550 = arith.cmpi slt, %rem3A_1546, %lt3A_1549 : i32
      %lt3A_1551 = arith.constant 0 : i32
      %lt3A_1552 = arith.cmpi slt, %select_n3A_1545, %lt3A_1551 : i32
      %ne3A_1553 = arith.xori %lt3A_1550, %lt3A_1552 : i1
      %and3A_1554 = arith.andi %ne3A_1553, %ne3A_1548 : i1
      %add3A_1555 = arith.addi %rem3A_1546, %select_n3A_1545 : i32
      %select_n3A_1556 = arith.select %and3A_1554, %add3A_1555, %rem3A_1546 : i32
      %mul3A_1557 = arith.constant 8 : i32
      %mul3A_1558 = arith.muli %add3A, %mul3A_1557 : i32
      %add3A_1559 = arith.addi %mul3A_1558, %select_n3A_1556 : i32
      %mul3A_1560 = arith.constant 64 : i32
      %mul3A_1561 = arith.muli %add3A_1559, %mul3A_1560 : i32
      %mul3A_1562 = arith.constant 8 : i32
      %mul3A_1563 = arith.muli %select_n3A_1540, %mul3A_1562 : i32
      %add3A_1564 = arith.constant 5 : i32
      %add3A_1565 = arith.addi %mul3A_1563, %add3A_1564 : i32
      %mul3A_1566 = arith.constant 128 : i32
      %mul3A_1567 = arith.muli %add3A_1565, %mul3A_1566 : i32
      %dma_start3A_1568 = arith.constant 320 : i32
      %dma_start3A_1569 = arith.constant 0 : i32
      %dma_start3A_1570 = tpu.memref_slice %arg8[%dma_start3A_1568, %dma_start3A_1569] : memref<512x64xf32, #tpu.memory_space<vmem>> -> memref<64x64xf32, #tpu.memory_space<vmem>>
      %dma_start3A_1571 = tpu.memref_slice %arg4[%mul3A_1561, %mul3A_1567] : memref<16384x7168xf32, #tpu.memory_space<hbm>> -> memref<64x64xf32, #tpu.memory_space<hbm>>
      %dma_start3A_1572 = tpu.memref_slice %arg4[%mul3A_1561, %mul3A_1567] : memref<16384x7168xf32, #tpu.memory_space<hbm>> -> memref<64x64xf32, #tpu.memory_space<hbm>>
      %dma_start3A_1573 = arith.constant 320 : i32
      %dma_start3A_1574 = arith.constant 0 : i32
      %dma_start3A_1575 = tpu.memref_slice %arg8[%dma_start3A_1573, %dma_start3A_1574] : memref<512x64xf32, #tpu.memory_space<vmem>> -> memref<64x64xf32, #tpu.memory_space<vmem>>
      tpu.enqueue_dma source(%dma_start3A_1575 : memref<64x64xf32, #tpu.memory_space<vmem>>) target(%dma_start3A_1572 : memref<64x64xf32, #tpu.memory_space<hbm>>) target_semaphore(%arg11 : memref<!tpu.dma_semaphore, #tpu.memory_space<semaphore_mem>>)
      %jit3A_1576 = arith.constant 8 : i32
      %div3A_1577 = arith.divsi %add3A_972, %jit3A_1576 : i32
      %sign3A_1578 = arith.constant 0 : i32
      %sign3A_1579 = arith.cmpi sgt, %add3A_972, %sign3A_1578 : i32
      %sign3A_1580 = arith.extui %sign3A_1579 : i1 to i32
      %sign3A_1581 = arith.constant 0 : i32
      %sign3A_1582 = arith.cmpi slt, %add3A_972, %sign3A_1581 : i32
      %sign3A_1583 = arith.extui %sign3A_1582 : i1 to i32
      %sign3A_1584 = arith.subi %sign3A_1580, %sign3A_1583 : i32
      %sign3A_1585 = arith.constant 0 : i32
      %sign3A_1586 = arith.cmpi sgt, %jit3A_1576, %sign3A_1585 : i32
      %sign3A_1587 = arith.extui %sign3A_1586 : i1 to i32
      %sign3A_1588 = arith.constant 0 : i32
      %sign3A_1589 = arith.cmpi slt, %jit3A_1576, %sign3A_1588 : i32
      %sign3A_1590 = arith.extui %sign3A_1589 : i1 to i32
      %sign3A_1591 = arith.subi %sign3A_1587, %sign3A_1590 : i32
      %ne3A_1592 = arith.cmpi ne, %sign3A_1584, %sign3A_1591 : i32
      %rem3A_1593 = arith.remsi %add3A_972, %jit3A_1576 : i32
      %ne3A_1594 = arith.constant 0 : i32
      %ne3A_1595 = arith.cmpi ne, %rem3A_1593, %ne3A_1594 : i32
      %and3A_1596 = arith.andi %ne3A_1592, %ne3A_1595 : i1
      %sub3A_1597 = arith.constant 1 : i32
      %sub3A_1598 = arith.subi %div3A_1577, %sub3A_1597 : i32
      %select_n3A_1599 = arith.select %and3A_1596, %sub3A_1598, %div3A_1577 : i32
      %jit3A_1600 = arith.constant 8 : i32
      %eq3A_1601 = arith.constant 0 : i32
      %eq3A_1602 = arith.cmpi eq, %jit3A_1600, %eq3A_1601 : i32
      %jit3A_1603 = arith.constant 1 : i32
      %select_n3A_1604 = arith.select %eq3A_1602, %jit3A_1603, %jit3A_1600 : i32
      %rem3A_1605 = arith.remsi %add3A_972, %select_n3A_1604 : i32
      %ne3A_1606 = arith.constant 0 : i32
      %ne3A_1607 = arith.cmpi ne, %rem3A_1605, %ne3A_1606 : i32
      %lt3A_1608 = arith.constant 0 : i32
      %lt3A_1609 = arith.cmpi slt, %rem3A_1605, %lt3A_1608 : i32
      %lt3A_1610 = arith.constant 0 : i32
      %lt3A_1611 = arith.cmpi slt, %select_n3A_1604, %lt3A_1610 : i32
      %ne3A_1612 = arith.xori %lt3A_1609, %lt3A_1611 : i1
      %and3A_1613 = arith.andi %ne3A_1612, %ne3A_1607 : i1
      %add3A_1614 = arith.addi %rem3A_1605, %select_n3A_1604 : i32
      %select_n3A_1615 = arith.select %and3A_1613, %add3A_1614, %rem3A_1605 : i32
      %mul3A_1616 = arith.constant 8 : i32
      %mul3A_1617 = arith.muli %add3A, %mul3A_1616 : i32
      %add3A_1618 = arith.addi %mul3A_1617, %select_n3A_1615 : i32
      %mul3A_1619 = arith.constant 64 : i32
      %mul3A_1620 = arith.muli %add3A_1618, %mul3A_1619 : i32
      %mul3A_1621 = arith.constant 8 : i32
      %mul3A_1622 = arith.muli %select_n3A_1599, %mul3A_1621 : i32
      %add3A_1623 = arith.constant 4 : i32
      %add3A_1624 = arith.addi %mul3A_1622, %add3A_1623 : i32
      %mul3A_1625 = arith.constant 128 : i32
      %mul3A_1626 = arith.muli %add3A_1624, %mul3A_1625 : i32
      %dma_wait3A_1627 = arith.constant 256 : i32
      %dma_wait3A_1628 = arith.constant 0 : i32
      %dma_wait3A_1629 = tpu.memref_slice %arg8[%dma_wait3A_1627, %dma_wait3A_1628] : memref<512x64xf32, #tpu.memory_space<vmem>> -> memref<64x64xf32, #tpu.memory_space<vmem>>
      %dma_wait3A_1630 = tpu.memref_slice %arg4[%mul3A_1620, %mul3A_1626] : memref<16384x7168xf32, #tpu.memory_space<hbm>> -> memref<64x64xf32, #tpu.memory_space<hbm>>
      %dma_wait3A_1631 = tpu.memref_slice %arg4[%mul3A_1620, %mul3A_1626] : memref<16384x7168xf32, #tpu.memory_space<hbm>> -> memref<64x64xf32, #tpu.memory_space<hbm>>
      %dma_wait3A_1632 = arith.constant 256 : i32
      %dma_wait3A_1633 = arith.constant 0 : i32
      %dma_wait3A_1634 = tpu.memref_slice %arg8[%dma_wait3A_1632, %dma_wait3A_1633] : memref<512x64xf32, #tpu.memory_space<vmem>> -> memref<64x64xf32, #tpu.memory_space<vmem>>
      tpu.wait_dma2 semaphore(%arg11 : memref<!tpu.dma_semaphore, #tpu.memory_space<semaphore_mem>>) src(%dma_wait3A_1634 : memref<64x64xf32, #tpu.memory_space<vmem>>) dst(%dma_wait3A_1631 : memref<64x64xf32, #tpu.memory_space<hbm>>)
      %jit3A_1635 = arith.constant 8 : i32
      %div3A_1636 = arith.divsi %add3A_972, %jit3A_1635 : i32
      %sign3A_1637 = arith.constant 0 : i32
      %sign3A_1638 = arith.cmpi sgt, %add3A_972, %sign3A_1637 : i32
      %sign3A_1639 = arith.extui %sign3A_1638 : i1 to i32
      %sign3A_1640 = arith.constant 0 : i32
      %sign3A_1641 = arith.cmpi slt, %add3A_972, %sign3A_1640 : i32
      %sign3A_1642 = arith.extui %sign3A_1641 : i1 to i32
      %sign3A_1643 = arith.subi %sign3A_1639, %sign3A_1642 : i32
      %sign3A_1644 = arith.constant 0 : i32
      %sign3A_1645 = arith.cmpi sgt, %jit3A_1635, %sign3A_1644 : i32
      %sign3A_1646 = arith.extui %sign3A_1645 : i1 to i32
      %sign3A_1647 = arith.constant 0 : i32
      %sign3A_1648 = arith.cmpi slt, %jit3A_1635, %sign3A_1647 : i32
      %sign3A_1649 = arith.extui %sign3A_1648 : i1 to i32
      %sign3A_1650 = arith.subi %sign3A_1646, %sign3A_1649 : i32
      %ne3A_1651 = arith.cmpi ne, %sign3A_1643, %sign3A_1650 : i32
      %rem3A_1652 = arith.remsi %add3A_972, %jit3A_1635 : i32
      %ne3A_1653 = arith.constant 0 : i32
      %ne3A_1654 = arith.cmpi ne, %rem3A_1652, %ne3A_1653 : i32
      %and3A_1655 = arith.andi %ne3A_1651, %ne3A_1654 : i1
      %sub3A_1656 = arith.constant 1 : i32
      %sub3A_1657 = arith.subi %div3A_1636, %sub3A_1656 : i32
      %select_n3A_1658 = arith.select %and3A_1655, %sub3A_1657, %div3A_1636 : i32
      %jit3A_1659 = arith.constant 8 : i32
      %eq3A_1660 = arith.constant 0 : i32
      %eq3A_1661 = arith.cmpi eq, %jit3A_1659, %eq3A_1660 : i32
      %jit3A_1662 = arith.constant 1 : i32
      %select_n3A_1663 = arith.select %eq3A_1661, %jit3A_1662, %jit3A_1659 : i32
      %rem3A_1664 = arith.remsi %add3A_972, %select_n3A_1663 : i32
      %ne3A_1665 = arith.constant 0 : i32
      %ne3A_1666 = arith.cmpi ne, %rem3A_1664, %ne3A_1665 : i32
      %lt3A_1667 = arith.constant 0 : i32
      %lt3A_1668 = arith.cmpi slt, %rem3A_1664, %lt3A_1667 : i32
      %lt3A_1669 = arith.constant 0 : i32
      %lt3A_1670 = arith.cmpi slt, %select_n3A_1663, %lt3A_1669 : i32
      %ne3A_1671 = arith.xori %lt3A_1668, %lt3A_1670 : i1
      %and3A_1672 = arith.andi %ne3A_1671, %ne3A_1666 : i1
      %add3A_1673 = arith.addi %rem3A_1664, %select_n3A_1663 : i32
      %select_n3A_1674 = arith.select %and3A_1672, %add3A_1673, %rem3A_1664 : i32
      %mul3A_1675 = arith.constant 8 : i32
      %mul3A_1676 = arith.muli %add3A, %mul3A_1675 : i32
      %add3A_1677 = arith.addi %mul3A_1676, %select_n3A_1674 : i32
      %mul3A_1678 = arith.constant 64 : i32
      %mul3A_1679 = arith.muli %add3A_1677, %mul3A_1678 : i32
      %mul3A_1680 = arith.constant 8 : i32
      %mul3A_1681 = arith.muli %select_n3A_1658, %mul3A_1680 : i32
      %add3A_1682 = arith.constant 6 : i32
      %add3A_1683 = arith.addi %mul3A_1681, %add3A_1682 : i32
      %mul3A_1684 = arith.constant 128 : i32
      %mul3A_1685 = arith.muli %add3A_1683, %mul3A_1684 : i32
      %dma_start3A_1686 = arith.constant 384 : i32
      %dma_start3A_1687 = arith.constant 0 : i32
      %dma_start3A_1688 = tpu.memref_slice %arg8[%dma_start3A_1686, %dma_start3A_1687] : memref<512x64xf32, #tpu.memory_space<vmem>> -> memref<64x64xf32, #tpu.memory_space<vmem>>
      %dma_start3A_1689 = tpu.memref_slice %arg4[%mul3A_1679, %mul3A_1685] : memref<16384x7168xf32, #tpu.memory_space<hbm>> -> memref<64x64xf32, #tpu.memory_space<hbm>>
      %dma_start3A_1690 = tpu.memref_slice %arg4[%mul3A_1679, %mul3A_1685] : memref<16384x7168xf32, #tpu.memory_space<hbm>> -> memref<64x64xf32, #tpu.memory_space<hbm>>
      %dma_start3A_1691 = arith.constant 384 : i32
      %dma_start3A_1692 = arith.constant 0 : i32
      %dma_start3A_1693 = tpu.memref_slice %arg8[%dma_start3A_1691, %dma_start3A_1692] : memref<512x64xf32, #tpu.memory_space<vmem>> -> memref<64x64xf32, #tpu.memory_space<vmem>>
      tpu.enqueue_dma source(%dma_start3A_1693 : memref<64x64xf32, #tpu.memory_space<vmem>>) target(%dma_start3A_1690 : memref<64x64xf32, #tpu.memory_space<hbm>>) target_semaphore(%arg11 : memref<!tpu.dma_semaphore, #tpu.memory_space<semaphore_mem>>)
      %jit3A_1694 = arith.constant 8 : i32
      %div3A_1695 = arith.divsi %add3A_972, %jit3A_1694 : i32
      %sign3A_1696 = arith.constant 0 : i32
      %sign3A_1697 = arith.cmpi sgt, %add3A_972, %sign3A_1696 : i32
      %sign3A_1698 = arith.extui %sign3A_1697 : i1 to i32
      %sign3A_1699 = arith.constant 0 : i32
      %sign3A_1700 = arith.cmpi slt, %add3A_972, %sign3A_1699 : i32
      %sign3A_1701 = arith.extui %sign3A_1700 : i1 to i32
      %sign3A_1702 = arith.subi %sign3A_1698, %sign3A_1701 : i32
      %sign3A_1703 = arith.constant 0 : i32
      %sign3A_1704 = arith.cmpi sgt, %jit3A_1694, %sign3A_1703 : i32
      %sign3A_1705 = arith.extui %sign3A_1704 : i1 to i32
      %sign3A_1706 = arith.constant 0 : i32
      %sign3A_1707 = arith.cmpi slt, %jit3A_1694, %sign3A_1706 : i32
      %sign3A_1708 = arith.extui %sign3A_1707 : i1 to i32
      %sign3A_1709 = arith.subi %sign3A_1705, %sign3A_1708 : i32
      %ne3A_1710 = arith.cmpi ne, %sign3A_1702, %sign3A_1709 : i32
      %rem3A_1711 = arith.remsi %add3A_972, %jit3A_1694 : i32
      %ne3A_1712 = arith.constant 0 : i32
      %ne3A_1713 = arith.cmpi ne, %rem3A_1711, %ne3A_1712 : i32
      %and3A_1714 = arith.andi %ne3A_1710, %ne3A_1713 : i1
      %sub3A_1715 = arith.constant 1 : i32
      %sub3A_1716 = arith.subi %div3A_1695, %sub3A_1715 : i32
      %select_n3A_1717 = arith.select %and3A_1714, %sub3A_1716, %div3A_1695 : i32
      %jit3A_1718 = arith.constant 8 : i32
      %eq3A_1719 = arith.constant 0 : i32
      %eq3A_1720 = arith.cmpi eq, %jit3A_1718, %eq3A_1719 : i32
      %jit3A_1721 = arith.constant 1 : i32
      %select_n3A_1722 = arith.select %eq3A_1720, %jit3A_1721, %jit3A_1718 : i32
      %rem3A_1723 = arith.remsi %add3A_972, %select_n3A_1722 : i32
      %ne3A_1724 = arith.constant 0 : i32
      %ne3A_1725 = arith.cmpi ne, %rem3A_1723, %ne3A_1724 : i32
      %lt3A_1726 = arith.constant 0 : i32
      %lt3A_1727 = arith.cmpi slt, %rem3A_1723, %lt3A_1726 : i32
      %lt3A_1728 = arith.constant 0 : i32
      %lt3A_1729 = arith.cmpi slt, %select_n3A_1722, %lt3A_1728 : i32
      %ne3A_1730 = arith.xori %lt3A_1727, %lt3A_1729 : i1
      %and3A_1731 = arith.andi %ne3A_1730, %ne3A_1725 : i1
      %add3A_1732 = arith.addi %rem3A_1723, %select_n3A_1722 : i32
      %select_n3A_1733 = arith.select %and3A_1731, %add3A_1732, %rem3A_1723 : i32
      %mul3A_1734 = arith.constant 8 : i32
      %mul3A_1735 = arith.muli %add3A, %mul3A_1734 : i32
      %add3A_1736 = arith.addi %mul3A_1735, %select_n3A_1733 : i32
      %mul3A_1737 = arith.constant 64 : i32
      %mul3A_1738 = arith.muli %add3A_1736, %mul3A_1737 : i32
      %mul3A_1739 = arith.constant 8 : i32
      %mul3A_1740 = arith.muli %select_n3A_1717, %mul3A_1739 : i32
      %add3A_1741 = arith.constant 5 : i32
      %add3A_1742 = arith.addi %mul3A_1740, %add3A_1741 : i32
      %mul3A_1743 = arith.constant 128 : i32
      %mul3A_1744 = arith.muli %add3A_1742, %mul3A_1743 : i32
      %dma_wait3A_1745 = arith.constant 320 : i32
      %dma_wait3A_1746 = arith.constant 0 : i32
      %dma_wait3A_1747 = tpu.memref_slice %arg8[%dma_wait3A_1745, %dma_wait3A_1746] : memref<512x64xf32, #tpu.memory_space<vmem>> -> memref<64x64xf32, #tpu.memory_space<vmem>>
      %dma_wait3A_1748 = tpu.memref_slice %arg4[%mul3A_1738, %mul3A_1744] : memref<16384x7168xf32, #tpu.memory_space<hbm>> -> memref<64x64xf32, #tpu.memory_space<hbm>>
      %dma_wait3A_1749 = tpu.memref_slice %arg4[%mul3A_1738, %mul3A_1744] : memref<16384x7168xf32, #tpu.memory_space<hbm>> -> memref<64x64xf32, #tpu.memory_space<hbm>>
      %dma_wait3A_1750 = arith.constant 320 : i32
      %dma_wait3A_1751 = arith.constant 0 : i32
      %dma_wait3A_1752 = tpu.memref_slice %arg8[%dma_wait3A_1750, %dma_wait3A_1751] : memref<512x64xf32, #tpu.memory_space<vmem>> -> memref<64x64xf32, #tpu.memory_space<vmem>>
      tpu.wait_dma2 semaphore(%arg11 : memref<!tpu.dma_semaphore, #tpu.memory_space<semaphore_mem>>) src(%dma_wait3A_1752 : memref<64x64xf32, #tpu.memory_space<vmem>>) dst(%dma_wait3A_1749 : memref<64x64xf32, #tpu.memory_space<hbm>>)
      %jit3A_1753 = arith.constant 8 : i32
      %div3A_1754 = arith.divsi %add3A_972, %jit3A_1753 : i32
      %sign3A_1755 = arith.constant 0 : i32
      %sign3A_1756 = arith.cmpi sgt, %add3A_972, %sign3A_1755 : i32
      %sign3A_1757 = arith.extui %sign3A_1756 : i1 to i32
      %sign3A_1758 = arith.constant 0 : i32
      %sign3A_1759 = arith.cmpi slt, %add3A_972, %sign3A_1758 : i32
      %sign3A_1760 = arith.extui %sign3A_1759 : i1 to i32
      %sign3A_1761 = arith.subi %sign3A_1757, %sign3A_1760 : i32
      %sign3A_1762 = arith.constant 0 : i32
      %sign3A_1763 = arith.cmpi sgt, %jit3A_1753, %sign3A_1762 : i32
      %sign3A_1764 = arith.extui %sign3A_1763 : i1 to i32
      %sign3A_1765 = arith.constant 0 : i32
      %sign3A_1766 = arith.cmpi slt, %jit3A_1753, %sign3A_1765 : i32
      %sign3A_1767 = arith.extui %sign3A_1766 : i1 to i32
      %sign3A_1768 = arith.subi %sign3A_1764, %sign3A_1767 : i32
      %ne3A_1769 = arith.cmpi ne, %sign3A_1761, %sign3A_1768 : i32
      %rem3A_1770 = arith.remsi %add3A_972, %jit3A_1753 : i32
      %ne3A_1771 = arith.constant 0 : i32
      %ne3A_1772 = arith.cmpi ne, %rem3A_1770, %ne3A_1771 : i32
      %and3A_1773 = arith.andi %ne3A_1769, %ne3A_1772 : i1
      %sub3A_1774 = arith.constant 1 : i32
      %sub3A_1775 = arith.subi %div3A_1754, %sub3A_1774 : i32
      %select_n3A_1776 = arith.select %and3A_1773, %sub3A_1775, %div3A_1754 : i32
      %jit3A_1777 = arith.constant 8 : i32
      %eq3A_1778 = arith.constant 0 : i32
      %eq3A_1779 = arith.cmpi eq, %jit3A_1777, %eq3A_1778 : i32
      %jit3A_1780 = arith.constant 1 : i32
      %select_n3A_1781 = arith.select %eq3A_1779, %jit3A_1780, %jit3A_1777 : i32
      %rem3A_1782 = arith.remsi %add3A_972, %select_n3A_1781 : i32
      %ne3A_1783 = arith.constant 0 : i32
      %ne3A_1784 = arith.cmpi ne, %rem3A_1782, %ne3A_1783 : i32
      %lt3A_1785 = arith.constant 0 : i32
      %lt3A_1786 = arith.cmpi slt, %rem3A_1782, %lt3A_1785 : i32
      %lt3A_1787 = arith.constant 0 : i32
      %lt3A_1788 = arith.cmpi slt, %select_n3A_1781, %lt3A_1787 : i32
      %ne3A_1789 = arith.xori %lt3A_1786, %lt3A_1788 : i1
      %and3A_1790 = arith.andi %ne3A_1789, %ne3A_1784 : i1
      %add3A_1791 = arith.addi %rem3A_1782, %select_n3A_1781 : i32
      %select_n3A_1792 = arith.select %and3A_1790, %add3A_1791, %rem3A_1782 : i32
      %mul3A_1793 = arith.constant 8 : i32
      %mul3A_1794 = arith.muli %add3A, %mul3A_1793 : i32
      %add3A_1795 = arith.addi %mul3A_1794, %select_n3A_1792 : i32
      %mul3A_1796 = arith.constant 64 : i32
      %mul3A_1797 = arith.muli %add3A_1795, %mul3A_1796 : i32
      %mul3A_1798 = arith.constant 8 : i32
      %mul3A_1799 = arith.muli %select_n3A_1776, %mul3A_1798 : i32
      %add3A_1800 = arith.constant 7 : i32
      %add3A_1801 = arith.addi %mul3A_1799, %add3A_1800 : i32
      %mul3A_1802 = arith.constant 128 : i32
      %mul3A_1803 = arith.muli %add3A_1801, %mul3A_1802 : i32
      %dma_start3A_1804 = arith.constant 448 : i32
      %dma_start3A_1805 = arith.constant 0 : i32
      %dma_start3A_1806 = tpu.memref_slice %arg8[%dma_start3A_1804, %dma_start3A_1805] : memref<512x64xf32, #tpu.memory_space<vmem>> -> memref<64x64xf32, #tpu.memory_space<vmem>>
      %dma_start3A_1807 = tpu.memref_slice %arg4[%mul3A_1797, %mul3A_1803] : memref<16384x7168xf32, #tpu.memory_space<hbm>> -> memref<64x64xf32, #tpu.memory_space<hbm>>
      %dma_start3A_1808 = tpu.memref_slice %arg4[%mul3A_1797, %mul3A_1803] : memref<16384x7168xf32, #tpu.memory_space<hbm>> -> memref<64x64xf32, #tpu.memory_space<hbm>>
      %dma_start3A_1809 = arith.constant 448 : i32
      %dma_start3A_1810 = arith.constant 0 : i32
      %dma_start3A_1811 = tpu.memref_slice %arg8[%dma_start3A_1809, %dma_start3A_1810] : memref<512x64xf32, #tpu.memory_space<vmem>> -> memref<64x64xf32, #tpu.memory_space<vmem>>
      tpu.enqueue_dma source(%dma_start3A_1811 : memref<64x64xf32, #tpu.memory_space<vmem>>) target(%dma_start3A_1808 : memref<64x64xf32, #tpu.memory_space<hbm>>) target_semaphore(%arg11 : memref<!tpu.dma_semaphore, #tpu.memory_space<semaphore_mem>>)
      %jit3A_1812 = arith.constant 8 : i32
      %div3A_1813 = arith.divsi %add3A_972, %jit3A_1812 : i32
      %sign3A_1814 = arith.constant 0 : i32
      %sign3A_1815 = arith.cmpi sgt, %add3A_972, %sign3A_1814 : i32
      %sign3A_1816 = arith.extui %sign3A_1815 : i1 to i32
      %sign3A_1817 = arith.constant 0 : i32
      %sign3A_1818 = arith.cmpi slt, %add3A_972, %sign3A_1817 : i32
      %sign3A_1819 = arith.extui %sign3A_1818 : i1 to i32
      %sign3A_1820 = arith.subi %sign3A_1816, %sign3A_1819 : i32
      %sign3A_1821 = arith.constant 0 : i32
      %sign3A_1822 = arith.cmpi sgt, %jit3A_1812, %sign3A_1821 : i32
      %sign3A_1823 = arith.extui %sign3A_1822 : i1 to i32
      %sign3A_1824 = arith.constant 0 : i32
      %sign3A_1825 = arith.cmpi slt, %jit3A_1812, %sign3A_1824 : i32
      %sign3A_1826 = arith.extui %sign3A_1825 : i1 to i32
      %sign3A_1827 = arith.subi %sign3A_1823, %sign3A_1826 : i32
      %ne3A_1828 = arith.cmpi ne, %sign3A_1820, %sign3A_1827 : i32
      %rem3A_1829 = arith.remsi %add3A_972, %jit3A_1812 : i32
      %ne3A_1830 = arith.constant 0 : i32
      %ne3A_1831 = arith.cmpi ne, %rem3A_1829, %ne3A_1830 : i32
      %and3A_1832 = arith.andi %ne3A_1828, %ne3A_1831 : i1
      %sub3A_1833 = arith.constant 1 : i32
      %sub3A_1834 = arith.subi %div3A_1813, %sub3A_1833 : i32
      %select_n3A_1835 = arith.select %and3A_1832, %sub3A_1834, %div3A_1813 : i32
      %jit3A_1836 = arith.constant 8 : i32
      %eq3A_1837 = arith.constant 0 : i32
      %eq3A_1838 = arith.cmpi eq, %jit3A_1836, %eq3A_1837 : i32
      %jit3A_1839 = arith.constant 1 : i32
      %select_n3A_1840 = arith.select %eq3A_1838, %jit3A_1839, %jit3A_1836 : i32
      %rem3A_1841 = arith.remsi %add3A_972, %select_n3A_1840 : i32
      %ne3A_1842 = arith.constant 0 : i32
      %ne3A_1843 = arith.cmpi ne, %rem3A_1841, %ne3A_1842 : i32
      %lt3A_1844 = arith.constant 0 : i32
      %lt3A_1845 = arith.cmpi slt, %rem3A_1841, %lt3A_1844 : i32
      %lt3A_1846 = arith.constant 0 : i32
      %lt3A_1847 = arith.cmpi slt, %select_n3A_1840, %lt3A_1846 : i32
      %ne3A_1848 = arith.xori %lt3A_1845, %lt3A_1847 : i1
      %and3A_1849 = arith.andi %ne3A_1848, %ne3A_1843 : i1
      %add3A_1850 = arith.addi %rem3A_1841, %select_n3A_1840 : i32
      %select_n3A_1851 = arith.select %and3A_1849, %add3A_1850, %rem3A_1841 : i32
      %mul3A_1852 = arith.constant 8 : i32
      %mul3A_1853 = arith.muli %add3A, %mul3A_1852 : i32
      %add3A_1854 = arith.addi %mul3A_1853, %select_n3A_1851 : i32
      %mul3A_1855 = arith.constant 64 : i32
      %mul3A_1856 = arith.muli %add3A_1854, %mul3A_1855 : i32
      %mul3A_1857 = arith.constant 8 : i32
      %mul3A_1858 = arith.muli %select_n3A_1835, %mul3A_1857 : i32
      %add3A_1859 = arith.constant 6 : i32
      %add3A_1860 = arith.addi %mul3A_1858, %add3A_1859 : i32
      %mul3A_1861 = arith.constant 128 : i32
      %mul3A_1862 = arith.muli %add3A_1860, %mul3A_1861 : i32
      %dma_wait3A_1863 = arith.constant 384 : i32
      %dma_wait3A_1864 = arith.constant 0 : i32
      %dma_wait3A_1865 = tpu.memref_slice %arg8[%dma_wait3A_1863, %dma_wait3A_1864] : memref<512x64xf32, #tpu.memory_space<vmem>> -> memref<64x64xf32, #tpu.memory_space<vmem>>
      %dma_wait3A_1866 = tpu.memref_slice %arg4[%mul3A_1856, %mul3A_1862] : memref<16384x7168xf32, #tpu.memory_space<hbm>> -> memref<64x64xf32, #tpu.memory_space<hbm>>
      %dma_wait3A_1867 = tpu.memref_slice %arg4[%mul3A_1856, %mul3A_1862] : memref<16384x7168xf32, #tpu.memory_space<hbm>> -> memref<64x64xf32, #tpu.memory_space<hbm>>
      %dma_wait3A_1868 = arith.constant 384 : i32
      %dma_wait3A_1869 = arith.constant 0 : i32
      %dma_wait3A_1870 = tpu.memref_slice %arg8[%dma_wait3A_1868, %dma_wait3A_1869] : memref<512x64xf32, #tpu.memory_space<vmem>> -> memref<64x64xf32, #tpu.memory_space<vmem>>
      tpu.wait_dma2 semaphore(%arg11 : memref<!tpu.dma_semaphore, #tpu.memory_space<semaphore_mem>>) src(%dma_wait3A_1870 : memref<64x64xf32, #tpu.memory_space<vmem>>) dst(%dma_wait3A_1867 : memref<64x64xf32, #tpu.memory_space<hbm>>)
      %jit3A_1871 = arith.constant 8 : i32
      %div3A_1872 = arith.divsi %add3A_972, %jit3A_1871 : i32
      %sign3A_1873 = arith.constant 0 : i32
      %sign3A_1874 = arith.cmpi sgt, %add3A_972, %sign3A_1873 : i32
      %sign3A_1875 = arith.extui %sign3A_1874 : i1 to i32
      %sign3A_1876 = arith.constant 0 : i32
      %sign3A_1877 = arith.cmpi slt, %add3A_972, %sign3A_1876 : i32
      %sign3A_1878 = arith.extui %sign3A_1877 : i1 to i32
      %sign3A_1879 = arith.subi %sign3A_1875, %sign3A_1878 : i32
      %sign3A_1880 = arith.constant 0 : i32
      %sign3A_1881 = arith.cmpi sgt, %jit3A_1871, %sign3A_1880 : i32
      %sign3A_1882 = arith.extui %sign3A_1881 : i1 to i32
      %sign3A_1883 = arith.constant 0 : i32
      %sign3A_1884 = arith.cmpi slt, %jit3A_1871, %sign3A_1883 : i32
      %sign3A_1885 = arith.extui %sign3A_1884 : i1 to i32
      %sign3A_1886 = arith.subi %sign3A_1882, %sign3A_1885 : i32
      %ne3A_1887 = arith.cmpi ne, %sign3A_1879, %sign3A_1886 : i32
      %rem3A_1888 = arith.remsi %add3A_972, %jit3A_1871 : i32
      %ne3A_1889 = arith.constant 0 : i32
      %ne3A_1890 = arith.cmpi ne, %rem3A_1888, %ne3A_1889 : i32
      %and3A_1891 = arith.andi %ne3A_1887, %ne3A_1890 : i1
      %sub3A_1892 = arith.constant 1 : i32
      %sub3A_1893 = arith.subi %div3A_1872, %sub3A_1892 : i32
      %select_n3A_1894 = arith.select %and3A_1891, %sub3A_1893, %div3A_1872 : i32
      %jit3A_1895 = arith.constant 8 : i32
      %eq3A_1896 = arith.constant 0 : i32
      %eq3A_1897 = arith.cmpi eq, %jit3A_1895, %eq3A_1896 : i32
      %jit3A_1898 = arith.constant 1 : i32
      %select_n3A_1899 = arith.select %eq3A_1897, %jit3A_1898, %jit3A_1895 : i32
      %rem3A_1900 = arith.remsi %add3A_972, %select_n3A_1899 : i32
      %ne3A_1901 = arith.constant 0 : i32
      %ne3A_1902 = arith.cmpi ne, %rem3A_1900, %ne3A_1901 : i32
      %lt3A_1903 = arith.constant 0 : i32
      %lt3A_1904 = arith.cmpi slt, %rem3A_1900, %lt3A_1903 : i32
      %lt3A_1905 = arith.constant 0 : i32
      %lt3A_1906 = arith.cmpi slt, %select_n3A_1899, %lt3A_1905 : i32
      %ne3A_1907 = arith.xori %lt3A_1904, %lt3A_1906 : i1
      %and3A_1908 = arith.andi %ne3A_1907, %ne3A_1902 : i1
      %add3A_1909 = arith.addi %rem3A_1900, %select_n3A_1899 : i32
      %select_n3A_1910 = arith.select %and3A_1908, %add3A_1909, %rem3A_1900 : i32
      %mul3A_1911 = arith.constant 8 : i32
      %mul3A_1912 = arith.muli %add3A, %mul3A_1911 : i32
      %add3A_1913 = arith.addi %mul3A_1912, %select_n3A_1910 : i32
      %mul3A_1914 = arith.constant 64 : i32
      %mul3A_1915 = arith.muli %add3A_1913, %mul3A_1914 : i32
      %mul3A_1916 = arith.constant 8 : i32
      %mul3A_1917 = arith.muli %select_n3A_1894, %mul3A_1916 : i32
      %add3A_1918 = arith.constant 7 : i32
      %add3A_1919 = arith.addi %mul3A_1917, %add3A_1918 : i32
      %mul3A_1920 = arith.constant 128 : i32
      %mul3A_1921 = arith.muli %add3A_1919, %mul3A_1920 : i32
      %dma_wait3A_1922 = arith.constant 448 : i32
      %dma_wait3A_1923 = arith.constant 0 : i32
      %dma_wait3A_1924 = tpu.memref_slice %arg8[%dma_wait3A_1922, %dma_wait3A_1923] : memref<512x64xf32, #tpu.memory_space<vmem>> -> memref<64x64xf32, #tpu.memory_space<vmem>>
      %dma_wait3A_1925 = tpu.memref_slice %arg4[%mul3A_1915, %mul3A_1921] : memref<16384x7168xf32, #tpu.memory_space<hbm>> -> memref<64x64xf32, #tpu.memory_space<hbm>>
      %dma_wait3A_1926 = tpu.memref_slice %arg4[%mul3A_1915, %mul3A_1921] : memref<16384x7168xf32, #tpu.memory_space<hbm>> -> memref<64x64xf32, #tpu.memory_space<hbm>>
      %dma_wait3A_1927 = arith.constant 448 : i32
      %dma_wait3A_1928 = arith.constant 0 : i32
      %dma_wait3A_1929 = tpu.memref_slice %arg8[%dma_wait3A_1927, %dma_wait3A_1928] : memref<512x64xf32, #tpu.memory_space<vmem>> -> memref<64x64xf32, #tpu.memory_space<vmem>>
      tpu.wait_dma2 semaphore(%arg11 : memref<!tpu.dma_semaphore, #tpu.memory_space<semaphore_mem>>) src(%dma_wait3A_1929 : memref<64x64xf32, #tpu.memory_space<vmem>>) dst(%dma_wait3A_1926 : memref<64x64xf32, #tpu.memory_space<hbm>>)
    }
    %scan3A_19 = arith.constant 28 : i32
    return
  }
}

</mosaic_0001>

<sc_bundles>
// kernel: _sc_gather.3.cloned.1.call-start
scs
__scs_entry_jumppad:
0x0: {  	(pc) =	sbr.rel $0x88, $3  }
0x1: {  	(tag) =	ssettag $0x0;
	lr =	simm.s32 $0x1  }
0x2: {  	[smem:$0x3F9F] =	sst lr;
	_ =	strace $0xD0000000  }
0x3: {  	_ = 	snop  }
0x4: {  	_ = 	snop  }
0x5: {  	_ = 	snop  }
0x6: {  	_ = 	snop  }
0x7: {  	_ = 	snop  }
__scs_overlays_trampoline_lowered:
0x8: {  	[smem:$0x3FAE] =	sst s0  }
0x9: {  	[smem:$0x3FAF] =	sst s1  }
0xa: {  	[smem:$0x3FB0] =	sst s2  }
0xb: {  	[smem:$0x3FB1] =	sst s3  }
0xc: {  	[smem:$0x3FB2] =	sst s4  }
0xd: {  	[smem:$0x3FB3] =	sst s5  }
0xe: {  	[smem:$0x3FB4] =	sst s6  }
0xf: {  	[smem:$0x3FB5] =	sst s7  }
0x10: {  	[smem:$0x3FB6] =	sst s8  }
0x11: {  	[smem:$0x3FB7] =	sst s9;
	s0 =	simm.s32 @!p0 $0x0  }
0x12: {  	s1 =	sld [smem:$0x3F9D];
	s0 =	simm.s32 @p0 $0x1  }
0x13: {  	[smem:$0x3FB8] =	sst s0;
	s0 =	simm.s32 @!p1 $0x0  }
0x14: {  	s2 =	sld [smem:$0x3F9C];
	s0 =	simm.s32 @p1 $0x1  }
0x15: {  	[smem:$0x3FB9] =	sst s0;
	s0 =	simm.s32 @!p2 $0x0  }
0x16: {  	s3 =	sld [smem:$0x3FDB];
	s0 =	simm.s32 @p2 $0x1  }
0x17: {  	s4 =	simm.s32 $0x1BF5;
	[smem:$0x3FBB] =	sst s0  }
0x18: {  	s0 =	sld [smem:$0x3F9E];
	_ =	swait.ge [sflag:s4], $0x0  }
0x19: {  	s7 =	sld [smem:$0x3F9F]  }
0x1a: {  	s8 =	sadd.s32 $0xFFFFE003, lr  }
0x1b: {  	s9 =	sadd.s32 $0xFFFFFEF7, lr;
	s5 =	simm.s32 $0xFFFFFFFF;
	p2 =	slt.u32 s8, $0xFFFFF086  }
0x1c: {  	p1 =	slt.u32 s9, $0xF7A;
	s5 =	simm.s32 @!p2 $0x0  }
0x1d: {  	s5 =	simm.s32 @p1 $0x1;
	p0 =	seq.s32 s7, s2  }
0x1e: {  	s7 =	smul.u32 @!p0 $0xF7A, s2;
	p2 =	seq.s32 @!p0 s5, $0x0  }
0x1f: {  	s9 =	smul.u32 $0xF7A, s1;
	s8 =	simm.s32 @!p0 $0x1BF5;
	p2 =	por !p2, p0  }
0x20: {  	[sflag:s8] =	ssyncset.s32 @!p0 $0xFFFFF086;
	s6 =	sadd.s32 @!p0 s3, s7;
	s7 =	simm.s32 @!p0 $0x108  }
0x21: {  	s3 =	sadd.s32 s3, s9;
	s6 =	sadd.s32 @!p0 $0x88, s6;
	s7 =	simm.s32 @p2 $0x1082  }
0x22: {  	[simem:s7], [sflag:s8] =	dma.local @!p0 [hbm:s6], $0xF7A  }
0x23: {  	s9 =	sor.u32 $0xD0000000, s2;
	s6 =	simm.s32 $0x108;
	_ =	swait.ge @!p0 [sflag:s8], $0x0  }
0x24: {  	s3 =	sadd.s32 $0x88, s3;
	s6 =	simm.s32 @!p1 $0x1082;
	[sflag:s4] =	ssyncset.s32 $0xFFFFF086  }
0x25: {  	[simem:s6], [sflag:s4] =	dma.local [hbm:s3], $0xF7A  }
0x26: {  	[smem:$0x3F9F] =	sst s1;
	(tag) =	ssettag s2;
	_ =	strace s9  }
0x27: {  	s1 =	sld [smem:$0x3FAF]  }
0x28: {  	s2 =	sld [smem:$0x3FB0]  }
0x29: {  	s4 =	sld [smem:$0x3FB2]  }
0x2a: {  	p0 =	seq.s32 s5, $0x0;
	s5 =	sld [smem:$0x3FB3]  }
0x2b: {  	s6 =	sld [smem:$0x3FB4]  }
0x2c: {  	s7 =	sld [smem:$0x3FB5]  }
0x2d: {  	s3 =	simm.s32 $0x108;
	s8 =	sld [smem:$0x3FB6]  }
0x2e: {  	s3 =	simm.s32 @!p0 $0x1082;
	s9 =	sld [smem:$0x3FB7]  }
0x2f: {  	lr =	sadd.s32 s0, s3;
	s0 =	sld [smem:$0x3FAE]  }
0x30: {  	s3 =	sld [smem:$0x3FB1]  }
0x31: {  	[smem:$0x3FBA] =	sst s10  }
0x32: {  	s10 =	sld [smem:$0x3FB8];
	_ =	sdelay $0x3  }
0x33: {  	p0 =	seq.s32 s10, $0x1;
	s10 =	sld [smem:$0x3FBA];
	_ =	sdelay $0x3  }
0x34: {  	[smem:$0x3FBA] =	sst s10  }
0x35: {  	s10 =	sld [smem:$0x3FB9];
	_ =	sdelay $0x3  }
0x36: {  	p1 =	seq.s32 s10, $0x1;
	s10 =	sld [smem:$0x3FBA];
	_ =	sdelay $0x3  }
0x37: {  	[smem:$0x3FBA] =	sst s10  }
0x38: {  	s10 =	sld [smem:$0x3FBB]  }
0x39: {  	_ = 	snop;
	(pc) =	sbr.ind lr, $3  }
0x3a: {  	_ = 	snop  }
0x3b: {  	_ = 	snop  }
0x3c: {  	p2 =	seq.s32 s10, $0x1;
	s10 =	sld [smem:$0x3FBA]  }
0x3d: {  	_ =	shalt  }
0x3e: {  	_ =	shalt  }
0x3f: {  	_ =	shalt  }
0x40: {  	_ =	shalt  }
0x41: {  	_ =	shalt  }
0x42: {  	_ =	shalt  }
0x43: {  	_ =	shalt  }
0x44: {  	_ =	shalt  }
0x45: {  	_ =	shalt  }
0x46: {  	_ =	shalt  }
0x47: {  	_ =	shalt  }
0x48: {  	_ =	shalt  }
0x49: {  	_ =	shalt  }
0x4a: {  	_ =	shalt  }
0x4b: {  	_ =	shalt  }
0x4c: {  	_ =	shalt  }
0x4d: {  	_ =	shalt  }
0x4e: {  	_ =	shalt  }
0x4f: {  	_ =	shalt  }
0x50: {  	_ =	shalt  }
0x51: {  	_ =	shalt  }
0x52: {  	_ =	shalt  }
0x53: {  	_ =	shalt  }
0x54: {  	_ =	shalt  }
0x55: {  	_ =	shalt  }
0x56: {  	_ =	shalt  }
0x57: {  	_ =	shalt  }
0x58: {  	_ =	shalt  }
0x59: {  	_ =	shalt  }
0x5a: {  	_ =	shalt  }
0x5b: {  	_ =	shalt  }
0x5c: {  	_ =	shalt  }
0x5d: {  	_ =	shalt  }
0x5e: {  	_ =	shalt  }
0x5f: {  	_ =	shalt  }
0x60: {  	_ =	shalt  }
0x61: {  	_ =	shalt  }
0x62: {  	_ =	shalt  }
0x63: {  	_ =	shalt  }
0x64: {  	_ =	shalt  }
0x65: {  	_ =	shalt  }
0x66: {  	_ =	shalt  }
0x67: {  	_ =	shalt  }
0x68: {  	_ =	shalt  }
0x69: {  	_ =	shalt  }
0x6a: {  	_ =	shalt  }
0x6b: {  	_ =	shalt  }
0x6c: {  	_ =	shalt  }
0x6d: {  	_ =	shalt  }
0x6e: {  	_ =	shalt  }
0x6f: {  	_ =	shalt  }
0x70: {  	_ =	shalt  }
0x71: {  	_ =	shalt  }
0x72: {  	_ =	shalt  }
0x73: {  	_ =	shalt  }
0x74: {  	_ =	shalt  }
0x75: {  	_ =	shalt  }
0x76: {  	_ =	shalt  }
0x77: {  	_ =	shalt  }
0x78: {  	_ =	shalt  }
0x79: {  	_ =	shalt  }
0x7a: {  	_ =	shalt  }
0x7b: {  	_ =	shalt  }
0x7c: {  	_ =	shalt  }
0x7d: {  	_ =	shalt  }
0x7e: {  	_ =	shalt  }
0x7f: {  	_ =	shalt  }
0x80: {  	_ =	shalt  }
0x81: {  	_ =	shalt  }
0x82: {  	_ =	shalt  }
0x83: {  	_ =	shalt  }
0x84: {  	_ =	shalt  }
0x85: {  	_ =	shalt  }
0x86: {  	_ =	shalt  }
0x87: {  	_ =	shalt  }
.Lfunc_end0:
.L_simem_size_0:
called_computation_lowered:
.L_overlay_start_0:
0x88: {  	s2 =	sld [smem:$0x3FD9]  }
0x89: {  	s3 =	sld [smem:$0x3FFE];
	_ =	sdelay $0x1  }
0x8a: {  	s1 =	srdreg.scid  }
0x8b: {  	s0 =	sand.u32 $0x1, s1  }
0x8c: {  	s17 =	sshll.u32 s0, $0xA;
	s2 =	sadd.s32 s3, s2  }
0x8d: {  	s2 =	sadd.s32 s2, s17  }
0x8e: {  	[smem:$0x3FC6] =	sst s2  }
0x8f: {  	_ = 	snop  }
0x90: {  	s2 =	sld [smem:$0x3FD0];
	(tm) =	ssettm $0x1  }
0x91: {  	s18 =	sld [smem:$0x3FFB];
	_ =	sdelay $0x3  }
0x92: {  	_ =	strace s18  }
0x93: {  	s3 =	sld [smem:$0x3FFC];
	_ =	sdelay $0x3  }
0x94: {  	_ =	strace s3  }
0x95: {  	s3 =	sld [smem:$0x3FFD];
	_ =	sdelay $0x3  }
0x96: {  	_ =	strace s3  }
0x97: {  	_ =	strace $0x8FFFFFFF  }
0x98: {  	s19 =	sld [smem:$0x3FDB];
	_ =	sdelay $0x1  }
0x99: {  	s4 =	simm.s32 $_scs_section_size  }
0x9a: {  	s5 =	simm.s32 $_size__tile_overlayer_lowered;
	s6 =	simm.s32 $_tile_overlayer_lowered  }
0x9b: {  	s22 =	simm.s32 $0x1BFF;
	s21 =	sshll.u32 s6, $0x1;
	s3 =	sadd.s32 s4, s19  }
0x9c: {  	s7 =	simm.s32 $0x0;
	s20 =	sshll.u32 s5, $0x1;
	s5 =	sadd.s32 s21, s3  }
0x9d: {  	[timem:s7], [sflag:s22] =	dma.local [hbm:s5], s20  }
0x9e: {  	_ =	swait.ge [sflag:s22], s20  }
0x9f: {  	s4 =	ssub.s32 $0x0, s20;
	[sflag:s22] =	ssyncset.done $0x0  }
0xa0: {  	[sflag:s22] =	ssyncadd.s32 s4;
	_ =	sdelay $0x1  }
0xa1: {  	s23 =	simm.s32 $0x1B8B  }
0xa2: {  	_ =	swait.ge [sflag:s23], $0x1  }
0xa3: {  	[sflag:s23] =	ssyncset.done $0x0  }
0xa4: {  	s25 =	simm.s32 $0x1B8E;
	s24 =	sld [smem:$0x3FFE];
	[sflag:s23] =	ssyncadd.s32 $0xFFFFFFFF  }
0xa5: {  	s26 =	simm.s32 $execute0_lowered;
	[smem:$0x3FD2] =	sst s25  }
0xa6: {  	s5 =	sshll.u32 s26, $0x1;
	_ =	strace $0x80000046;
	[dreg:$0x1] =	wrdreg $0xFFFFFFFF  }
0xa7: {  	s28 =	simm.s32 $_size_execute0_lowered;
	s3 =	sadd.s32 s3, s5;
	[dreg:$0x0] =	wrdreg $0x0  }
0xa8: {  	s5 =	sshll.u32 s28, $0x1;
	[dreg:$0x2] =	wrdreg s3  }
0xa9: {  	[dreg:$0x3] =	wrdreg s5  }
0xaa: {  	[dreg:$0x4] =	wrdreg $0xC0  }
0xab: {  	_ =	task [dreg:s7], $0x5FFFF  }
0xac: {  	[dreg:$0x1] =	wrdreg $0xFFFFFFFF  }
0xad: {  	[dreg:$0x0] =	wrdreg $0x60  }
0xae: {  	[dreg:$0x2] =	wrdreg s24  }
0xaf: {  	[dreg:$0x3] =	wrdreg s2  }
0xb0: {  	[dreg:$0x4] =	wrdreg $0x9  }
0xb1: {  	_ =	task.clear_ibuf [dreg:s7], $0x5FFFF;
	_ =	strace $0x90000046  }
0xb2: {  	s29 =	simm.s32 $0x9;
	_ =	strace $0x80000048  }
0xb3: {  	_ =	swait.ge [sflag:s29], $0x1  }
0xb4: {  	[sflag:s29] =	ssyncadd.s32 $0xFFFFFFFF  }
0xb5: {  	_ =	strace $0x90000048  }
0xb6: {  	_ =	sfence  }
0xb7: {  	s30 =	sld [smem:$0x0];
	_ =	sdelay $0x2  }
0xb8: {  	s31 =	sshll.u32 s1, $0xD;
	s1 =	sshrl.u32 s1, $0x2  }
0xb9: {  	s3 =	sand.u32 $0x4000, s31;
	s1 =	sadd.s32 s1, s30  }
0xba: {  	s0 =	sor.u32 s3, s0;
	s1 =	sshll.u32 s1, $0x11  }
0xbb: {  	s0 =	sor.u32 s1, s0  }
0xbc: {  	s0 =	sadd.s32 $0x8F2B, s0  }
0xbd: {  	[sflag:s0] =	ssyncadd.remote.s32 $0x1  }
0xbe: {  	_ =	sfence.sel $0xFFFF  }
0xbf: {  	[dreg:$0x0] =	wrdreg $0xFFFFFFFF;
	(pc) =	sbr.abs _section_cstart, $3  }
0xc0: {  	[dreg:$0x1] =	wrdreg $0xFFFFFFFF  }
0xc1: {  	_ =	task.clear_ibuf [dreg:s7], $0x2FFFF;
	_ =	strace $0x9FFFFFFF  }
0xc2: {  	(tm) =	ssettm $0x7FFFFFFF  }
0xc3: {  	_ =	shalt  }
tec
execute0_lowered:
.L_overlay_start_1:
0x0: {  	(tag) =	ssettag $0x1  }
0x1: {  	s0 =	rddreg [dreg:$0x0]  }
0x2: {  	s8 =	rddreg [dreg:$0x1];
	s14 =	simm.s32 $0x0  }
0x3: {  	s16 =	simm.s32 $0xE400;
	[smem:$0x7FF] =	sst s14  }
0x4: {  	s18 =	simm.s32 $0xF400;
	_ =	strace $0x80000047;
	[dreg:$0x3] =	wrdreg s16  }
0x5: {  	s19 =	simm.s32 $0x10400;
	[dreg:$0x4] =	wrdreg s18  }
0x6: {  	s20 =	simm.s32 $0x11400;
	[dreg:$0x5] =	wrdreg s19  }
0x7: {  	s21 =	simm.s32 $0x12400;
	[dreg:$0x6] =	wrdreg s20  }
0x8: {  	s1 =	srdreg.scid;
	s22 =	simm.s32 $0x13400;
	[dreg:$0x7] =	wrdreg s21  }
0x9: {  	s2 =	stileid.u32;
	s23 =	simm.s32 $0x14400;
	[dreg:$0x8] =	wrdreg s22  }
0xa: {  	s12 =	simm.s32 $0x200;
	s24 =	simm.s32 $0x16400;
	[dreg:$0x9] =	wrdreg s23  }
0xb: {  	s13 =	simm.s32 $0xD400;
	s25 =	simm.s32 $0x17400;
	[dreg:$0xa] =	wrdreg s24  }
0xc: {  	s26 =	simm.s32 $0x18400;
	s28 =	simm.s32 $0x19400;
	[dreg:$0xb] =	wrdreg s25  }
0xd: {  	s29 =	simm.s32 $0x1A400;
	s30 =	simm.s32 $0x1B400;
	[dreg:$0xc] =	wrdreg s26  }
0xe: {  	s31 =	simm.s32 $0x1C400;
	s10 =	simm.s32 $0x2;
	[dreg:$0xd] =	wrdreg s28  }
0xf: {  	s1 =	sand.u32 $0x1, s1;
	s4 =	sshll.u32 s2, $0x1;
	[dreg:$0xe] =	wrdreg s29  }
0x10: {  	s14 =	simm.s32 $0x15400;
	s5 =	sor.u32 s1, s4;
	[dreg:$0xf] =	wrdreg s30  }
0x11: {  	s1 =	ssub.s32 $0x2, s1;
	s16 =	simm.s32 $0x1C00;
	[dreg:$0x10] =	wrdreg s31  }
0x12: {  	s18 =	simm.s32 $0x1;
	s4 =	sshll.u32 s5, $0x6;
	s7 =	sshrl.u32 s1, $0x1  }
0x13: {  	s6 =	sadd.s32 s4, s0;
	s4 =	sadd.s32 $0x19400, s0;
	s15 =	ssub.s32 s1, s7  }
0x14: {  	s7 =	simm.s32 $0x1;
	s1 =	simm.s32 $0x0;
	s17 =	sadd.s32 $0x400, s6  }
0x15: {  	s6 =	sshll.u32 s5, $0x3;
	s0 =	smax.u32 s15, $0x1;
	[dreg:$0x11] =	wrdreg s17  }
0x16: {  	s15 =	simm.s32 $0x40;
	[dreg:$0x12] =	wrdreg s0;
	s17 =	simm.s32 $0x3  }
.LBB2_1:
0x17: {  	s2 =	simm.s32 $0x0;
	s0 =	rddreg [dreg:$0x11];
	s3 =	simm.s32 $0x4000  }
0x18: {  	[tilespmem:s2], [sflag:$0x4] =	stream.strided.gather [hbm4b:s0+s12], $0x6400, s3, s12, $0x38;
	[tilespmem:$0x1D400] =	vst v63  }
0x19: {  	[dreg:$0x13] =	wrdreg s1;
	s0 =	sand.u32 $0x38, s2;
	s3 =	simm.s32 $0x4  }
0x1a: {  	_ =	swait.ge [sflag:s3], $0x6400;
	s5 =	smin.u32 s0, $0x31  }
0x1b: {  	s21 =	sand.u32 $0x1C0, s2;
	[sflag:s3] =	ssyncset.done $0x0;
	s1 =	sshll.u32 s5, $0x9  }
0x1c: {  	[sflag:s3] =	ssyncadd.s32 $0xFFFF9C00;
	s5 =	sor.u32 s21, s1  }
0x1d: {  	v0 =	vld [tilespmem:s5+$0x0];
	_ =	sdelay $0x3  }
0x1e: {  	s20 =	simm.s32 $0x6500;
	s22 =	sor.u32 $0x10, s21  }
0x1f: {  	s9 =	sor.u32 s22, s1;
	[tilespmem:s20+$0xFFFFFF00] =	vst v0  }
0x20: {  	v0 =	vld [tilespmem:s9+$0x0];
	_ =	sdelay $0x3  }
0x21: {  	s23 =	sor.u32 $0x20, s21  }
0x22: {  	s11 =	sor.u32 s23, s1;
	[tilespmem:s20+$0xFFFFFF10] =	vst v0  }
0x23: {  	v0 =	vld [tilespmem:s11+$0x0];
	_ =	sdelay $0x3  }
0x24: {  	s24 =	sor.u32 $0x30, s21  }
0x25: {  	s1 =	sor.u32 s24, s1;
	[tilespmem:s20+$0xFFFFFF20] =	vst v0  }
0x26: {  	v0 =	vld [tilespmem:s1+$0x0];
	_ =	sdelay $0x1  }
0x27: {  	s19 =	sor.u32 $0x1, s0  }
0x28: {  	s1 =	smin.u32 s19, $0x31  }
0x29: {  	s1 =	sshll.u32 s1, $0x9  }
0x2a: {  	s25 =	sor.u32 s21, s1;
	[tilespmem:s20+$0xFFFFFF30] =	vst v0  }
0x2b: {  	v0 =	vld [tilespmem:s25+$0x0];
	_ =	sdelay $0x4  }
0x2c: {  	s26 =	sor.u32 s22, s1;
	[tilespmem:s20+$0xFFFFFF40] =	vst v0  }
0x2d: {  	v0 =	vld [tilespmem:s26+$0x0];
	_ =	sdelay $0x4  }
0x2e: {  	s28 =	sor.u32 s23, s1;
	[tilespmem:s20+$0xFFFFFF50] =	vst v0  }
0x2f: {  	v0 =	vld [tilespmem:s28+$0x0];
	_ =	sdelay $0x4  }
0x30: {  	s1 =	sor.u32 s24, s1;
	[tilespmem:s20+$0xFFFFFF60] =	vst v0  }
0x31: {  	v0 =	vld [tilespmem:s1+$0x0];
	_ =	sdelay $0x1  }
0x32: {  	s29 =	sor.u32 $0x2, s0  }
0x33: {  	s1 =	smin.u32 s29, $0x31  }
0x34: {  	s1 =	sshll.u32 s1, $0x9  }
0x35: {  	s30 =	sor.u32 s21, s1;
	[tilespmem:s20+$0xFFFFFF70] =	vst v0  }
0x36: {  	v0 =	vld [tilespmem:s30+$0x0];
	_ =	sdelay $0x4  }
0x37: {  	s31 =	sor.u32 s22, s1;
	[tilespmem:s20+$0xFFFFFF80] =	vst v0  }
0x38: {  	v0 =	vld [tilespmem:s31+$0x0];
	_ =	sdelay $0x4  }
0x39: {  	s3 =	sor.u32 s23, s1;
	[tilespmem:s20+$0xFFFFFF90] =	vst v0  }
0x3a: {  	v0 =	vld [tilespmem:s3+$0x0];
	_ =	sdelay $0x4  }
0x3b: {  	s1 =	sor.u32 s24, s1;
	[tilespmem:s20+$0xFFFFFFA0] =	vst v0  }
0x3c: {  	v0 =	vld [tilespmem:s1+$0x0];
	_ =	sdelay $0x1  }
0x3d: {  	s9 =	sor.u32 $0x3, s0  }
0x3e: {  	s1 =	smin.u32 s9, $0x31  }
0x3f: {  	s1 =	sshll.u32 s1, $0x9  }
0x40: {  	s11 =	sor.u32 s21, s1;
	[tilespmem:s20+$0xFFFFFFB0] =	vst v0  }
0x41: {  	v0 =	vld [tilespmem:s11+$0x0];
	_ =	sdelay $0x4  }
0x42: {  	s19 =	sor.u32 s22, s1;
	[tilespmem:s20+$0xFFFFFFC0] =	vst v0  }
0x43: {  	v0 =	vld [tilespmem:s19+$0x0];
	_ =	sdelay $0x4  }
0x44: {  	s25 =	sor.u32 s23, s1;
	[tilespmem:s20+$0xFFFFFFD0] =	vst v0  }
0x45: {  	v0 =	vld [tilespmem:s25+$0x0];
	_ =	sdelay $0x4  }
0x46: {  	s1 =	sor.u32 s24, s1;
	[tilespmem:s20+$0xFFFFFFE0] =	vst v0  }
0x47: {  	v0 =	vld [tilespmem:s1+$0x0];
	_ =	sdelay $0x1  }
0x48: {  	s26 =	sor.u32 $0x4, s0  }
0x49: {  	s1 =	smin.u32 s26, $0x31  }
0x4a: {  	s1 =	sshll.u32 s1, $0x9  }
0x4b: {  	s28 =	sor.u32 s21, s1;
	[tilespmem:s20+$0xFFFFFFF0] =	vst v0  }
0x4c: {  	v0 =	vld [tilespmem:s28+$0x0];
	_ =	sdelay $0x4  }
0x4d: {  	s29 =	sor.u32 s22, s1;
	[tilespmem:s20+$0x0] =	vst v0  }
0x4e: {  	v0 =	vld [tilespmem:s29+$0x0];
	_ =	sdelay $0x4  }
0x4f: {  	s30 =	sor.u32 s23, s1;
	[tilespmem:s20+$0x10] =	vst v0  }
0x50: {  	v0 =	vld [tilespmem:s30+$0x0];
	_ =	sdelay $0x4  }
0x51: {  	s1 =	sor.u32 s24, s1;
	[tilespmem:s20+$0x20] =	vst v0  }
0x52: {  	v0 =	vld [tilespmem:s1+$0x0];
	_ =	sdelay $0x1  }
0x53: {  	s31 =	sor.u32 $0x5, s0  }
0x54: {  	s1 =	smin.u32 s31, $0x31  }
0x55: {  	s1 =	sshll.u32 s1, $0x9  }
0x56: {  	s3 =	sor.u32 s21, s1;
	[tilespmem:s20+$0x30] =	vst v0  }
0x57: {  	v0 =	vld [tilespmem:s3+$0x0];
	_ =	sdelay $0x4  }
0x58: {  	s9 =	sor.u32 s22, s1;
	[tilespmem:s20+$0x40] =	vst v0  }
0x59: {  	v0 =	vld [tilespmem:s9+$0x0];
	_ =	sdelay $0x4  }
0x5a: {  	s11 =	sor.u32 s23, s1;
	[tilespmem:s20+$0x50] =	vst v0  }
0x5b: {  	v0 =	vld [tilespmem:s11+$0x0];
	_ =	sdelay $0x4  }
0x5c: {  	s1 =	sor.u32 s24, s1;
	[tilespmem:s20+$0x60] =	vst v0  }
0x5d: {  	v0 =	vld [tilespmem:s1+$0x0];
	_ =	sdelay $0x1  }
0x5e: {  	s0 =	sor.u32 $0x6, s0  }
0x5f: {  	s0 =	smin.u32 s0, $0x31  }
0x60: {  	s0 =	sshll.u32 s0, $0x9  }
0x61: {  	s19 =	sor.u32 s21, s0;
	[tilespmem:s20+$0x70] =	vst v0  }
0x62: {  	v0 =	vld [tilespmem:s19+$0x0];
	_ =	sdelay $0x4  }
0x63: {  	s25 =	sor.u32 s22, s0;
	[tilespmem:s20+$0x80] =	vst v0  }
0x64: {  	v0 =	vld [tilespmem:s25+$0x0];
	_ =	sdelay $0x4  }
0x65: {  	s26 =	sor.u32 s23, s0;
	[tilespmem:s20+$0x90] =	vst v0  }
0x66: {  	v0 =	vld [tilespmem:s26+$0x0];
	_ =	sdelay $0x4  }
0x67: {  	s0 =	sor.u32 s24, s0;
	[tilespmem:s20+$0xA0] =	vst v0  }
0x68: {  	v0 =	vld [tilespmem:s0+$0x0];
	_ =	sdelay $0x1  }
0x69: {  	s28 =	sor.u32 $0x7, s2  }
0x6a: {  	s0 =	smin.u32 s28, $0x31  }
0x6b: {  	s0 =	sshll.u32 s0, $0x9  }
0x6c: {  	s29 =	sor.u32 s21, s0;
	[tilespmem:s20+$0xB0] =	vst v0  }
0x6d: {  	v0 =	vld [tilespmem:s29+$0x0];
	_ =	sdelay $0x4  }
0x6e: {  	s30 =	sor.u32 s22, s0;
	[tilespmem:s20+$0xC0] =	vst v0  }
0x6f: {  	v0 =	vld [tilespmem:s30+$0x0];
	_ =	sdelay $0x4  }
0x70: {  	s31 =	sor.u32 s23, s0;
	[tilespmem:s20+$0xD0] =	vst v0  }
0x71: {  	v0 =	vld [tilespmem:s31+$0x0];
	_ =	sdelay $0x4  }
0x72: {  	s0 =	sor.u32 s24, s0;
	[tilespmem:s20+$0xE0] =	vst v0  }
0x73: {  	v0 =	vld [tilespmem:s0+$0x0]  }
0x74: {  	s21 =	simm.s32 $0x1  }
0x75: {  	s24 =	simm.s32 $0x2;
	s23 =	simm.s32 $0x0;
	s22 =	sand.u32 $0x38, s21  }
.LBB2_2:
0x76: {  	p0 =	sne.s32 s24, $0x37;
	s0 =	smin.u32 s22, $0x31;
	s23 =	sadd.s32 $0x40, s23  }
0x77: {  	s25 =	sand.u32 $0x1C0, s23;
	s0 =	sshll.u32 s0, $0x9  }
0x78: {  	s1 =	sor.u32 s25, s0;
	[tilespmem:s20+$0xF0] =	vst v0  }
0x79: {  	v0 =	vld [tilespmem:s1+$0x0];
	_ =	sdelay $0x3  }
0x7a: {  	s26 =	sor.u32 $0x10, s25;
	s20 =	sadd.s32 $0x200, s20  }
0x7b: {  	s1 =	sor.u32 s26, s0;
	[tilespmem:s20+$0xFFFFFF00] =	vst v0  }
0x7c: {  	v0 =	vld [tilespmem:s1+$0x0];
	_ =	sdelay $0x3  }
0x7d: {  	s28 =	sor.u32 $0x20, s25  }
0x7e: {  	s1 =	sor.u32 s28, s0;
	[tilespmem:s20+$0xFFFFFF10] =	vst v0  }
0x7f: {  	v0 =	vld [tilespmem:s1+$0x0];
	_ =	sdelay $0x3  }
0x80: {  	s29 =	sor.u32 $0x30, s25  }
0x81: {  	s0 =	sor.u32 s29, s0;
	[tilespmem:s20+$0xFFFFFF20] =	vst v0  }
0x82: {  	v0 =	vld [tilespmem:s0+$0x0];
	_ =	sdelay $0x1  }
0x83: {  	s0 =	sor.u32 $0x1, s22  }
0x84: {  	s0 =	smin.u32 s0, $0x31  }
0x85: {  	s0 =	sshll.u32 s0, $0x9  }
0x86: {  	s1 =	sor.u32 s25, s0;
	[tilespmem:s20+$0xFFFFFF30] =	vst v0  }
0x87: {  	v0 =	vld [tilespmem:s1+$0x0];
	_ =	sdelay $0x4  }
0x88: {  	s1 =	sor.u32 s26, s0;
	[tilespmem:s20+$0xFFFFFF40] =	vst v0  }
0x89: {  	v0 =	vld [tilespmem:s1+$0x0];
	_ =	sdelay $0x4  }
0x8a: {  	s1 =	sor.u32 s28, s0;
	[tilespmem:s20+$0xFFFFFF50] =	vst v0  }
0x8b: {  	v0 =	vld [tilespmem:s1+$0x0];
	_ =	sdelay $0x4  }
0x8c: {  	s0 =	sor.u32 s29, s0;
	[tilespmem:s20+$0xFFFFFF60] =	vst v0  }
0x8d: {  	v0 =	vld [tilespmem:s0+$0x0];
	_ =	sdelay $0x1  }
0x8e: {  	s0 =	sor.u32 $0x2, s22  }
0x8f: {  	s0 =	smin.u32 s0, $0x31  }
0x90: {  	s0 =	sshll.u32 s0, $0x9  }
0x91: {  	s1 =	sor.u32 s25, s0;
	[tilespmem:s20+$0xFFFFFF70] =	vst v0  }
0x92: {  	v0 =	vld [tilespmem:s1+$0x0];
	_ =	sdelay $0x4  }
0x93: {  	s1 =	sor.u32 s26, s0;
	[tilespmem:s20+$0xFFFFFF80] =	vst v0  }
0x94: {  	v0 =	vld [tilespmem:s1+$0x0];
	_ =	sdelay $0x4  }
0x95: {  	s1 =	sor.u32 s28, s0;
	[tilespmem:s20+$0xFFFFFF90] =	vst v0  }
0x96: {  	v0 =	vld [tilespmem:s1+$0x0];
	_ =	sdelay $0x4  }
0x97: {  	s0 =	sor.u32 s29, s0;
	[tilespmem:s20+$0xFFFFFFA0] =	vst v0  }
0x98: {  	v0 =	vld [tilespmem:s0+$0x0];
	_ =	sdelay $0x1  }
0x99: {  	s0 =	sor.u32 $0x3, s22  }
0x9a: {  	s0 =	smin.u32 s0, $0x31  }
0x9b: {  	s0 =	sshll.u32 s0, $0x9  }
0x9c: {  	s1 =	sor.u32 s25, s0;
	[tilespmem:s20+$0xFFFFFFB0] =	vst v0  }
0x9d: {  	v0 =	vld [tilespmem:s1+$0x0];
	_ =	sdelay $0x4  }
0x9e: {  	s1 =	sor.u32 s26, s0;
	[tilespmem:s20+$0xFFFFFFC0] =	vst v0  }
0x9f: {  	v0 =	vld [tilespmem:s1+$0x0];
	_ =	sdelay $0x4  }
0xa0: {  	s1 =	sor.u32 s28, s0;
	[tilespmem:s20+$0xFFFFFFD0] =	vst v0  }
0xa1: {  	v0 =	vld [tilespmem:s1+$0x0];
	_ =	sdelay $0x4  }
0xa2: {  	s0 =	sor.u32 s29, s0;
	[tilespmem:s20+$0xFFFFFFE0] =	vst v0  }
0xa3: {  	v0 =	vld [tilespmem:s0+$0x0];
	_ =	sdelay $0x1  }
0xa4: {  	s0 =	sor.u32 $0x4, s22  }
0xa5: {  	s0 =	smin.u32 s0, $0x31  }
0xa6: {  	s0 =	sshll.u32 s0, $0x9  }
0xa7: {  	s1 =	sor.u32 s25, s0;
	[tilespmem:s20+$0xFFFFFFF0] =	vst v0  }
0xa8: {  	v0 =	vld [tilespmem:s1+$0x0];
	_ =	sdelay $0x4  }
0xa9: {  	s1 =	sor.u32 s26, s0;
	[tilespmem:s20+$0x0] =	vst v0  }
0xaa: {  	v0 =	vld [tilespmem:s1+$0x0];
	_ =	sdelay $0x4  }
0xab: {  	s1 =	sor.u32 s28, s0;
	[tilespmem:s20+$0x10] =	vst v0  }
0xac: {  	v0 =	vld [tilespmem:s1+$0x0];
	_ =	sdelay $0x4  }
0xad: {  	s0 =	sor.u32 s29, s0;
	[tilespmem:s20+$0x20] =	vst v0  }
0xae: {  	v0 =	vld [tilespmem:s0+$0x0];
	_ =	sdelay $0x1  }
0xaf: {  	s0 =	sor.u32 $0x5, s22  }
0xb0: {  	s0 =	smin.u32 s0, $0x31  }
0xb1: {  	s0 =	sshll.u32 s0, $0x9  }
0xb2: {  	s1 =	sor.u32 s25, s0;
	[tilespmem:s20+$0x30] =	vst v0  }
0xb3: {  	v0 =	vld [tilespmem:s1+$0x0];
	_ =	sdelay $0x4  }
0xb4: {  	s1 =	sor.u32 s26, s0;
	[tilespmem:s20+$0x40] =	vst v0  }
0xb5: {  	v0 =	vld [tilespmem:s1+$0x0];
	_ =	sdelay $0x4  }
0xb6: {  	s1 =	sor.u32 s28, s0;
	[tilespmem:s20+$0x50] =	vst v0  }
0xb7: {  	v0 =	vld [tilespmem:s1+$0x0];
	_ =	sdelay $0x4  }
0xb8: {  	s0 =	sor.u32 s29, s0;
	[tilespmem:s20+$0x60] =	vst v0  }
0xb9: {  	v0 =	vld [tilespmem:s0+$0x0];
	_ =	sdelay $0x1  }
0xba: {  	s0 =	sor.u32 $0x6, s22  }
0xbb: {  	s0 =	smin.u32 s0, $0x31  }
0xbc: {  	s0 =	sshll.u32 s0, $0x9  }
0xbd: {  	s1 =	sor.u32 s25, s0;
	[tilespmem:s20+$0x70] =	vst v0  }
0xbe: {  	v0 =	vld [tilespmem:s1+$0x0];
	_ =	sdelay $0x4  }
0xbf: {  	s1 =	sor.u32 s26, s0;
	[tilespmem:s20+$0x80] =	vst v0  }
0xc0: {  	v0 =	vld [tilespmem:s1+$0x0];
	_ =	sdelay $0x4  }
0xc1: {  	s1 =	sor.u32 s28, s0;
	[tilespmem:s20+$0x90] =	vst v0  }
0xc2: {  	v0 =	vld [tilespmem:s1+$0x0];
	_ =	sdelay $0x4  }
0xc3: {  	s0 =	sor.u32 s29, s0;
	[tilespmem:s20+$0xA0] =	vst v0  }
0xc4: {  	v0 =	vld [tilespmem:s0+$0x0];
	_ =	sdelay $0x1  }
0xc5: {  	s0 =	sor.u32 $0x7, s21;
	s21 =	smov.u32 s24  }
0xc6: {  	s0 =	smin.u32 s0, $0x31  }
0xc7: {  	s0 =	sshll.u32 s0, $0x9  }
0xc8: {  	s1 =	sor.u32 s25, s0;
	[tilespmem:s20+$0xB0] =	vst v0  }
0xc9: {  	v0 =	vld [tilespmem:s1+$0x0];
	_ =	sdelay $0x4  }
0xca: {  	s1 =	sor.u32 s26, s0;
	[tilespmem:s20+$0xC0] =	vst v0  }
0xcb: {  	v0 =	vld [tilespmem:s1+$0x0];
	_ =	sdelay $0x4  }
0xcc: {  	s1 =	sor.u32 s28, s0;
	[tilespmem:s20+$0xD0] =	vst v0  }
0xcd: {  	v0 =	vld [tilespmem:s1+$0x0];
	_ =	sdelay $0x3  }
.Ltmp0:
0xce: {  	(pc) =	sbr.rel @p0 .LBB2_2-.Ltmp0, $3  }
0xcf: {  	s0 =	sor.u32 s29, s0;
	[tilespmem:s20+$0xE0] =	vst v0  }
0xd0: {  	v0 =	vld [tilespmem:s0+$0x0];
	_ =	sdelay $0x1  }
0xd1: {  	s24 =	sadd.s32 $0x1, s24;
	s22 =	sand.u32 $0x38, s21  }
0xd2: {  	s0 =	smin.u32 s22, $0x31;
	s1 =	sadd.s32 $0x40, s23  }
0xd3: {  	s23 =	sand.u32 $0x1C0, s1;
	s0 =	sshll.u32 s0, $0x9  }
0xd4: {  	s1 =	sor.u32 s23, s0;
	[tilespmem:s20+$0xF0] =	vst v0  }
0xd5: {  	v0 =	vld [tilespmem:s1+$0x0];
	_ =	sdelay $0x3  }
0xd6: {  	s24 =	sor.u32 $0x10, s23;
	s20 =	sadd.s32 $0x200, s20  }
0xd7: {  	s2 =	sor.u32 s24, s0;
	[tilespmem:s20+$0xFFFFFF00] =	vst v0  }
0xd8: {  	v0 =	vld [tilespmem:s2+$0x0];
	_ =	sdelay $0x3  }
0xd9: {  	s25 =	sor.u32 $0x20, s23  }
0xda: {  	s3 =	sor.u32 s25, s0;
	[tilespmem:s20+$0xFFFFFF10] =	vst v0  }
0xdb: {  	v0 =	vld [tilespmem:s3+$0x0];
	_ =	sdelay $0x3  }
0xdc: {  	s26 =	sor.u32 $0x30, s23  }
0xdd: {  	s0 =	sor.u32 s26, s0;
	[tilespmem:s20+$0xFFFFFF20] =	vst v0  }
0xde: {  	v0 =	vld [tilespmem:s0+$0x0];
	_ =	sdelay $0x1  }
0xdf: {  	s5 =	sor.u32 $0x1, s22  }
0xe0: {  	s0 =	smin.u32 s5, $0x31  }
0xe1: {  	s0 =	sshll.u32 s0, $0x9  }
0xe2: {  	s9 =	sor.u32 s23, s0;
	[tilespmem:s20+$0xFFFFFF30] =	vst v0  }
0xe3: {  	v0 =	vld [tilespmem:s9+$0x0];
	_ =	sdelay $0x4  }
0xe4: {  	s11 =	sor.u32 s24, s0;
	[tilespmem:s20+$0xFFFFFF40] =	vst v0  }
0xe5: {  	v0 =	vld [tilespmem:s11+$0x0];
	_ =	sdelay $0x4  }
0xe6: {  	s19 =	sor.u32 s25, s0;
	[tilespmem:s20+$0xFFFFFF50] =	vst v0  }
0xe7: {  	v0 =	vld [tilespmem:s19+$0x0];
	_ =	sdelay $0x4  }
0xe8: {  	s0 =	sor.u32 s26, s0;
	[tilespmem:s20+$0xFFFFFF60] =	vst v0  }
0xe9: {  	v0 =	vld [tilespmem:s0+$0x0];
	_ =	sdelay $0x1  }
0xea: {  	s28 =	sor.u32 $0x2, s22  }
0xeb: {  	s0 =	smin.u32 s28, $0x31  }
0xec: {  	s0 =	sshll.u32 s0, $0x9  }
0xed: {  	s29 =	sor.u32 s23, s0;
	[tilespmem:s20+$0xFFFFFF70] =	vst v0  }
0xee: {  	v0 =	vld [tilespmem:s29+$0x0];
	_ =	sdelay $0x4  }
0xef: {  	s30 =	sor.u32 s24, s0;
	[tilespmem:s20+$0xFFFFFF80] =	vst v0  }
0xf0: {  	v0 =	vld [tilespmem:s30+$0x0];
	_ =	sdelay $0x4  }
0xf1: {  	s31 =	sor.u32 s25, s0;
	[tilespmem:s20+$0xFFFFFF90] =	vst v0  }
0xf2: {  	v0 =	vld [tilespmem:s31+$0x0];
	_ =	sdelay $0x4  }
0xf3: {  	s0 =	sor.u32 s26, s0;
	[tilespmem:s20+$0xFFFFFFA0] =	vst v0  }
0xf4: {  	v0 =	vld [tilespmem:s0+$0x0];
	_ =	sdelay $0x1  }
0xf5: {  	s1 =	sor.u32 $0x3, s22  }
0xf6: {  	s0 =	smin.u32 s1, $0x31  }
0xf7: {  	s0 =	sshll.u32 s0, $0x9  }
0xf8: {  	s2 =	sor.u32 s23, s0;
	[tilespmem:s20+$0xFFFFFFB0] =	vst v0  }
0xf9: {  	v0 =	vld [tilespmem:s2+$0x0];
	_ =	sdelay $0x4  }
0xfa: {  	s3 =	sor.u32 s24, s0;
	[tilespmem:s20+$0xFFFFFFC0] =	vst v0  }
0xfb: {  	v0 =	vld [tilespmem:s3+$0x0];
	_ =	sdelay $0x4  }
0xfc: {  	s5 =	sor.u32 s25, s0;
	[tilespmem:s20+$0xFFFFFFD0] =	vst v0  }
0xfd: {  	v0 =	vld [tilespmem:s5+$0x0];
	_ =	sdelay $0x4  }
0xfe: {  	s0 =	sor.u32 s26, s0;
	[tilespmem:s20+$0xFFFFFFE0] =	vst v0  }
0xff: {  	v0 =	vld [tilespmem:s0+$0x0];
	_ =	sdelay $0x1  }
0x100: {  	s9 =	sor.u32 $0x4, s22  }
0x101: {  	s0 =	smin.u32 s9, $0x31  }
0x102: {  	s0 =	sshll.u32 s0, $0x9  }
0x103: {  	s11 =	sor.u32 s23, s0;
	[tilespmem:s20+$0xFFFFFFF0] =	vst v0  }
0x104: {  	v0 =	vld [tilespmem:s11+$0x0];
	_ =	sdelay $0x4  }
0x105: {  	s19 =	sor.u32 s24, s0;
	[tilespmem:s20+$0x0] =	vst v0  }
0x106: {  	v0 =	vld [tilespmem:s19+$0x0];
	_ =	sdelay $0x4  }
0x107: {  	s28 =	sor.u32 s25, s0;
	[tilespmem:s20+$0x10] =	vst v0  }
0x108: {  	v0 =	vld [tilespmem:s28+$0x0];
	_ =	sdelay $0x4  }
0x109: {  	s0 =	sor.u32 s26, s0;
	[tilespmem:s20+$0x20] =	vst v0  }
0x10a: {  	v0 =	vld [tilespmem:s0+$0x0];
	_ =	sdelay $0x1  }
0x10b: {  	s29 =	sor.u32 $0x5, s22  }
0x10c: {  	s0 =	smin.u32 s29, $0x31  }
0x10d: {  	s0 =	sshll.u32 s0, $0x9  }
0x10e: {  	s30 =	sor.u32 s23, s0;
	[tilespmem:s20+$0x30] =	vst v0  }
0x10f: {  	v0 =	vld [tilespmem:s30+$0x0];
	_ =	sdelay $0x4  }
0x110: {  	s31 =	sor.u32 s24, s0;
	[tilespmem:s20+$0x40] =	vst v0  }
0x111: {  	v0 =	vld [tilespmem:s31+$0x0];
	_ =	sdelay $0x4  }
0x112: {  	s2 =	sor.u32 s25, s0;
	[tilespmem:s20+$0x50] =	vst v0  }
0x113: {  	v0 =	vld [tilespmem:s2+$0x0];
	_ =	sdelay $0x4  }
0x114: {  	s0 =	sor.u32 s26, s0;
	[tilespmem:s20+$0x60] =	vst v0  }
0x115: {  	v0 =	vld [tilespmem:s0+$0x0];
	_ =	sdelay $0x1  }
0x116: {  	s3 =	sor.u32 $0x6, s22  }
0x117: {  	s0 =	smin.u32 s3, $0x31  }
0x118: {  	s0 =	sshll.u32 s0, $0x9  }
0x119: {  	s5 =	sor.u32 s23, s0;
	[tilespmem:s20+$0x70] =	vst v0  }
0x11a: {  	v0 =	vld [tilespmem:s5+$0x0];
	_ =	sdelay $0x4  }
0x11b: {  	s9 =	sor.u32 s24, s0;
	[tilespmem:s20+$0x80] =	vst v0  }
0x11c: {  	v0 =	vld [tilespmem:s9+$0x0];
	_ =	sdelay $0x4  }
0x11d: {  	s11 =	sor.u32 s25, s0;
	[tilespmem:s20+$0x90] =	vst v0  }
0x11e: {  	v0 =	vld [tilespmem:s11+$0x0];
	_ =	sdelay $0x4  }
0x11f: {  	s0 =	sor.u32 s26, s0;
	[tilespmem:s20+$0xA0] =	vst v0  }
0x120: {  	v0 =	vld [tilespmem:s0+$0x0];
	_ =	sdelay $0x1  }
0x121: {  	s19 =	sor.u32 $0x7, s21  }
0x122: {  	s0 =	smin.u32 s19, $0x31  }
0x123: {  	s0 =	sshll.u32 s0, $0x9  }
0x124: {  	s21 =	sor.u32 s23, s0;
	[tilespmem:s20+$0xB0] =	vst v0  }
0x125: {  	v0 =	vld [tilespmem:s21+$0x0];
	_ =	sdelay $0x4  }
0x126: {  	s22 =	sor.u32 s24, s0;
	[tilespmem:s20+$0xC0] =	vst v0  }
0x127: {  	v0 =	vld [tilespmem:s22+$0x0];
	_ =	sdelay $0x4  }
0x128: {  	s23 =	sor.u32 s25, s0;
	[tilespmem:s20+$0xD0] =	vst v0  }
0x129: {  	v0 =	vld [tilespmem:s23+$0x0];
	_ =	sdelay $0x4  }
0x12a: {  	s0 =	sor.u32 s26, s0;
	[tilespmem:s20+$0xE0] =	vst v0  }
0x12b: {  	v0 =	vld [tilespmem:s0+$0x0];
	_ =	sdelay $0x2  }
0x12c: {  	s5 =	simm.s32 $0x0  }
0x12d: {  	s25 =	sand.u32 $0x6, s5  }
0x12e: {  	s24 =	simm.s32 $0x6400;
	s1 =	sor.u32 s6, s25;
	[tilespmem:s20+$0xF0] =	vst v0  }
0x12f: {  	[tilespmem:s13], [sflag:$0x1] =	stream.indirect.gather [hbm4b:s8+s12], $0x40, s24, s12, $0xb8;
	[tilespmem:$0x1D400] =	vst v63  }
0x130: {  	s9 =	simm.s32 $0x6600;
	s23 =	smul.u32 $0x70000, s1;
	s0 =	sand.u32 $0x1C00, s5  }
0x131: {  	[tilespmem:s14], [sflag:$0x2] =	stream.indirect.gather [hbm4b:s8+s12], $0x40, s9, s12, $0xb8;
	[tilespmem:$0x1D400] =	vst v63  }
0x132: {  	s1 =	sor.u32 $0x80, s0;
	s26 =	sor.u32 s0, s23;
	_ =	swait.ge [sflag:s7], $0x8000  }
0x133: {  	s11 =	sor.u32 s1, s23;
	s9 =	sshrl.u32 s26, $0x3;
	[sflag:s7] =	ssyncset.done $0x0  }
0x134: {  	s11 =	sshrl.u32 s11, $0x3;
	s9 =	sadd.s32 s4, s9;
	[sflag:s7] =	ssyncadd.s32 $0xFFFF8000  }
0x135: {  	[hbm4b:s9+s15] =	stream.strided.scatter [tilespmem:s13], [sflag:$0x3], $0x1000, s16, s15, $0x38;
	[tilespmem:$0x1D400] =	vst v63  }
0x136: {  	s29 =	sadd.s32 s4, s11;
	s28 =	rddreg [dreg:$0x3];
	s9 =	sor.u32 $0x100, s0  }
0x137: {  	[hbm4b:s29+s15] =	stream.strided.scatter [tilespmem:s28], [sflag:$0x3], $0x1000, s16, s15, $0x38;
	[tilespmem:$0x1D400] =	vst v63  }
0x138: {  	s30 =	sor.u32 s9, s23;
	_ =	swait.ge [sflag:s17], $0x1000  }
0x139: {  	s20 =	sor.u32 $0x180, s0;
	s11 =	sshrl.u32 s30, $0x3;
	[sflag:s17] =	ssyncset.done $0x0  }
0x13a: {  	s11 =	sadd.s32 s4, s11;
	s31 =	rddreg [dreg:$0x4];
	[sflag:s17] =	ssyncadd.s32 $0xFFFFF000  }
0x13b: {  	[hbm4b:s11+s15] =	stream.strided.scatter [tilespmem:s31], [sflag:$0x3], $0x1000, s16, s15, $0x38;
	[tilespmem:$0x1D400] =	vst v63  }
0x13c: {  	s2 =	sor.u32 s20, s23;
	_ =	swait.ge [sflag:s17], $0x1000  }
0x13d: {  	s11 =	sshrl.u32 s2, $0x3;
	[sflag:s17] =	ssyncset.done $0x0  }
0x13e: {  	s11 =	sadd.s32 s4, s11;
	s3 =	rddreg [dreg:$0x5];
	[sflag:s17] =	ssyncadd.s32 $0xFFFFF000  }
0x13f: {  	[hbm4b:s11+s15] =	stream.strided.scatter [tilespmem:s3], [sflag:$0x3], $0x1000, s16, s15, $0x38;
	[tilespmem:$0x1D400] =	vst v63  }
0x140: {  	s11 =	sor.u32 $0x200, s0  }
0x141: {  	_ =	swait.ge [sflag:s17], $0x1000;
	s7 =	sor.u32 s11, s23  }
0x142: {  	s21 =	sshrl.u32 s7, $0x3;
	[sflag:s17] =	ssyncset.done $0x0  }
0x143: {  	s19 =	rddreg [dreg:$0x6];
	s21 =	sadd.s32 s4, s21;
	[sflag:s17] =	ssyncadd.s32 $0xFFFFF000  }
0x144: {  	[hbm4b:s21+s15] =	stream.strided.scatter [tilespmem:s19], [sflag:$0x3], $0x1000, s16, s15, $0x38;
	[tilespmem:$0x1D400] =	vst v63  }
0x145: {  	s21 =	sor.u32 $0x280, s0  }
0x146: {  	_ =	swait.ge [sflag:s17], $0x1000;
	s24 =	sor.u32 s21, s23  }
0x147: {  	s22 =	sshrl.u32 s24, $0x3;
	[sflag:s17] =	ssyncset.done $0x0  }
0x148: {  	s25 =	rddreg [dreg:$0x7];
	s22 =	sadd.s32 s4, s22;
	[sflag:s17] =	ssyncadd.s32 $0xFFFFF000  }
0x149: {  	[hbm4b:s22+s15] =	stream.strided.scatter [tilespmem:s25], [sflag:$0x3], $0x1000, s16, s15, $0x38;
	[tilespmem:$0x1D400] =	vst v63  }
0x14a: {  	s22 =	sor.u32 $0x300, s5  }
0x14b: {  	_ =	swait.ge [sflag:s17], $0x1000;
	s26 =	sor.u32 s22, s23  }
0x14c: {  	s5 =	sor.u32 $0x380, s5;
	s24 =	sshrl.u32 s26, $0x3;
	[sflag:s17] =	ssyncset.done $0x0  }
0x14d: {  	s28 =	rddreg [dreg:$0x8];
	s24 =	sadd.s32 s4, s24;
	[sflag:s17] =	ssyncadd.s32 $0xFFFFF000  }
0x14e: {  	[hbm4b:s24+s15] =	stream.strided.scatter [tilespmem:s28], [sflag:$0x3], $0x1000, s16, s15, $0x38;
	[tilespmem:$0x1D400] =	vst v63  }
0x14f: {  	s23 =	sor.u32 s5, s23;
	_ =	swait.ge [sflag:s17], $0x1000  }
0x150: {  	s23 =	sshrl.u32 s23, $0x3;
	[sflag:s17] =	ssyncset.done $0x0  }
0x151: {  	s23 =	sadd.s32 s4, s23;
	s29 =	rddreg [dreg:$0x9];
	[sflag:s17] =	ssyncadd.s32 $0xFFFFF000  }
0x152: {  	[hbm4b:s23+s15] =	stream.strided.scatter [tilespmem:s29], [sflag:$0x3], $0x1000, s16, s15, $0x38;
	[tilespmem:$0x1D400] =	vst v63  }
0x153: {  	_ =	swait.ge [sflag:s17], $0x1000  }
0x154: {  	[sflag:s17] =	ssyncset.done $0x0  }
0x155: {  	p0 =	por $0x0, $0x0;
	s30 =	simm.s32 $0x1;
	[sflag:s17] =	ssyncadd.s32 $0xFFFFF000  }
0x156: {  	s25 =	simm.s32 @!p0 $0x200;
	s23 =	sand.u32 $0x7, s30;
	_ =	swait.ge [sflag:s17], $0x1000  }
0x157: {  	s26 =	simm.s32 @!p0 $0xD400;
	s23 =	sor.u32 s6, s23;
	[sflag:s17] =	ssyncset.done $0x0  }
0x158: {  	s24 =	simm.s32 $0x6800;
	s23 =	smul.u32 $0x70000, s23;
	[sflag:s17] =	ssyncadd.s32 $0xFFFFF000  }
0x159: {  	[tilespmem:s26], [sflag:$0x1] =	stream.indirect.gather @!p0 [hbm4b:s8+s25], $0x40, s24, s25, $0xb8;
	[tilespmem:$0x1D400] =	vst v63  }
0x15a: {  	s0 =	sor.u32 s0, s23;
	_ =	swait.ge [sflag:s10], $0x8000  }
0x15b: {  	s1 =	sor.u32 s1, s23;
	s0 =	sshrl.u32 s0, $0x3;
	[sflag:s10] =	ssyncset.done $0x0  }
0x15c: {  	s1 =	sshrl.u32 s1, $0x3;
	s0 =	sadd.s32 s4, s0;
	[sflag:s10] =	ssyncadd.s32 $0xFFFF8000  }
0x15d: {  	[hbm4b:s0+s15] =	stream.strided.scatter [tilespmem:s14], [sflag:$0x3], $0x1000, s16, s15, $0x38;
	[tilespmem:$0x1D400] =	vst v63  }
0x15e: {  	s2 =	sadd.s32 s4, s1;
	s31 =	rddreg [dreg:$0xa]  }
0x15f: {  	[hbm4b:s2+s15] =	stream.strided.scatter [tilespmem:s31], [sflag:$0x3], $0x1000, s16, s15, $0x38;
	[tilespmem:$0x1D400] =	vst v63  }
0x160: {  	s30 =	simm.s32 $0x3;
	s3 =	sor.u32 s9, s23;
	_ =	swait.ge [sflag:s17], $0x1000  }
0x161: {  	s9 =	sor.u32 s20, s23;
	s0 =	sshrl.u32 s3, $0x3;
	[sflag:s17] =	ssyncset.done $0x0  }
0x162: {  	s0 =	sadd.s32 s4, s0;
	s7 =	rddreg [dreg:$0xb];
	[sflag:s17] =	ssyncadd.s32 $0xFFFFF000  }
0x163: {  	[hbm4b:s0+s15] =	stream.strided.scatter [tilespmem:s7], [sflag:$0x3], $0x1000, s16, s15, $0x38;
	[tilespmem:$0x1D400] =	vst v63  }
0x164: {  	s19 =	sor.u32 s11, s23;
	s21 =	sor.u32 s21, s23;
	_ =	swait.ge [sflag:s17], $0x1000  }
0x165: {  	s28 =	sor.u32 s5, s23;
	s0 =	sshrl.u32 s9, $0x3;
	[sflag:s17] =	ssyncset.done $0x0  }
0x166: {  	s0 =	sadd.s32 s4, s0;
	s10 =	rddreg [dreg:$0xc];
	[sflag:s17] =	ssyncadd.s32 $0xFFFFF000  }
0x167: {  	[hbm4b:s0+s15] =	stream.strided.scatter [tilespmem:s10], [sflag:$0x3], $0x1000, s16, s15, $0x38;
	[tilespmem:$0x1D400] =	vst v63  }
0x168: {  	s1 =	sshrl.u32 s28, $0x3;
	s25 =	sor.u32 s22, s23;
	_ =	swait.ge [sflag:s17], $0x1000  }
0x169: {  	s23 =	simm.s32 $0x4;
	s0 =	sshrl.u32 s19, $0x3;
	[sflag:s17] =	ssyncset.done $0x0  }
0x16a: {  	s0 =	sadd.s32 s4, s0;
	s20 =	rddreg [dreg:$0xd];
	[sflag:s17] =	ssyncadd.s32 $0xFFFFF000  }
0x16b: {  	[hbm4b:s0+s15] =	stream.strided.scatter [tilespmem:s20], [sflag:$0x3], $0x1000, s16, s15, $0x38;
	[tilespmem:$0x1D400] =	vst v63  }
0x16c: {  	s22 =	simm.s32 $0x100;
	s26 =	sshrl.u32 s25, $0x3;
	_ =	swait.ge [sflag:s17], $0x1000  }
0x16d: {  	s20 =	simm.s32 $0x2;
	s0 =	sshrl.u32 s21, $0x3;
	[sflag:s17] =	ssyncset.done $0x0  }
0x16e: {  	s0 =	sadd.s32 s4, s0;
	s24 =	rddreg [dreg:$0xe];
	[sflag:s17] =	ssyncadd.s32 $0xFFFFF000  }
0x16f: {  	[hbm4b:s0+s15] =	stream.strided.scatter [tilespmem:s24], [sflag:$0x3], $0x1000, s16, s15, $0x38;
	[tilespmem:$0x1D400] =	vst v63  }
0x170: {  	s25 =	sadd.s32 s4, s1;
	s31 =	sand.u32 $0x6, s20;
	_ =	swait.ge [sflag:s17], $0x1000  }
0x171: {  	s21 =	simm.s32 $0x6C00;
	s1 =	sor.u32 s6, s31;
	[sflag:s17] =	ssyncset.done $0x0  }
0x172: {  	s0 =	sadd.s32 s4, s26;
	s29 =	rddreg [dreg:$0xf];
	[sflag:s17] =	ssyncadd.s32 $0xFFFFF000  }
0x173: {  	[hbm4b:s0+s15] =	stream.strided.scatter [tilespmem:s29], [sflag:$0x3], $0x1000, s16, s15, $0x38;
	[tilespmem:$0x1D400] =	vst v63  }
0x174: {  	s26 =	sand.u32 $0x1C00, s22;
	s24 =	sor.u32 $0x380, s22;
	_ =	swait.ge [sflag:s17], $0x1000  }
0x175: {  	s0 =	sand.u32 $0x7, s30;
	s5 =	rddreg [dreg:$0x10];
	[sflag:s17] =	ssyncset.done $0x0  }
.LBB2_4:
0x176: {  	[sflag:s17] =	ssyncadd.s32 $0xFFFFF000  }
0x177: {  	[hbm4b:s25+s15] =	stream.strided.scatter [tilespmem:s5], [sflag:$0x3], $0x1000, s16, s15, $0x38;
	[tilespmem:$0x1D400] =	vst v63  }
0x178: {  	_ =	swait.ge [sflag:s17], $0x1000  }
0x179: {  	[sflag:s17] =	ssyncset.done $0x0  }
0x17a: {  	[sflag:s17] =	ssyncadd.s32 $0xFFFFF000  }
0x17b: {  	_ =	swait.ge [sflag:s17], $0x1000  }
0x17c: {  	s1 =	smul.u32 $0x70000, s1;
	s29 =	sor.u32 $0x180, s26;
	[sflag:s17] =	ssyncset.done $0x0  }
0x17d: {  	s30 =	sor.u32 $0x80, s26;
	s2 =	sadd.s32 $0xFFFFFE00, s21;
	[sflag:s17] =	ssyncadd.s32 $0xFFFFF000  }
0x17e: {  	[tilespmem:s14], [sflag:$0x2] =	stream.indirect.gather [hbm4b:s8+s12], $0x40, s2, s12, $0xb8;
	[tilespmem:$0x1D400] =	vst v63  }
0x17f: {  	s25 =	sor.u32 $0x100, s26;
	s19 =	sor.u32 s26, s1;
	_ =	swait.ge [sflag:s18], $0x8000  }
0x180: {  	s31 =	sor.u32 s30, s1;
	s9 =	sshrl.u32 s19, $0x3;
	[sflag:s18] =	ssyncset.done $0x0  }
0x181: {  	s11 =	sshrl.u32 s31, $0x3;
	s9 =	sadd.s32 s4, s9;
	[sflag:s18] =	ssyncadd.s32 $0xFFFF8000  }
0x182: {  	[hbm4b:s9+s15] =	stream.strided.scatter [tilespmem:s13], [sflag:$0x3], $0x1000, s16, s15, $0x38;
	[tilespmem:$0x1D400] =	vst v63  }
0x183: {  	s11 =	sadd.s32 s4, s11;
	s14 =	smov.u32 s8;
	s8 =	rddreg [dreg:$0x3]  }
0x184: {  	[hbm4b:s11+s15] =	stream.strided.scatter [tilespmem:s8], [sflag:$0x3], $0x1000, s16, s15, $0x38;
	[tilespmem:$0x1D400] =	vst v63  }
0x185: {  	s7 =	sor.u32 s25, s1;
	s2 =	sor.u32 s24, s1;
	_ =	swait.ge [sflag:s17], $0x1000  }
0x186: {  	s7 =	sshrl.u32 s7, $0x3;
	s11 =	sshrl.u32 s2, $0x3;
	[sflag:s17] =	ssyncset.done $0x0  }
0x187: {  	s2 =	sadd.s32 s4, s7;
	s8 =	rddreg [dreg:$0x4];
	[sflag:s17] =	ssyncadd.s32 $0xFFFFF000  }
0x188: {  	[hbm4b:s2+s15] =	stream.strided.scatter [tilespmem:s8], [sflag:$0x3], $0x1000, s16, s15, $0x38;
	[tilespmem:$0x1D400] =	vst v63  }
0x189: {  	s10 =	sor.u32 s29, s1;
	_ =	swait.ge [sflag:s17], $0x1000  }
0x18a: {  	s31 =	sor.u32 $0x200, s26;
	s7 =	sshrl.u32 s10, $0x3;
	[sflag:s17] =	ssyncset.done $0x0  }
0x18b: {  	s2 =	sadd.s32 s4, s7;
	s7 =	rddreg [dreg:$0x5];
	[sflag:s17] =	ssyncadd.s32 $0xFFFFF000  }
0x18c: {  	[hbm4b:s2+s15] =	stream.strided.scatter [tilespmem:s7], [sflag:$0x3], $0x1000, s16, s15, $0x38;
	[tilespmem:$0x1D400] =	vst v63  }
0x18d: {  	s19 =	sor.u32 s31, s1;
	_ =	swait.ge [sflag:s17], $0x1000  }
0x18e: {  	s3 =	sor.u32 $0x280, s26;
	s7 =	sshrl.u32 s19, $0x3;
	[sflag:s17] =	ssyncset.done $0x0  }
0x18f: {  	s2 =	sadd.s32 s4, s7;
	s19 =	rddreg [dreg:$0x6];
	[sflag:s17] =	ssyncadd.s32 $0xFFFFF000  }
0x190: {  	[hbm4b:s2+s15] =	stream.strided.scatter [tilespmem:s19], [sflag:$0x3], $0x1000, s16, s15, $0x38;
	[tilespmem:$0x1D400] =	vst v63  }
0x191: {  	s5 =	sor.u32 s3, s1;
	_ =	swait.ge [sflag:s17], $0x1000  }
0x192: {  	s12 =	sor.u32 $0x300, s22;
	s7 =	sshrl.u32 s5, $0x3;
	[sflag:s17] =	ssyncset.done $0x0  }
0x193: {  	s2 =	sadd.s32 s4, s7;
	s19 =	rddreg [dreg:$0x7];
	[sflag:s17] =	ssyncadd.s32 $0xFFFFF000  }
0x194: {  	[hbm4b:s2+s15] =	stream.strided.scatter [tilespmem:s19], [sflag:$0x3], $0x1000, s16, s15, $0x38;
	[tilespmem:$0x1D400] =	vst v63  }
0x195: {  	s1 =	sor.u32 s12, s1;
	_ =	swait.ge [sflag:s17], $0x1000  }
0x196: {  	s1 =	sshrl.u32 s1, $0x3;
	[sflag:s17] =	ssyncset.done $0x0  }
0x197: {  	s1 =	sadd.s32 s4, s1;
	s5 =	rddreg [dreg:$0x8];
	[sflag:s17] =	ssyncadd.s32 $0xFFFFF000  }
0x198: {  	[hbm4b:s1+s15] =	stream.strided.scatter [tilespmem:s5], [sflag:$0x3], $0x1000, s16, s15, $0x38;
	[tilespmem:$0x1D400] =	vst v63  }
0x199: {  	_ =	swait.ge [sflag:s17], $0x1000  }
0x19a: {  	s0 =	sor.u32 s6, s0;
	[sflag:s17] =	ssyncset.done $0x0  }
0x19b: {  	s7 =	sadd.s32 s4, s11;
	s11 =	rddreg [dreg:$0x9];
	[sflag:s17] =	ssyncadd.s32 $0xFFFFF000  }
0x19c: {  	[hbm4b:s7+s15] =	stream.strided.scatter [tilespmem:s11], [sflag:$0x3], $0x1000, s16, s15, $0x38;
	[tilespmem:$0x1D400] =	vst v63  }
0x19d: {  	s13 =	smul.u32 $0x70000, s0;
	_ =	swait.ge [sflag:s17], $0x1000  }
0x19e: {  	s28 =	smov.u32 s23;
	p1 =	seq.s32 s20, $0x36;
	[sflag:s17] =	ssyncset.done $0x0  }
0x19f: {  	s20 =	smov.u32 s28;
	s0 =	sor.u32 s26, s13;
	[sflag:s17] =	ssyncadd.s32 $0xFFFFF000  }
0x1a0: {  	s3 =	sor.u32 s3, s13;
	s10 =	simm.s32 $0x2;
	_ =	swait.ge [sflag:s17], $0x1000  }
0x1a1: {  	s9 =	sshrl.u32 s0, $0x3;
	s8 =	smov.u32 s14;
	[sflag:s17] =	ssyncset.done $0x0  }
0x1a2: {  	s2 =	simm.s32 @!p1 $0xD400;
	s1 =	simm.s32 @!p1 $0x200;
	[sflag:s17] =	ssyncadd.s32 $0xFFFFF000  }
0x1a3: {  	[tilespmem:s2], [sflag:$0x1] =	stream.indirect.gather @!p1 [hbm4b:s8+s1], $0x40, s21, s1, $0xb8;
	[tilespmem:$0x1D400] =	vst v63  }
0x1a4: {  	s0 =	sor.u32 s30, s13;
	s30 =	sor.u32 s25, s13;
	_ =	swait.ge [sflag:s10], $0x8000  }
0x1a5: {  	s25 =	sor.u32 s31, s13;
	s0 =	sshrl.u32 s0, $0x3;
	[sflag:s10] =	ssyncset.done $0x0  }
0x1a6: {  	s14 =	simm.s32 $0x15400;
	s19 =	sadd.s32 s4, s9;
	[sflag:s10] =	ssyncadd.s32 $0xFFFF8000  }
0x1a7: {  	[hbm4b:s19+s15] =	stream.strided.scatter [tilespmem:s14], [sflag:$0x3], $0x1000, s16, s15, $0x38;
	[tilespmem:$0x1D400] =	vst v63  }
0x1a8: {  	s31 =	sshrl.u32 s30, $0x3;
	s0 =	sadd.s32 s4, s0;
	s28 =	rddreg [dreg:$0xa]  }
0x1a9: {  	[hbm4b:s0+s15] =	stream.strided.scatter [tilespmem:s28], [sflag:$0x3], $0x1000, s16, s15, $0x38;
	[tilespmem:$0x1D400] =	vst v63  }
0x1aa: {  	s30 =	sor.u32 s29, s13;
	s29 =	sshrl.u32 s25, $0x3;
	_ =	swait.ge [sflag:s17], $0x1000  }
0x1ab: {  	s25 =	sor.u32 s24, s13;
	s24 =	sshrl.u32 s3, $0x3;
	[sflag:s17] =	ssyncset.done $0x0  }
0x1ac: {  	s2 =	sadd.s32 s4, s31;
	s3 =	rddreg [dreg:$0xb];
	[sflag:s17] =	ssyncadd.s32 $0xFFFFF000  }
0x1ad: {  	[hbm4b:s2+s15] =	stream.strided.scatter [tilespmem:s3], [sflag:$0x3], $0x1000, s16, s15, $0x38;
	[tilespmem:$0x1D400] =	vst v63  }
0x1ae: {  	s23 =	sadd.s32 $0x2, s23;
	_ =	swait.ge [sflag:s17], $0x1000  }
0x1af: {  	p0 =	sne.s32 s23, $0x38;
	s5 =	sshrl.u32 s30, $0x3;
	[sflag:s17] =	ssyncset.done $0x0  }
0x1b0: {  	s0 =	sadd.s32 s4, s5;
	s7 =	rddreg [dreg:$0xc];
	[sflag:s17] =	ssyncadd.s32 $0xFFFFF000  }
0x1b1: {  	[hbm4b:s0+s15] =	stream.strided.scatter [tilespmem:s7], [sflag:$0x3], $0x1000, s16, s15, $0x38;
	[tilespmem:$0x1D400] =	vst v63  }
0x1b2: {  	s22 =	sadd.s32 $0x100, s22;
	s26 =	sor.u32 s12, s13;
	_ =	swait.ge [sflag:s17], $0x1000  }
0x1b3: {  	s12 =	simm.s32 $0x200;
	s26 =	sshrl.u32 s26, $0x3;
	[sflag:s17] =	ssyncset.done $0x0  }
0x1b4: {  	s9 =	sadd.s32 s4, s29;
	s11 =	rddreg [dreg:$0xd];
	[sflag:s17] =	ssyncadd.s32 $0xFFFFF000  }
0x1b5: {  	[hbm4b:s9+s15] =	stream.strided.scatter [tilespmem:s11], [sflag:$0x3], $0x1000, s16, s15, $0x38;
	[tilespmem:$0x1D400] =	vst v63  }
0x1b6: {  	s13 =	simm.s32 $0xD400;
	s25 =	sshrl.u32 s25, $0x3;
	_ =	swait.ge [sflag:s17], $0x1000  }
0x1b7: {  	s25 =	sadd.s32 s4, s25;
	s29 =	sadd.s32 s4, s26;
	[sflag:s17] =	ssyncset.done $0x0  }
0x1b8: {  	s19 =	sadd.s32 s4, s24;
	s24 =	rddreg [dreg:$0xe];
	[sflag:s17] =	ssyncadd.s32 $0xFFFFF000  }
0x1b9: {  	[hbm4b:s19+s15] =	stream.strided.scatter [tilespmem:s24], [sflag:$0x3], $0x1000, s16, s15, $0x38;
	[tilespmem:$0x1D400] =	vst v63  }
0x1ba: {  	s26 =	sand.u32 $0x1C00, s22;
	s30 =	sadd.s32 $0x1, s20;
	_ =	swait.ge [sflag:s17], $0x1000  }
.Ltmp1:
0x1bb: {  	s21 =	sadd.s32 $0x400, s21;
	[sflag:s17] =	ssyncset.done $0x0;
	(pc) =	sbr.rel @p0 .LBB2_4-.Ltmp1, $4  }
0x1bc: {  	s31 =	sand.u32 $0x6, s20;
	s28 =	rddreg [dreg:$0xf];
	[sflag:s17] =	ssyncadd.s32 $0xFFFFF000  }
0x1bd: {  	[hbm4b:s29+s15] =	stream.strided.scatter [tilespmem:s28], [sflag:$0x3], $0x1000, s16, s15, $0x38;
	[tilespmem:$0x1D400] =	vst v63  }
0x1be: {  	s1 =	sor.u32 s6, s31;
	s0 =	sand.u32 $0x7, s30;
	_ =	swait.ge [sflag:s17], $0x1000  }
0x1bf: {  	s24 =	sor.u32 $0x380, s22;
	s5 =	rddreg [dreg:$0x10];
	[sflag:s17] =	ssyncset.done $0x0  }
0x1c0: {  	[sflag:s17] =	ssyncadd.s32 $0xFFFFF000  }
0x1c1: {  	[hbm4b:s25+s15] =	stream.strided.scatter [tilespmem:s5], [sflag:$0x3], $0x1000, s16, s15, $0x38;
	[tilespmem:$0x1D400] =	vst v63  }
0x1c2: {  	_ =	swait.ge [sflag:s17], $0x1000  }
0x1c3: {  	[sflag:s17] =	ssyncset.done $0x0  }
0x1c4: {  	[sflag:s17] =	ssyncadd.s32 $0xFFFFF000  }
0x1c5: {  	_ =	swait.ge [sflag:s17], $0x1000  }
0x1c6: {  	[sflag:s17] =	ssyncset.done $0x0  }
0x1c7: {  	s28 =	smul.u32 $0x70000, s1;
	s2 =	sadd.s32 $0xFFFFFE00, s21;
	[sflag:s17] =	ssyncadd.s32 $0xFFFFF000  }
0x1c8: {  	[tilespmem:s14], [sflag:$0x2] =	stream.indirect.gather [hbm4b:s8+s12], $0x40, s2, s12, $0xb8;
	[tilespmem:$0x1D400] =	vst v63  }
0x1c9: {  	s1 =	sor.u32 $0x80, s26;
	s7 =	sor.u32 s26, s28;
	_ =	swait.ge [sflag:s18], $0x8000  }
0x1ca: {  	s3 =	sor.u32 s1, s28;
	s2 =	sshrl.u32 s7, $0x3;
	[sflag:s18] =	ssyncset.done $0x0  }
0x1cb: {  	s3 =	sshrl.u32 s3, $0x3;
	s2 =	sadd.s32 s4, s2;
	[sflag:s18] =	ssyncadd.s32 $0xFFFF8000  }
0x1cc: {  	[hbm4b:s2+s15] =	stream.strided.scatter [tilespmem:s13], [sflag:$0x3], $0x1000, s16, s15, $0x38;
	[tilespmem:$0x1D400] =	vst v63  }
0x1cd: {  	s11 =	sadd.s32 s4, s3;
	s9 =	rddreg [dreg:$0x3]  }
0x1ce: {  	[hbm4b:s11+s15] =	stream.strided.scatter [tilespmem:s9], [sflag:$0x3], $0x1000, s16, s15, $0x38;
	[tilespmem:$0x1D400] =	vst v63  }
0x1cf: {  	s9 =	sor.u32 $0x100, s26  }
0x1d0: {  	_ =	swait.ge [sflag:s17], $0x1000;
	s19 =	sor.u32 s9, s28  }
0x1d1: {  	s11 =	sor.u32 $0x180, s26;
	s2 =	sshrl.u32 s19, $0x3;
	[sflag:s17] =	ssyncset.done $0x0  }
0x1d2: {  	s23 =	rddreg [dreg:$0x4];
	s2 =	sadd.s32 s4, s2;
	[sflag:s17] =	ssyncadd.s32 $0xFFFFF000  }
0x1d3: {  	[hbm4b:s2+s15] =	stream.strided.scatter [tilespmem:s23], [sflag:$0x3], $0x1000, s16, s15, $0x38;
	[tilespmem:$0x1D400] =	vst v63  }
0x1d4: {  	s25 =	sor.u32 s11, s28;
	_ =	swait.ge [sflag:s17], $0x1000  }
0x1d5: {  	s2 =	sshrl.u32 s25, $0x3;
	s23 =	sor.u32 $0x200, s26;
	[sflag:s17] =	ssyncset.done $0x0  }
0x1d6: {  	s2 =	sadd.s32 s4, s2;
	s29 =	rddreg [dreg:$0x5];
	[sflag:s17] =	ssyncadd.s32 $0xFFFFF000  }
0x1d7: {  	[hbm4b:s2+s15] =	stream.strided.scatter [tilespmem:s29], [sflag:$0x3], $0x1000, s16, s15, $0x38;
	[tilespmem:$0x1D400] =	vst v63  }
0x1d8: {  	s30 =	sor.u32 s23, s28;
	_ =	swait.ge [sflag:s17], $0x1000  }
0x1d9: {  	s25 =	sor.u32 $0x280, s26;
	s2 =	sshrl.u32 s30, $0x3;
	[sflag:s17] =	ssyncset.done $0x0  }
0x1da: {  	s2 =	sadd.s32 s4, s2;
	s31 =	rddreg [dreg:$0x6];
	[sflag:s17] =	ssyncadd.s32 $0xFFFFF000  }
0x1db: {  	[hbm4b:s2+s15] =	stream.strided.scatter [tilespmem:s31], [sflag:$0x3], $0x1000, s16, s15, $0x38;
	[tilespmem:$0x1D400] =	vst v63  }
0x1dc: {  	s5 =	sor.u32 s25, s28;
	_ =	swait.ge [sflag:s17], $0x1000  }
0x1dd: {  	s2 =	sshrl.u32 s5, $0x3;
	s5 =	sor.u32 $0x300, s22;
	[sflag:s17] =	ssyncset.done $0x0  }
0x1de: {  	s2 =	sadd.s32 s4, s2;
	s7 =	rddreg [dreg:$0x7];
	[sflag:s17] =	ssyncadd.s32 $0xFFFFF000  }
0x1df: {  	[hbm4b:s2+s15] =	stream.strided.scatter [tilespmem:s7], [sflag:$0x3], $0x1000, s16, s15, $0x38;
	[tilespmem:$0x1D400] =	vst v63  }
0x1e0: {  	s19 =	sor.u32 s5, s28;
	_ =	swait.ge [sflag:s17], $0x1000  }
0x1e1: {  	s2 =	sshrl.u32 s19, $0x3;
	[sflag:s17] =	ssyncset.done $0x0  }
0x1e2: {  	s2 =	sadd.s32 s4, s2;
	s22 =	rddreg [dreg:$0x8];
	[sflag:s17] =	ssyncadd.s32 $0xFFFFF000  }
0x1e3: {  	[hbm4b:s2+s15] =	stream.strided.scatter [tilespmem:s22], [sflag:$0x3], $0x1000, s16, s15, $0x38;
	[tilespmem:$0x1D400] =	vst v63  }
0x1e4: {  	s29 =	sor.u32 s24, s28;
	_ =	swait.ge [sflag:s17], $0x1000  }
0x1e5: {  	s2 =	sshrl.u32 s29, $0x3;
	[sflag:s17] =	ssyncset.done $0x0  }
0x1e6: {  	s2 =	sadd.s32 s4, s2;
	s30 =	rddreg [dreg:$0x9];
	[sflag:s17] =	ssyncadd.s32 $0xFFFFF000  }
0x1e7: {  	[hbm4b:s2+s15] =	stream.strided.scatter [tilespmem:s30], [sflag:$0x3], $0x1000, s16, s15, $0x38;
	[tilespmem:$0x1D400] =	vst v63  }
0x1e8: {  	_ =	swait.ge [sflag:s17], $0x1000  }
0x1e9: {  	[sflag:s17] =	ssyncset.done $0x0  }
0x1ea: {  	[sflag:s17] =	ssyncadd.s32 $0xFFFFF000  }
0x1eb: {  	s0 =	sor.u32 s6, s0;
	_ =	swait.ge [sflag:s17], $0x1000  }
0x1ec: {  	p0 =	seq.s32 s20, $0x36;
	s0 =	smul.u32 $0x70000, s0;
	[sflag:s17] =	ssyncset.done $0x0  }
0x1ed: {  	s3 =	simm.s32 @!p0 $0xD400;
	s2 =	simm.s32 @!p0 $0x200;
	[sflag:s17] =	ssyncadd.s32 $0xFFFFF000  }
0x1ee: {  	[tilespmem:s3], [sflag:$0x1] =	stream.indirect.gather @!p0 [hbm4b:s8+s2], $0x40, s21, s2, $0xb8;
	[tilespmem:$0x1D400] =	vst v63  }
0x1ef: {  	s31 =	sor.u32 s26, s0;
	_ =	swait.ge [sflag:s10], $0x8000  }
0x1f0: {  	s1 =	sor.u32 s1, s0;
	s2 =	sshrl.u32 s31, $0x3;
	[sflag:s10] =	ssyncset.done $0x0  }
0x1f1: {  	s1 =	sshrl.u32 s1, $0x3;
	s2 =	sadd.s32 s4, s2;
	[sflag:s10] =	ssyncadd.s32 $0xFFFF8000  }
0x1f2: {  	[hbm4b:s2+s15] =	stream.strided.scatter [tilespmem:s14], [sflag:$0x3], $0x1000, s16, s15, $0x38;
	[tilespmem:$0x1D400] =	vst v63  }
0x1f3: {  	s1 =	sadd.s32 s4, s1;
	s3 =	rddreg [dreg:$0xa]  }
0x1f4: {  	[hbm4b:s1+s15] =	stream.strided.scatter [tilespmem:s3], [sflag:$0x3], $0x1000, s16, s15, $0x38;
	[tilespmem:$0x1D400] =	vst v63  }
0x1f5: {  	s7 =	sor.u32 s9, s0;
	_ =	swait.ge [sflag:s17], $0x1000  }
0x1f6: {  	s1 =	sshrl.u32 s7, $0x3;
	[sflag:s17] =	ssyncset.done $0x0  }
0x1f7: {  	s1 =	sadd.s32 s4, s1;
	s9 =	rddreg [dreg:$0xb];
	[sflag:s17] =	ssyncadd.s32 $0xFFFFF000  }
0x1f8: {  	[hbm4b:s1+s15] =	stream.strided.scatter [tilespmem:s9], [sflag:$0x3], $0x1000, s16, s15, $0x38;
	[tilespmem:$0x1D400] =	vst v63  }
0x1f9: {  	s19 =	sor.u32 s11, s0;
	_ =	swait.ge [sflag:s17], $0x1000  }
0x1fa: {  	s1 =	sshrl.u32 s19, $0x3;
	[sflag:s17] =	ssyncset.done $0x0  }
0x1fb: {  	s1 =	sadd.s32 s4, s1;
	s20 =	rddreg [dreg:$0xc];
	[sflag:s17] =	ssyncadd.s32 $0xFFFFF000  }
0x1fc: {  	[hbm4b:s1+s15] =	stream.strided.scatter [tilespmem:s20], [sflag:$0x3], $0x1000, s16, s15, $0x38;
	[tilespmem:$0x1D400] =	vst v63  }
0x1fd: {  	s21 =	sor.u32 s23, s0;
	_ =	swait.ge [sflag:s17], $0x1000  }
0x1fe: {  	s1 =	sshrl.u32 s21, $0x3;
	[sflag:s17] =	ssyncset.done $0x0  }
0x1ff: {  	s1 =	sadd.s32 s4, s1;
	s22 =	rddreg [dreg:$0xd];
	[sflag:s17] =	ssyncadd.s32 $0xFFFFF000  }
0x200: {  	[hbm4b:s1+s15] =	stream.strided.scatter [tilespmem:s22], [sflag:$0x3], $0x1000, s16, s15, $0x38;
	[tilespmem:$0x1D400] =	vst v63  }
0x201: {  	s23 =	sor.u32 s25, s0;
	_ =	swait.ge [sflag:s17], $0x1000  }
0x202: {  	s1 =	sshrl.u32 s23, $0x3;
	[sflag:s17] =	ssyncset.done $0x0  }
0x203: {  	s1 =	sadd.s32 s4, s1;
	s25 =	rddreg [dreg:$0xe];
	[sflag:s17] =	ssyncadd.s32 $0xFFFFF000  }
0x204: {  	[hbm4b:s1+s15] =	stream.strided.scatter [tilespmem:s25], [sflag:$0x3], $0x1000, s16, s15, $0x38;
	[tilespmem:$0x1D400] =	vst v63  }
0x205: {  	s26 =	sor.u32 s5, s0;
	_ =	swait.ge [sflag:s17], $0x1000  }
0x206: {  	s1 =	sshrl.u32 s26, $0x3;
	[sflag:s17] =	ssyncset.done $0x0  }
0x207: {  	s1 =	sadd.s32 s4, s1;
	s28 =	rddreg [dreg:$0xf];
	[sflag:s17] =	ssyncadd.s32 $0xFFFFF000  }
0x208: {  	[hbm4b:s1+s15] =	stream.strided.scatter [tilespmem:s28], [sflag:$0x3], $0x1000, s16, s15, $0x38;
	[tilespmem:$0x1D400] =	vst v63  }
0x209: {  	s0 =	sor.u32 s24, s0;
	_ =	swait.ge [sflag:s17], $0x1000  }
0x20a: {  	s0 =	sshrl.u32 s0, $0x3;
	[sflag:s17] =	ssyncset.done $0x0  }
0x20b: {  	s0 =	sadd.s32 s4, s0;
	s29 =	rddreg [dreg:$0x10];
	[sflag:s17] =	ssyncadd.s32 $0xFFFFF000  }
0x20c: {  	[hbm4b:s0+s15] =	stream.strided.scatter [tilespmem:s29], [sflag:$0x3], $0x1000, s16, s15, $0x38;
	[tilespmem:$0x1D400] =	vst v63  }
0x20d: {  	_ =	swait.ge [sflag:s17], $0x1000  }
0x20e: {  	[sflag:s17] =	ssyncset.done $0x0  }
0x20f: {  	[sflag:s17] =	ssyncadd.s32 $0xFFFFF000  }
0x210: {  	_ =	swait.ge [sflag:s17], $0x1000  }
0x211: {  	s30 =	rddreg [dreg:$0x13]  }
0x212: {  	s31 =	rddreg [dreg:$0x12];
	s1 =	sadd.s32 $0x1, s30  }
0x213: {  	p0 =	sne.s32 s1, s31  }
.Ltmp2:
0x214: {  	_ = 	snop;
	(pc) =	sbr.rel @p0 .LBB2_1-.Ltmp2, $3  }
0x215: {  	_ =	sdelay $0x1  }
0x216: {  	[sflag:s17] =	ssyncset.done $0x0  }
0x217: {  	s7 =	simm.s32 $0x1;
	[sflag:s17] =	ssyncadd.s32 $0xFFFFF000  }
0x218: {  	_ =	sfence.sel $0x180000  }
0x219: {  	[bflag:$0x0] =	sbarrier.arrive $0xFFFF  }
0x21a: {  	_ =	strace $0x90000047  }
0x21b: {  	s0 =	stileid.u32;
	[bflag:$0x2] =	sbarrier.arrive $0xFFFF  }
0x21c: {  	p0 =	sne.s32 s0, $0x0;
	s0 =	rddreg [dreg:$0x2]  }
0x21d: {  	s0 =	sadd.s32 @!p0 $0x100000, s0  }
0x21e: {  	[sflag:s0] =	ssyncadd.tile.s32 @!p0 $0x1;
	_ =	shalt  }
.Lfunc_end2:
_tile_overlayer_lowered:
.L_overlay_start_2:
0x21f: {  	(tag) =	ssettag $0x2  }
0x220: {  	s0 =	rddreg [dreg:$0x0];
	s2 =	stileid.u32  }
0x221: {  	s1 =	rddreg [dreg:$0x1];
	p0 =	sne.s32 s2, $0x0  }
0x222: {  	s3 =	rddreg [dreg:$0x2];
	[bflag:$0x3] =	sbarrier.arrive $0xFFFF;
	s2 =	simm.s32 @!p0 $0x1C04  }
0x223: {  	[timem:s3], [sflag:s2] =	dma.local @!p0 [hbm:s0], s1  }
0x224: {  	s0 =	simm.s32 @!p0 $0x4  }
0x225: {  	_ =	swait.ge @!p0 [sflag:s0], s1  }
0x226: {  	s1 =	ssub.s32 @!p0 $0x0, s1;
	[sflag:s0] =	ssyncset.done @!p0 $0x0  }
0x227: {  	[sflag:s0] =	ssyncadd.s32 @!p0 s1  }
0x228: {  	[bflag:$0x3] =	sbarrier.arrive $0xFFFF  }
0x229: {  	_ =	shalt  }

</sc_bundles>
